<compile_context>
chip_gen: v7x
topology: tpu7x:2x2x1
jax: 0.10.2.dev20260603
libtpu: 0.0.44.dev20260713+nightly
codegen_flags: <defaults>
</compile_context>

<pallas_src>
import jax
import jax.numpy as jnp
from jax import lax
from jax.experimental import pallas as pl
from jax.experimental.pallas import tpu as pltpu
from jax.experimental.pallas import tpu_sc as plsc

N = 32
A = 32
H = 6
W = 72
LP = 80
L = 16
NS = 16
SPT = 2

_INF = float("inf")

_LN_COEF = (
    3.342326871519e-08, 1.000003098647e+00, -5.000129330593e-01,
    3.330481239502e-01, -2.491121064548e-01, 2.061178523966e-01,
    -1.862769732529e-01, 1.144843545237e-01,
)
_LN2 = 0.6931471805599453
_SQRT2 = 1.4142135623730951


def _vlog(x):
    bits = plsc.bitcast(x, jnp.int32)
    e = ((bits >> 23) & 0xFF) - 127
    m = plsc.bitcast((bits & 0x007FFFFF) | 0x3F800000, jnp.float32)
    big = m > _SQRT2
    m = jnp.where(big, m * 0.5, m)
    ef = e.astype(jnp.float32) + jnp.where(big, 1.0, 0.0)
    t = m - 1.0
    p = jnp.full((L,), _LN_COEF[-1], dtype=jnp.float32)
    for c in _LN_COEF[-2::-1]:
        p = p * t + c
    return ef * _LN2 + p


def _body(cls_ref, point_ref, label_ref, out_ref,
          pp_v, lab_v, ce_v, row_v, red_sh, red_v, out_v, *sems):
    sid = lax.axis_index("s")
    lane = lax.iota(jnp.int32, L)
    zero16 = lane * 0
    idx_a0 = lane
    idx_a1 = lane + L

    copies = []
    for j in range(SPT):
        n = sid * SPT + j
        copies.append(pltpu.async_copy(
            point_ref.at[n], pp_v.at[j], sems[3 * j]))
        copies.append(pltpu.async_copy(
            label_ref.at[n], lab_v.at[j], sems[3 * j + 1]))
        copies.append(pltpu.async_copy(
            cls_ref.at[n], ce_v.at[j], sems[3 * j + 2]))
    for c in copies:
        c.wait()

    def w_step(w, accs):
        wv = jnp.broadcast_to(w, (L,))
        out = []
        for j in range(SPT):
            p0 = plsc.load_gather(pp_v.at[j], [idx_a0, wv])
            p1 = plsc.load_gather(pp_v.at[j], [idx_a1, wv])
            for h in range(H):
                lw = plsc.load_gather(lab_v.at[j], [zero16 + h, wv + 1])
                a0 = accs[j * 2 * H + 2 * h]
                a1 = accs[j * 2 * H + 2 * h + 1]
                out.append(a0 + jnp.abs(p0 - lw))
                out.append(a1 + jnp.abs(p1 - lw))
        return tuple(out)

    zf = jnp.zeros((L,), dtype=jnp.float32)
    accs = lax.fori_loop(0, W, w_step, (zf,) * (SPT * 2 * H), unroll=2)

    matched0 = [lane < 0 for _ in range(SPT)]
    matched1 = [lane < 0 for _ in range(SPT)]
    pt_loss = [zf for _ in range(SPT)]
    lane_num = [zf for _ in range(SPT)]
    for h in range(H):
        for j in range(SPT):
            iou0 = jnp.where(matched0[j], _INF, accs[j * 2 * H + 2 * h])
            iou1 = jnp.where(matched1[j], _INF, accs[j * 2 * H + 2 * h + 1])
            m = jnp.minimum(jnp.min(iou0), jnp.min(iou1))
            mv = jnp.broadcast_to(m, (L,))
            ffs0 = plsc.all_reduce_ffs(iou0 == mv)
            ffs1 = plsc.all_reduce_ffs(iou1 == mv)
            miv = jnp.where(ffs0 < L, ffs0, ffs1 + L)
            validv = plsc.load_gather(
                lab_v.at[j], [zero16 + h, zero16]) != 0.0
            pt_loss[j] = pt_loss[j] + jnp.where(
                validv, mv * (799.0 / W), 0.0)
            lane_num[j] = lane_num[j] + jnp.where(validv, 1.0, 0.0)
            matched0[j] = jnp.logical_or(
                matched0[j], jnp.logical_and(validv, idx_a0 == miv))
            matched1[j] = jnp.logical_or(
                matched1[j], jnp.logical_and(validv, idx_a1 == miv))

    one16 = zero16 + 1
    t_cls = zf
    t_pt = zf
    t_ln = zf

    def focal(x):
        d = 1.0 - x
        return d * d * _vlog(x)

    for j in range(SPT):
        cej = ce_v.at[j]
        c00 = plsc.load_gather(cej, [idx_a0, zero16])
        c01 = plsc.load_gather(cej, [idx_a0, one16])
        c10 = plsc.load_gather(cej, [idx_a1, zero16])
        c11 = plsc.load_gather(cej, [idx_a1, one16])
        picked0 = jnp.where(matched0[j], focal(c01), focal(c00))
        picked1 = jnp.where(matched1[j], focal(c11), focal(c10))
        cls_l = -(jnp.sum(picked0) + jnp.sum(picked1)) * (1.0 / A)
        t_cls = t_cls + jnp.broadcast_to(cls_l, (L,))
        t_pt = t_pt + pt_loss[j]
        t_ln = t_ln + lane_num[j]

    row = jnp.where(
        lane == 0, t_cls,
        jnp.where(lane == 1, t_pt, jnp.where(lane == 2, t_ln, 0.0)))
    row_v[...] = row
    pltpu.sync_copy(row_v, red_sh.at[sid])
    plsc.subcore_barrier()

    @pl.when(sid == 0)
    def _():
        pltpu.sync_copy(red_sh, red_v)
        acc = red_v[0]
        for r in range(1, NS):
            acc = acc + red_v[r]
        s_cls = jnp.broadcast_to(acc[0], (L,))
        s_pt = jnp.broadcast_to(acc[1], (L,))
        s_ln = jnp.broadcast_to(acc[2], (L,))
        total = s_cls * (1.0 / N) + 0.4 * s_pt / (s_ln + 1e-6)
        out_v[...] = total
        pltpu.sync_copy(out_v, out_ref)


@jax.jit
def _lane_loss(cls_exit, point, label_p):
    mesh = plsc.VectorSubcoreMesh(
        core_axis_name="c", subcore_axis_name="s",
        num_cores=1, num_subcores=NS)
    f = pl.kernel(
        _body,
        out_type=jax.ShapeDtypeStruct((L,), jnp.float32),
        mesh=mesh,
        compiler_params=pltpu.CompilerParams(
            needs_layout_passes=False, use_tc_tiling_on_sc=False,
            disable_bounds_checks=True, disable_semaphore_checks=True,
            skip_device_barrier=True),
        scratch_types=[
            pltpu.VMEM((SPT, A, W), jnp.float32),
            pltpu.VMEM((SPT, H, LP), jnp.float32),
            pltpu.VMEM((SPT, A, 2), jnp.float32),
            pltpu.VMEM((L,), jnp.float32),
            pltpu.VMEM_SHARED((NS, L), jnp.float32),
            pltpu.VMEM((NS, L), jnp.float32),
            pltpu.VMEM((L,), jnp.float32),
        ] + [pltpu.SemaphoreType.DMA] * (3 * SPT),
    )
    return f(cls_exit, point, label_p)


def kernel(cls_exit, point, label):
    label_p = jnp.pad(label, ((0, 0), (0, 0), (0, LP - label.shape[-1])))
    label_p = label_p * (1.0 / 799.0)
    return _lane_loss(cls_exit, point, label_p)[0]

# --- scband reference (transcript-rebuilt; emitter-appended) ---
"""Pipeline reference for scband-lane-loss-27135603376494 (READ-ONLY COPY).

The authoritative reference and input builder live on the scoring server;
editing this copy changes nothing except your own understanding.
"""

import jax, jax.numpy as jnp
import numpy as np

GAMMA = 2.0
H = 6
A = 32

def setup_inputs(seed: int = 0) -> dict:
    key = jax.random.key(seed)
    k1, k2, k3 = jax.random.split(key, 3)
    cls_exit = jax.random.uniform(k1, (32, 32, 2), dtype=jnp.float32)
    point = jax.random.uniform(k2, (32, 32, 72), dtype=jnp.float32)
    label = jax.random.uniform(k3, (32, 6, 73), dtype=jnp.float32)
    return {"cls_exit": cls_exit, "point": point, "label": label}


def _per_sample(pp, lab, ce):
    # pp: [A, W-1] scaled predicted points; lab: [H, W]; ce: [A, 2]
    matched = jnp.zeros((A,), dtype=bool)
    point_loss = jnp.float32(0.0)
    lane_num = jnp.float32(0.0)
    for h in range(H):
        valid = lab[h, 0] != 0
        iou = jnp.sum(jnp.abs(pp - lab[h, 1:]), axis=1)  # [A]
        # MatchLane: effectively argmin over not-yet-matched anchors
        iou_m = jnp.where(matched, jnp.inf, iou)
        mi = jnp.argmin(iou_m)
        pl = jnp.mean(jnp.abs(pp[mi] - lab[h, 1:]))  # L1Loss (mean)
        point_loss = point_loss + jnp.where(valid, pl, 0.0)
        lane_num = lane_num + jnp.where(valid, 1.0, 0.0)
        matched = jnp.where(valid, matched.at[mi].set(True), matched)
    target = matched.astype(jnp.int32)  # [A], values in {0,1}
    factor = (1.0 - ce) ** GAMMA
    focal = factor * jnp.log(ce)  # [A, 2]
    picked = jnp.take_along_axis(focal, target[:, None], axis=1)[:, 0]
    cls_loss = -jnp.mean(picked)  # NLLLoss mean over anchors; no targets hit ignore_index=255
    return cls_loss, point_loss, lane_num


def reference(cls_exit, point, label):
    N = label.shape[0]
    pre_point = point * 799.0
    cls_l, pt_l, ln = jax.vmap(_per_sample)(pre_point, label, cls_exit)
    total = jnp.sum(cls_l) / N + 0.4 * jnp.sum(pt_l) / (jnp.sum(ln) + 1e-6)
    return total

if __name__ == "__main__":
    import jax
    _d = setup_inputs()
    print(jax.jit(kernel)(*tuple(_d.values())))

</pallas_src>

<mosaic_0001>
#map = affine_map<(d0, d1) -> (0, 0, 0)>
#map1 = affine_map<(d0, d1) -> (0)>
module attributes {stable_mosaic.version = 14 : i64} {
  func.func @_body(%arg0: i32, %arg1: i32, %arg2: memref<32x32x2xf32, #tpu.memory_space<hbm>>, %arg3: memref<32x32x72xf32, #tpu.memory_space<hbm>>, %arg4: memref<32x6x80xf32, #tpu.memory_space<hbm>>, %arg5: memref<16xf32, #tpu.memory_space<hbm>>, %arg6: memref<2x32x72xf32, #tpu.memory_space<vmem>>, %arg7: memref<2x6x80xf32, #tpu.memory_space<vmem>>, %arg8: memref<2x32x2xf32, #tpu.memory_space<vmem>>, %arg9: memref<16xf32, #tpu.memory_space<vmem>>, %arg10: memref<16x16xf32, #tpu.memory_space<vmem_shared>>, %arg11: memref<16x16xf32, #tpu.memory_space<vmem>>, %arg12: memref<16xf32, #tpu.memory_space<vmem>>, %arg13: memref<!tpu.dma_semaphore, #tpu.memory_space<semaphore_mem>>, %arg14: memref<!tpu.dma_semaphore, #tpu.memory_space<semaphore_mem>>, %arg15: memref<!tpu.dma_semaphore, #tpu.memory_space<semaphore_mem>>, %arg16: memref<!tpu.dma_semaphore, #tpu.memory_space<semaphore_mem>>, %arg17: memref<!tpu.dma_semaphore, #tpu.memory_space<semaphore_mem>>, %arg18: memref<!tpu.dma_semaphore, #tpu.memory_space<semaphore_mem>>) attributes {dimension_semantics = [#tpu.dimension_semantics<core_parallel>, #tpu.dimension_semantics<subcore_parallel>], iteration_bounds = array<i64: 1, 16>, scalar_prefetch = 0 : i64, scratch_operands = 13 : i64, tpu.core_type = #tpu.core_type<sc_vector_subcore>, window_params = [{transform_indices = #map}, {transform_indices = #map}, {transform_indices = #map}, {transform_indices = #map1}]} {
    %iota3A = tpu.iota {dimensions = array<i32: 0>} : vector<16xi32>
    %mul3A = arith.constant 0 : i32
    %mul3A_0 = vector.broadcast %mul3A : i32 to vector<16xi32>
    %mul3A_1 = arith.muli %iota3A, %mul3A_0 : vector<16xi32>
    %add3A = arith.constant 16 : i32
    %add3A_2 = vector.broadcast %add3A : i32 to vector<16xi32>
    %add3A_3 = arith.addi %iota3A, %add3A_2 : vector<16xi32>
    %mul3A_4 = arith.constant 2 : i32
    %mul3A_5 = arith.muli %arg1, %mul3A_4 : i32
    %add3A_6 = arith.constant 0 : i32
    %add3A_7 = arith.addi %mul3A_5, %add3A_6 : i32
    %dma_start3A = arith.constant 0 : i32
    %dma_start3A_8 = arith.constant 0 : i32
    %dma_start3A_9 = arith.constant 0 : i32
    %dma_start3A_10 = tpu.memref_slice %arg6[%dma_start3A, %dma_start3A_8, %dma_start3A_9] : memref<2x32x72xf32, #tpu.memory_space<vmem>> -> memref<1x32x72xf32, #tpu.memory_space<vmem>>
    %dma_start3A_11 = tpu.memref_squeeze %dma_start3A_10 : memref<1x32x72xf32, #tpu.memory_space<vmem>> -> memref<32x72xf32, #tpu.memory_space<vmem>>
    %dma_start3A_12 = arith.constant 0 : i32
    %dma_start3A_13 = arith.constant 0 : i32
    %dma_start3A_14 = tpu.memref_slice %arg3[%add3A_7, %dma_start3A_12, %dma_start3A_13] : memref<32x32x72xf32, #tpu.memory_space<hbm>> -> memref<1x32x72xf32, #tpu.memory_space<hbm>>
    %dma_start3A_15 = tpu.memref_squeeze %dma_start3A_14 : memref<1x32x72xf32, #tpu.memory_space<hbm>> -> memref<32x72xf32, #tpu.memory_space<hbm>>
    %dma_start3A_16 = arith.constant 0 : i32
    %dma_start3A_17 = arith.constant 0 : i32
    %dma_start3A_18 = tpu.memref_slice %arg6[%dma_start3A, %dma_start3A_16, %dma_start3A_17] : memref<2x32x72xf32, #tpu.memory_space<vmem>> -> memref<1x32x72xf32, #tpu.memory_space<vmem>>
    %dma_start3A_19 = tpu.memref_squeeze %dma_start3A_18 : memref<1x32x72xf32, #tpu.memory_space<vmem>> -> memref<32x72xf32, #tpu.memory_space<vmem>>
    %dma_start3A_20 = arith.constant 0 : i32
    %dma_start3A_21 = arith.constant 0 : i32
    %dma_start3A_22 = tpu.memref_slice %arg3[%add3A_7, %dma_start3A_20, %dma_start3A_21] : memref<32x32x72xf32, #tpu.memory_space<hbm>> -> memref<1x32x72xf32, #tpu.memory_space<hbm>>
    %dma_start3A_23 = tpu.memref_squeeze %dma_start3A_22 : memref<1x32x72xf32, #tpu.memory_space<hbm>> -> memref<32x72xf32, #tpu.memory_space<hbm>>
    tpu.enqueue_dma source(%dma_start3A_23 : memref<32x72xf32, #tpu.memory_space<hbm>>) target(%dma_start3A_19 : memref<32x72xf32, #tpu.memory_space<vmem>>) target_semaphore(%arg13 : memref<!tpu.dma_semaphore, #tpu.memory_space<semaphore_mem>>)
    %dma_start3A_24 = arith.constant 0 : i32
    %dma_start3A_25 = arith.constant 0 : i32
    %dma_start3A_26 = arith.constant 0 : i32
    %dma_start3A_27 = tpu.memref_slice %arg7[%dma_start3A_24, %dma_start3A_25, %dma_start3A_26] : memref<2x6x80xf32, #tpu.memory_space<vmem>> -> memref<1x6x80xf32, #tpu.memory_space<vmem>>
    %dma_start3A_28 = tpu.memref_squeeze %dma_start3A_27 : memref<1x6x80xf32, #tpu.memory_space<vmem>> -> memref<6x80xf32, #tpu.memory_space<vmem>>
    %dma_start3A_29 = arith.constant 0 : i32
    %dma_start3A_30 = arith.constant 0 : i32
    %dma_start3A_31 = tpu.memref_slice %arg4[%add3A_7, %dma_start3A_29, %dma_start3A_30] : memref<32x6x80xf32, #tpu.memory_space<hbm>> -> memref<1x6x80xf32, #tpu.memory_space<hbm>>
    %dma_start3A_32 = tpu.memref_squeeze %dma_start3A_31 : memref<1x6x80xf32, #tpu.memory_space<hbm>> -> memref<6x80xf32, #tpu.memory_space<hbm>>
    %dma_start3A_33 = arith.constant 0 : i32
    %dma_start3A_34 = arith.constant 0 : i32
    %dma_start3A_35 = tpu.memref_slice %arg7[%dma_start3A_24, %dma_start3A_33, %dma_start3A_34] : memref<2x6x80xf32, #tpu.memory_space<vmem>> -> memref<1x6x80xf32, #tpu.memory_space<vmem>>
    %dma_start3A_36 = tpu.memref_squeeze %dma_start3A_35 : memref<1x6x80xf32, #tpu.memory_space<vmem>> -> memref<6x80xf32, #tpu.memory_space<vmem>>
    %dma_start3A_37 = arith.constant 0 : i32
    %dma_start3A_38 = arith.constant 0 : i32
    %dma_start3A_39 = tpu.memref_slice %arg4[%add3A_7, %dma_start3A_37, %dma_start3A_38] : memref<32x6x80xf32, #tpu.memory_space<hbm>> -> memref<1x6x80xf32, #tpu.memory_space<hbm>>
    %dma_start3A_40 = tpu.memref_squeeze %dma_start3A_39 : memref<1x6x80xf32, #tpu.memory_space<hbm>> -> memref<6x80xf32, #tpu.memory_space<hbm>>
    tpu.enqueue_dma source(%dma_start3A_40 : memref<6x80xf32, #tpu.memory_space<hbm>>) target(%dma_start3A_36 : memref<6x80xf32, #tpu.memory_space<vmem>>) target_semaphore(%arg14 : memref<!tpu.dma_semaphore, #tpu.memory_space<semaphore_mem>>)
    %dma_start3A_41 = arith.constant 0 : i32
    %dma_start3A_42 = arith.constant 0 : i32
    %dma_start3A_43 = arith.constant 0 : i32
    %dma_start3A_44 = tpu.memref_slice %arg8[%dma_start3A_41, %dma_start3A_42, %dma_start3A_43] : memref<2x32x2xf32, #tpu.memory_space<vmem>> -> memref<1x32x2xf32, #tpu.memory_space<vmem>>
    %dma_start3A_45 = tpu.memref_squeeze %dma_start3A_44 : memref<1x32x2xf32, #tpu.memory_space<vmem>> -> memref<32x2xf32, #tpu.memory_space<vmem>>
    %dma_start3A_46 = arith.constant 0 : i32
    %dma_start3A_47 = arith.constant 0 : i32
    %dma_start3A_48 = tpu.memref_slice %arg2[%add3A_7, %dma_start3A_46, %dma_start3A_47] : memref<32x32x2xf32, #tpu.memory_space<hbm>> -> memref<1x32x2xf32, #tpu.memory_space<hbm>>
    %dma_start3A_49 = tpu.memref_squeeze %dma_start3A_48 : memref<1x32x2xf32, #tpu.memory_space<hbm>> -> memref<32x2xf32, #tpu.memory_space<hbm>>
    %dma_start3A_50 = arith.constant 0 : i32
    %dma_start3A_51 = arith.constant 0 : i32
    %dma_start3A_52 = tpu.memref_slice %arg8[%dma_start3A_41, %dma_start3A_50, %dma_start3A_51] : memref<2x32x2xf32, #tpu.memory_space<vmem>> -> memref<1x32x2xf32, #tpu.memory_space<vmem>>
    %dma_start3A_53 = tpu.memref_squeeze %dma_start3A_52 : memref<1x32x2xf32, #tpu.memory_space<vmem>> -> memref<32x2xf32, #tpu.memory_space<vmem>>
    %dma_start3A_54 = arith.constant 0 : i32
    %dma_start3A_55 = arith.constant 0 : i32
    %dma_start3A_56 = tpu.memref_slice %arg2[%add3A_7, %dma_start3A_54, %dma_start3A_55] : memref<32x32x2xf32, #tpu.memory_space<hbm>> -> memref<1x32x2xf32, #tpu.memory_space<hbm>>
    %dma_start3A_57 = tpu.memref_squeeze %dma_start3A_56 : memref<1x32x2xf32, #tpu.memory_space<hbm>> -> memref<32x2xf32, #tpu.memory_space<hbm>>
    tpu.enqueue_dma source(%dma_start3A_57 : memref<32x2xf32, #tpu.memory_space<hbm>>) target(%dma_start3A_53 : memref<32x2xf32, #tpu.memory_space<vmem>>) target_semaphore(%arg15 : memref<!tpu.dma_semaphore, #tpu.memory_space<semaphore_mem>>)
    %mul3A_58 = arith.constant 2 : i32
    %mul3A_59 = arith.muli %arg1, %mul3A_58 : i32
    %add3A_60 = arith.constant 1 : i32
    %add3A_61 = arith.addi %mul3A_59, %add3A_60 : i32
    %dma_start3A_62 = arith.constant 1 : i32
    %dma_start3A_63 = arith.constant 0 : i32
    %dma_start3A_64 = arith.constant 0 : i32
    %dma_start3A_65 = tpu.memref_slice %arg6[%dma_start3A_62, %dma_start3A_63, %dma_start3A_64] : memref<2x32x72xf32, #tpu.memory_space<vmem>> -> memref<1x32x72xf32, #tpu.memory_space<vmem>>
    %dma_start3A_66 = tpu.memref_squeeze %dma_start3A_65 : memref<1x32x72xf32, #tpu.memory_space<vmem>> -> memref<32x72xf32, #tpu.memory_space<vmem>>
    %dma_start3A_67 = arith.constant 0 : i32
    %dma_start3A_68 = arith.constant 0 : i32
    %dma_start3A_69 = tpu.memref_slice %arg3[%add3A_61, %dma_start3A_67, %dma_start3A_68] : memref<32x32x72xf32, #tpu.memory_space<hbm>> -> memref<1x32x72xf32, #tpu.memory_space<hbm>>
    %dma_start3A_70 = tpu.memref_squeeze %dma_start3A_69 : memref<1x32x72xf32, #tpu.memory_space<hbm>> -> memref<32x72xf32, #tpu.memory_space<hbm>>
    %dma_start3A_71 = arith.constant 0 : i32
    %dma_start3A_72 = arith.constant 0 : i32
    %dma_start3A_73 = tpu.memref_slice %arg6[%dma_start3A_62, %dma_start3A_71, %dma_start3A_72] : memref<2x32x72xf32, #tpu.memory_space<vmem>> -> memref<1x32x72xf32, #tpu.memory_space<vmem>>
    %dma_start3A_74 = tpu.memref_squeeze %dma_start3A_73 : memref<1x32x72xf32, #tpu.memory_space<vmem>> -> memref<32x72xf32, #tpu.memory_space<vmem>>
    %dma_start3A_75 = arith.constant 0 : i32
    %dma_start3A_76 = arith.constant 0 : i32
    %dma_start3A_77 = tpu.memref_slice %arg3[%add3A_61, %dma_start3A_75, %dma_start3A_76] : memref<32x32x72xf32, #tpu.memory_space<hbm>> -> memref<1x32x72xf32, #tpu.memory_space<hbm>>
    %dma_start3A_78 = tpu.memref_squeeze %dma_start3A_77 : memref<1x32x72xf32, #tpu.memory_space<hbm>> -> memref<32x72xf32, #tpu.memory_space<hbm>>
    tpu.enqueue_dma source(%dma_start3A_78 : memref<32x72xf32, #tpu.memory_space<hbm>>) target(%dma_start3A_74 : memref<32x72xf32, #tpu.memory_space<vmem>>) target_semaphore(%arg16 : memref<!tpu.dma_semaphore, #tpu.memory_space<semaphore_mem>>)
    %dma_start3A_79 = arith.constant 1 : i32
    %dma_start3A_80 = arith.constant 0 : i32
    %dma_start3A_81 = arith.constant 0 : i32
    %dma_start3A_82 = tpu.memref_slice %arg7[%dma_start3A_79, %dma_start3A_80, %dma_start3A_81] : memref<2x6x80xf32, #tpu.memory_space<vmem>> -> memref<1x6x80xf32, #tpu.memory_space<vmem>>
    %dma_start3A_83 = tpu.memref_squeeze %dma_start3A_82 : memref<1x6x80xf32, #tpu.memory_space<vmem>> -> memref<6x80xf32, #tpu.memory_space<vmem>>
    %dma_start3A_84 = arith.constant 0 : i32
    %dma_start3A_85 = arith.constant 0 : i32
    %dma_start3A_86 = tpu.memref_slice %arg4[%add3A_61, %dma_start3A_84, %dma_start3A_85] : memref<32x6x80xf32, #tpu.memory_space<hbm>> -> memref<1x6x80xf32, #tpu.memory_space<hbm>>
    %dma_start3A_87 = tpu.memref_squeeze %dma_start3A_86 : memref<1x6x80xf32, #tpu.memory_space<hbm>> -> memref<6x80xf32, #tpu.memory_space<hbm>>
    %dma_start3A_88 = arith.constant 0 : i32
    %dma_start3A_89 = arith.constant 0 : i32
    %dma_start3A_90 = tpu.memref_slice %arg7[%dma_start3A_79, %dma_start3A_88, %dma_start3A_89] : memref<2x6x80xf32, #tpu.memory_space<vmem>> -> memref<1x6x80xf32, #tpu.memory_space<vmem>>
    %dma_start3A_91 = tpu.memref_squeeze %dma_start3A_90 : memref<1x6x80xf32, #tpu.memory_space<vmem>> -> memref<6x80xf32, #tpu.memory_space<vmem>>
    %dma_start3A_92 = arith.constant 0 : i32
    %dma_start3A_93 = arith.constant 0 : i32
    %dma_start3A_94 = tpu.memref_slice %arg4[%add3A_61, %dma_start3A_92, %dma_start3A_93] : memref<32x6x80xf32, #tpu.memory_space<hbm>> -> memref<1x6x80xf32, #tpu.memory_space<hbm>>
    %dma_start3A_95 = tpu.memref_squeeze %dma_start3A_94 : memref<1x6x80xf32, #tpu.memory_space<hbm>> -> memref<6x80xf32, #tpu.memory_space<hbm>>
    tpu.enqueue_dma source(%dma_start3A_95 : memref<6x80xf32, #tpu.memory_space<hbm>>) target(%dma_start3A_91 : memref<6x80xf32, #tpu.memory_space<vmem>>) target_semaphore(%arg17 : memref<!tpu.dma_semaphore, #tpu.memory_space<semaphore_mem>>)
    %dma_start3A_96 = arith.constant 1 : i32
    %dma_start3A_97 = arith.constant 0 : i32
    %dma_start3A_98 = arith.constant 0 : i32
    %dma_start3A_99 = tpu.memref_slice %arg8[%dma_start3A_96, %dma_start3A_97, %dma_start3A_98] : memref<2x32x2xf32, #tpu.memory_space<vmem>> -> memref<1x32x2xf32, #tpu.memory_space<vmem>>
    %dma_start3A_100 = tpu.memref_squeeze %dma_start3A_99 : memref<1x32x2xf32, #tpu.memory_space<vmem>> -> memref<32x2xf32, #tpu.memory_space<vmem>>
    %dma_start3A_101 = arith.constant 0 : i32
    %dma_start3A_102 = arith.constant 0 : i32
    %dma_start3A_103 = tpu.memref_slice %arg2[%add3A_61, %dma_start3A_101, %dma_start3A_102] : memref<32x32x2xf32, #tpu.memory_space<hbm>> -> memref<1x32x2xf32, #tpu.memory_space<hbm>>
    %dma_start3A_104 = tpu.memref_squeeze %dma_start3A_103 : memref<1x32x2xf32, #tpu.memory_space<hbm>> -> memref<32x2xf32, #tpu.memory_space<hbm>>
    %dma_start3A_105 = arith.constant 0 : i32
    %dma_start3A_106 = arith.constant 0 : i32
    %dma_start3A_107 = tpu.memref_slice %arg8[%dma_start3A_96, %dma_start3A_105, %dma_start3A_106] : memref<2x32x2xf32, #tpu.memory_space<vmem>> -> memref<1x32x2xf32, #tpu.memory_space<vmem>>
    %dma_start3A_108 = tpu.memref_squeeze %dma_start3A_107 : memref<1x32x2xf32, #tpu.memory_space<vmem>> -> memref<32x2xf32, #tpu.memory_space<vmem>>
    %dma_start3A_109 = arith.constant 0 : i32
    %dma_start3A_110 = arith.constant 0 : i32
    %dma_start3A_111 = tpu.memref_slice %arg2[%add3A_61, %dma_start3A_109, %dma_start3A_110] : memref<32x32x2xf32, #tpu.memory_space<hbm>> -> memref<1x32x2xf32, #tpu.memory_space<hbm>>
    %dma_start3A_112 = tpu.memref_squeeze %dma_start3A_111 : memref<1x32x2xf32, #tpu.memory_space<hbm>> -> memref<32x2xf32, #tpu.memory_space<hbm>>
    tpu.enqueue_dma source(%dma_start3A_112 : memref<32x2xf32, #tpu.memory_space<hbm>>) target(%dma_start3A_108 : memref<32x2xf32, #tpu.memory_space<vmem>>) target_semaphore(%arg18 : memref<!tpu.dma_semaphore, #tpu.memory_space<semaphore_mem>>)
    %dma_wait3A = arith.constant 0 : i32
    %dma_wait3A_113 = arith.constant 0 : i32
    %dma_wait3A_114 = arith.constant 0 : i32
    %dma_wait3A_115 = tpu.memref_slice %arg6[%dma_wait3A, %dma_wait3A_113, %dma_wait3A_114] : memref<2x32x72xf32, #tpu.memory_space<vmem>> -> memref<1x32x72xf32, #tpu.memory_space<vmem>>
    %dma_wait3A_116 = tpu.memref_squeeze %dma_wait3A_115 : memref<1x32x72xf32, #tpu.memory_space<vmem>> -> memref<32x72xf32, #tpu.memory_space<vmem>>
    %dma_wait3A_117 = arith.constant 0 : i32
    %dma_wait3A_118 = arith.constant 0 : i32
    %dma_wait3A_119 = tpu.memref_slice %arg3[%add3A_7, %dma_wait3A_117, %dma_wait3A_118] : memref<32x32x72xf32, #tpu.memory_space<hbm>> -> memref<1x32x72xf32, #tpu.memory_space<hbm>>
    %dma_wait3A_120 = tpu.memref_squeeze %dma_wait3A_119 : memref<1x32x72xf32, #tpu.memory_space<hbm>> -> memref<32x72xf32, #tpu.memory_space<hbm>>
    %dma_wait3A_121 = arith.constant 0 : i32
    %dma_wait3A_122 = arith.constant 0 : i32
    %dma_wait3A_123 = tpu.memref_slice %arg6[%dma_wait3A, %dma_wait3A_121, %dma_wait3A_122] : memref<2x32x72xf32, #tpu.memory_space<vmem>> -> memref<1x32x72xf32, #tpu.memory_space<vmem>>
    %dma_wait3A_124 = tpu.memref_squeeze %dma_wait3A_123 : memref<1x32x72xf32, #tpu.memory_space<vmem>> -> memref<32x72xf32, #tpu.memory_space<vmem>>
    %dma_wait3A_125 = arith.constant 0 : i32
    %dma_wait3A_126 = arith.constant 0 : i32
    %dma_wait3A_127 = tpu.memref_slice %arg3[%add3A_7, %dma_wait3A_125, %dma_wait3A_126] : memref<32x32x72xf32, #tpu.memory_space<hbm>> -> memref<1x32x72xf32, #tpu.memory_space<hbm>>
    %dma_wait3A_128 = tpu.memref_squeeze %dma_wait3A_127 : memref<1x32x72xf32, #tpu.memory_space<hbm>> -> memref<32x72xf32, #tpu.memory_space<hbm>>
    tpu.wait_dma2 semaphore(%arg13 : memref<!tpu.dma_semaphore, #tpu.memory_space<semaphore_mem>>) src(%dma_wait3A_128 : memref<32x72xf32, #tpu.memory_space<hbm>>) dst(%dma_wait3A_124 : memref<32x72xf32, #tpu.memory_space<vmem>>)
    %dma_wait3A_129 = arith.constant 0 : i32
    %dma_wait3A_130 = arith.constant 0 : i32
    %dma_wait3A_131 = arith.constant 0 : i32
    %dma_wait3A_132 = tpu.memref_slice %arg7[%dma_wait3A_129, %dma_wait3A_130, %dma_wait3A_131] : memref<2x6x80xf32, #tpu.memory_space<vmem>> -> memref<1x6x80xf32, #tpu.memory_space<vmem>>
    %dma_wait3A_133 = tpu.memref_squeeze %dma_wait3A_132 : memref<1x6x80xf32, #tpu.memory_space<vmem>> -> memref<6x80xf32, #tpu.memory_space<vmem>>
    %dma_wait3A_134 = arith.constant 0 : i32
    %dma_wait3A_135 = arith.constant 0 : i32
    %dma_wait3A_136 = tpu.memref_slice %arg4[%add3A_7, %dma_wait3A_134, %dma_wait3A_135] : memref<32x6x80xf32, #tpu.memory_space<hbm>> -> memref<1x6x80xf32, #tpu.memory_space<hbm>>
    %dma_wait3A_137 = tpu.memref_squeeze %dma_wait3A_136 : memref<1x6x80xf32, #tpu.memory_space<hbm>> -> memref<6x80xf32, #tpu.memory_space<hbm>>
    %dma_wait3A_138 = arith.constant 0 : i32
    %dma_wait3A_139 = arith.constant 0 : i32
    %dma_wait3A_140 = tpu.memref_slice %arg7[%dma_wait3A_129, %dma_wait3A_138, %dma_wait3A_139] : memref<2x6x80xf32, #tpu.memory_space<vmem>> -> memref<1x6x80xf32, #tpu.memory_space<vmem>>
    %dma_wait3A_141 = tpu.memref_squeeze %dma_wait3A_140 : memref<1x6x80xf32, #tpu.memory_space<vmem>> -> memref<6x80xf32, #tpu.memory_space<vmem>>
    %dma_wait3A_142 = arith.constant 0 : i32
    %dma_wait3A_143 = arith.constant 0 : i32
    %dma_wait3A_144 = tpu.memref_slice %arg4[%add3A_7, %dma_wait3A_142, %dma_wait3A_143] : memref<32x6x80xf32, #tpu.memory_space<hbm>> -> memref<1x6x80xf32, #tpu.memory_space<hbm>>
    %dma_wait3A_145 = tpu.memref_squeeze %dma_wait3A_144 : memref<1x6x80xf32, #tpu.memory_space<hbm>> -> memref<6x80xf32, #tpu.memory_space<hbm>>
    tpu.wait_dma2 semaphore(%arg14 : memref<!tpu.dma_semaphore, #tpu.memory_space<semaphore_mem>>) src(%dma_wait3A_145 : memref<6x80xf32, #tpu.memory_space<hbm>>) dst(%dma_wait3A_141 : memref<6x80xf32, #tpu.memory_space<vmem>>)
    %dma_wait3A_146 = arith.constant 0 : i32
    %dma_wait3A_147 = arith.constant 0 : i32
    %dma_wait3A_148 = arith.constant 0 : i32
    %dma_wait3A_149 = tpu.memref_slice %arg8[%dma_wait3A_146, %dma_wait3A_147, %dma_wait3A_148] : memref<2x32x2xf32, #tpu.memory_space<vmem>> -> memref<1x32x2xf32, #tpu.memory_space<vmem>>
    %dma_wait3A_150 = tpu.memref_squeeze %dma_wait3A_149 : memref<1x32x2xf32, #tpu.memory_space<vmem>> -> memref<32x2xf32, #tpu.memory_space<vmem>>
    %dma_wait3A_151 = arith.constant 0 : i32
    %dma_wait3A_152 = arith.constant 0 : i32
    %dma_wait3A_153 = tpu.memref_slice %arg2[%add3A_7, %dma_wait3A_151, %dma_wait3A_152] : memref<32x32x2xf32, #tpu.memory_space<hbm>> -> memref<1x32x2xf32, #tpu.memory_space<hbm>>
    %dma_wait3A_154 = tpu.memref_squeeze %dma_wait3A_153 : memref<1x32x2xf32, #tpu.memory_space<hbm>> -> memref<32x2xf32, #tpu.memory_space<hbm>>
    %dma_wait3A_155 = arith.constant 0 : i32
    %dma_wait3A_156 = arith.constant 0 : i32
    %dma_wait3A_157 = tpu.memref_slice %arg8[%dma_wait3A_146, %dma_wait3A_155, %dma_wait3A_156] : memref<2x32x2xf32, #tpu.memory_space<vmem>> -> memref<1x32x2xf32, #tpu.memory_space<vmem>>
    %dma_wait3A_158 = tpu.memref_squeeze %dma_wait3A_157 : memref<1x32x2xf32, #tpu.memory_space<vmem>> -> memref<32x2xf32, #tpu.memory_space<vmem>>
    %dma_wait3A_159 = arith.constant 0 : i32
    %dma_wait3A_160 = arith.constant 0 : i32
    %dma_wait3A_161 = tpu.memref_slice %arg2[%add3A_7, %dma_wait3A_159, %dma_wait3A_160] : memref<32x32x2xf32, #tpu.memory_space<hbm>> -> memref<1x32x2xf32, #tpu.memory_space<hbm>>
    %dma_wait3A_162 = tpu.memref_squeeze %dma_wait3A_161 : memref<1x32x2xf32, #tpu.memory_space<hbm>> -> memref<32x2xf32, #tpu.memory_space<hbm>>
    tpu.wait_dma2 semaphore(%arg15 : memref<!tpu.dma_semaphore, #tpu.memory_space<semaphore_mem>>) src(%dma_wait3A_162 : memref<32x2xf32, #tpu.memory_space<hbm>>) dst(%dma_wait3A_158 : memref<32x2xf32, #tpu.memory_space<vmem>>)
    %dma_wait3A_163 = arith.constant 1 : i32
    %dma_wait3A_164 = arith.constant 0 : i32
    %dma_wait3A_165 = arith.constant 0 : i32
    %dma_wait3A_166 = tpu.memref_slice %arg6[%dma_wait3A_163, %dma_wait3A_164, %dma_wait3A_165] : memref<2x32x72xf32, #tpu.memory_space<vmem>> -> memref<1x32x72xf32, #tpu.memory_space<vmem>>
    %dma_wait3A_167 = tpu.memref_squeeze %dma_wait3A_166 : memref<1x32x72xf32, #tpu.memory_space<vmem>> -> memref<32x72xf32, #tpu.memory_space<vmem>>
    %dma_wait3A_168 = arith.constant 0 : i32
    %dma_wait3A_169 = arith.constant 0 : i32
    %dma_wait3A_170 = tpu.memref_slice %arg3[%add3A_61, %dma_wait3A_168, %dma_wait3A_169] : memref<32x32x72xf32, #tpu.memory_space<hbm>> -> memref<1x32x72xf32, #tpu.memory_space<hbm>>
    %dma_wait3A_171 = tpu.memref_squeeze %dma_wait3A_170 : memref<1x32x72xf32, #tpu.memory_space<hbm>> -> memref<32x72xf32, #tpu.memory_space<hbm>>
    %dma_wait3A_172 = arith.constant 0 : i32
    %dma_wait3A_173 = arith.constant 0 : i32
    %dma_wait3A_174 = tpu.memref_slice %arg6[%dma_wait3A_163, %dma_wait3A_172, %dma_wait3A_173] : memref<2x32x72xf32, #tpu.memory_space<vmem>> -> memref<1x32x72xf32, #tpu.memory_space<vmem>>
    %dma_wait3A_175 = tpu.memref_squeeze %dma_wait3A_174 : memref<1x32x72xf32, #tpu.memory_space<vmem>> -> memref<32x72xf32, #tpu.memory_space<vmem>>
    %dma_wait3A_176 = arith.constant 0 : i32
    %dma_wait3A_177 = arith.constant 0 : i32
    %dma_wait3A_178 = tpu.memref_slice %arg3[%add3A_61, %dma_wait3A_176, %dma_wait3A_177] : memref<32x32x72xf32, #tpu.memory_space<hbm>> -> memref<1x32x72xf32, #tpu.memory_space<hbm>>
    %dma_wait3A_179 = tpu.memref_squeeze %dma_wait3A_178 : memref<1x32x72xf32, #tpu.memory_space<hbm>> -> memref<32x72xf32, #tpu.memory_space<hbm>>
    tpu.wait_dma2 semaphore(%arg16 : memref<!tpu.dma_semaphore, #tpu.memory_space<semaphore_mem>>) src(%dma_wait3A_179 : memref<32x72xf32, #tpu.memory_space<hbm>>) dst(%dma_wait3A_175 : memref<32x72xf32, #tpu.memory_space<vmem>>)
    %dma_wait3A_180 = arith.constant 1 : i32
    %dma_wait3A_181 = arith.constant 0 : i32
    %dma_wait3A_182 = arith.constant 0 : i32
    %dma_wait3A_183 = tpu.memref_slice %arg7[%dma_wait3A_180, %dma_wait3A_181, %dma_wait3A_182] : memref<2x6x80xf32, #tpu.memory_space<vmem>> -> memref<1x6x80xf32, #tpu.memory_space<vmem>>
    %dma_wait3A_184 = tpu.memref_squeeze %dma_wait3A_183 : memref<1x6x80xf32, #tpu.memory_space<vmem>> -> memref<6x80xf32, #tpu.memory_space<vmem>>
    %dma_wait3A_185 = arith.constant 0 : i32
    %dma_wait3A_186 = arith.constant 0 : i32
    %dma_wait3A_187 = tpu.memref_slice %arg4[%add3A_61, %dma_wait3A_185, %dma_wait3A_186] : memref<32x6x80xf32, #tpu.memory_space<hbm>> -> memref<1x6x80xf32, #tpu.memory_space<hbm>>
    %dma_wait3A_188 = tpu.memref_squeeze %dma_wait3A_187 : memref<1x6x80xf32, #tpu.memory_space<hbm>> -> memref<6x80xf32, #tpu.memory_space<hbm>>
    %dma_wait3A_189 = arith.constant 0 : i32
    %dma_wait3A_190 = arith.constant 0 : i32
    %dma_wait3A_191 = tpu.memref_slice %arg7[%dma_wait3A_180, %dma_wait3A_189, %dma_wait3A_190] : memref<2x6x80xf32, #tpu.memory_space<vmem>> -> memref<1x6x80xf32, #tpu.memory_space<vmem>>
    %dma_wait3A_192 = tpu.memref_squeeze %dma_wait3A_191 : memref<1x6x80xf32, #tpu.memory_space<vmem>> -> memref<6x80xf32, #tpu.memory_space<vmem>>
    %dma_wait3A_193 = arith.constant 0 : i32
    %dma_wait3A_194 = arith.constant 0 : i32
    %dma_wait3A_195 = tpu.memref_slice %arg4[%add3A_61, %dma_wait3A_193, %dma_wait3A_194] : memref<32x6x80xf32, #tpu.memory_space<hbm>> -> memref<1x6x80xf32, #tpu.memory_space<hbm>>
    %dma_wait3A_196 = tpu.memref_squeeze %dma_wait3A_195 : memref<1x6x80xf32, #tpu.memory_space<hbm>> -> memref<6x80xf32, #tpu.memory_space<hbm>>
    tpu.wait_dma2 semaphore(%arg17 : memref<!tpu.dma_semaphore, #tpu.memory_space<semaphore_mem>>) src(%dma_wait3A_196 : memref<6x80xf32, #tpu.memory_space<hbm>>) dst(%dma_wait3A_192 : memref<6x80xf32, #tpu.memory_space<vmem>>)
    %dma_wait3A_197 = arith.constant 1 : i32
    %dma_wait3A_198 = arith.constant 0 : i32
    %dma_wait3A_199 = arith.constant 0 : i32
    %dma_wait3A_200 = tpu.memref_slice %arg8[%dma_wait3A_197, %dma_wait3A_198, %dma_wait3A_199] : memref<2x32x2xf32, #tpu.memory_space<vmem>> -> memref<1x32x2xf32, #tpu.memory_space<vmem>>
    %dma_wait3A_201 = tpu.memref_squeeze %dma_wait3A_200 : memref<1x32x2xf32, #tpu.memory_space<vmem>> -> memref<32x2xf32, #tpu.memory_space<vmem>>
    %dma_wait3A_202 = arith.constant 0 : i32
    %dma_wait3A_203 = arith.constant 0 : i32
    %dma_wait3A_204 = tpu.memref_slice %arg2[%add3A_61, %dma_wait3A_202, %dma_wait3A_203] : memref<32x32x2xf32, #tpu.memory_space<hbm>> -> memref<1x32x2xf32, #tpu.memory_space<hbm>>
    %dma_wait3A_205 = tpu.memref_squeeze %dma_wait3A_204 : memref<1x32x2xf32, #tpu.memory_space<hbm>> -> memref<32x2xf32, #tpu.memory_space<hbm>>
    %dma_wait3A_206 = arith.constant 0 : i32
    %dma_wait3A_207 = arith.constant 0 : i32
    %dma_wait3A_208 = tpu.memref_slice %arg8[%dma_wait3A_197, %dma_wait3A_206, %dma_wait3A_207] : memref<2x32x2xf32, #tpu.memory_space<vmem>> -> memref<1x32x2xf32, #tpu.memory_space<vmem>>
    %dma_wait3A_209 = tpu.memref_squeeze %dma_wait3A_208 : memref<1x32x2xf32, #tpu.memory_space<vmem>> -> memref<32x2xf32, #tpu.memory_space<vmem>>
    %dma_wait3A_210 = arith.constant 0 : i32
    %dma_wait3A_211 = arith.constant 0 : i32
    %dma_wait3A_212 = tpu.memref_slice %arg2[%add3A_61, %dma_wait3A_210, %dma_wait3A_211] : memref<32x32x2xf32, #tpu.memory_space<hbm>> -> memref<1x32x2xf32, #tpu.memory_space<hbm>>
    %dma_wait3A_213 = tpu.memref_squeeze %dma_wait3A_212 : memref<1x32x2xf32, #tpu.memory_space<hbm>> -> memref<32x2xf32, #tpu.memory_space<hbm>>
    tpu.wait_dma2 semaphore(%arg18 : memref<!tpu.dma_semaphore, #tpu.memory_space<semaphore_mem>>) src(%dma_wait3A_213 : memref<32x2xf32, #tpu.memory_space<hbm>>) dst(%dma_wait3A_209 : memref<32x2xf32, #tpu.memory_space<vmem>>)
    %broadcast_in_dim3A = arith.constant 0.000000e+00 : f32
    %broadcast_in_dim3A_214 = vector.broadcast %broadcast_in_dim3A : f32 to vector<16xf32>
    %scan3A = arith.constant 0 : i32
    %scan3A_215 = arith.constant 72 : i32
    %scan3A_216 = arith.addi %scan3A, %scan3A_215 : i32
    %scan3A_217 = arith.constant 2 : i32
    %scan3A_218:24 = scf.for %scan3A_1602 = %scan3A to %scan3A_216 step %scan3A_217 iter_args(%scan3A_1603 = %broadcast_in_dim3A_214, %scan3A_1604 = %broadcast_in_dim3A_214, %scan3A_1605 = %broadcast_in_dim3A_214, %scan3A_1606 = %broadcast_in_dim3A_214, %scan3A_1607 = %broadcast_in_dim3A_214, %scan3A_1608 = %broadcast_in_dim3A_214, %scan3A_1609 = %broadcast_in_dim3A_214, %scan3A_1610 = %broadcast_in_dim3A_214, %scan3A_1611 = %broadcast_in_dim3A_214, %scan3A_1612 = %broadcast_in_dim3A_214, %scan3A_1613 = %broadcast_in_dim3A_214, %scan3A_1614 = %broadcast_in_dim3A_214, %scan3A_1615 = %broadcast_in_dim3A_214, %scan3A_1616 = %broadcast_in_dim3A_214, %scan3A_1617 = %broadcast_in_dim3A_214, %scan3A_1618 = %broadcast_in_dim3A_214, %scan3A_1619 = %broadcast_in_dim3A_214, %scan3A_1620 = %broadcast_in_dim3A_214, %scan3A_1621 = %broadcast_in_dim3A_214, %scan3A_1622 = %broadcast_in_dim3A_214, %scan3A_1623 = %broadcast_in_dim3A_214, %scan3A_1624 = %broadcast_in_dim3A_214, %scan3A_1625 = %broadcast_in_dim3A_214, %scan3A_1626 = %broadcast_in_dim3A_214) -> (vector<16xf32>, vector<16xf32>, vector<16xf32>, vector<16xf32>, vector<16xf32>, vector<16xf32>, vector<16xf32>, vector<16xf32>, vector<16xf32>, vector<16xf32>, vector<16xf32>, vector<16xf32>, vector<16xf32>, vector<16xf32>, vector<16xf32>, vector<16xf32>, vector<16xf32>, vector<16xf32>, vector<16xf32>, vector<16xf32>, vector<16xf32>, vector<16xf32>, vector<16xf32>, vector<16xf32>)  : i32 {
      %broadcast_in_dim3A_1627 = vector.broadcast %scan3A_1602 : i32 to vector<16xi32>
      %gather3A_1628 = arith.constant 0 : i32
      %gather3A_1629 = arith.constant 0 : i32
      %gather3A_1630 = arith.constant 0 : i32
      %gather3A_1631 = tpu.memref_slice %arg6[%gather3A_1628, %gather3A_1629, %gather3A_1630] : memref<2x32x72xf32, #tpu.memory_space<vmem>> -> memref<1x32x72xf32, #tpu.memory_space<vmem>>
      %gather3A_1632 = tpu.memref_squeeze %gather3A_1631 : memref<1x32x72xf32, #tpu.memory_space<vmem>> -> memref<32x72xf32, #tpu.memory_space<vmem>>
      %gather3A_1633 = tpu.vector_load_idx %gather3A_1632[%iota3A, %broadcast_in_dim3A_1627] : memref<32x72xf32, #tpu.memory_space<vmem>>[vector<16xi32>, vector<16xi32>], vector<16xf32>,
      %gather3A_1634 = arith.constant 0 : i32
      %gather3A_1635 = arith.constant 0 : i32
      %gather3A_1636 = arith.constant 0 : i32
      %gather3A_1637 = tpu.memref_slice %arg6[%gather3A_1634, %gather3A_1635, %gather3A_1636] : memref<2x32x72xf32, #tpu.memory_space<vmem>> -> memref<1x32x72xf32, #tpu.memory_space<vmem>>
      %gather3A_1638 = tpu.memref_squeeze %gather3A_1637 : memref<1x32x72xf32, #tpu.memory_space<vmem>> -> memref<32x72xf32, #tpu.memory_space<vmem>>
      %gather3A_1639 = tpu.vector_load_idx %gather3A_1638[%add3A_3, %broadcast_in_dim3A_1627] : memref<32x72xf32, #tpu.memory_space<vmem>>[vector<16xi32>, vector<16xi32>], vector<16xf32>,
      %add3A_1640 = arith.constant 0 : i32
      %add3A_1641 = vector.broadcast %add3A_1640 : i32 to vector<16xi32>
      %add3A_1642 = arith.addi %mul3A_1, %add3A_1641 : vector<16xi32>
      %add3A_1643 = arith.constant 1 : i32
      %add3A_1644 = vector.broadcast %add3A_1643 : i32 to vector<16xi32>
      %add3A_1645 = arith.addi %broadcast_in_dim3A_1627, %add3A_1644 : vector<16xi32>
      %gather3A_1646 = arith.constant 0 : i32
      %gather3A_1647 = arith.constant 0 : i32
      %gather3A_1648 = arith.constant 0 : i32
      %gather3A_1649 = tpu.memref_slice %arg7[%gather3A_1646, %gather3A_1647, %gather3A_1648] : memref<2x6x80xf32, #tpu.memory_space<vmem>> -> memref<1x6x80xf32, #tpu.memory_space<vmem>>
      %gather3A_1650 = tpu.memref_squeeze %gather3A_1649 : memref<1x6x80xf32, #tpu.memory_space<vmem>> -> memref<6x80xf32, #tpu.memory_space<vmem>>
      %gather3A_1651 = tpu.vector_load_idx %gather3A_1650[%add3A_1642, %add3A_1645] : memref<6x80xf32, #tpu.memory_space<vmem>>[vector<16xi32>, vector<16xi32>], vector<16xf32>,
      %sub3A_1652 = arith.subf %gather3A_1633, %gather3A_1651 : vector<16xf32>
      %abs3A = math.absf %sub3A_1652 : vector<16xf32>
      %add3A_1653 = arith.addf %scan3A_1603, %abs3A : vector<16xf32>
      %sub3A_1654 = arith.subf %gather3A_1639, %gather3A_1651 : vector<16xf32>
      %abs3A_1655 = math.absf %sub3A_1654 : vector<16xf32>
      %add3A_1656 = arith.addf %scan3A_1604, %abs3A_1655 : vector<16xf32>
      %add3A_1657 = arith.constant 1 : i32
      %add3A_1658 = vector.broadcast %add3A_1657 : i32 to vector<16xi32>
      %add3A_1659 = arith.addi %mul3A_1, %add3A_1658 : vector<16xi32>
      %add3A_1660 = arith.constant 1 : i32
      %add3A_1661 = vector.broadcast %add3A_1660 : i32 to vector<16xi32>
      %add3A_1662 = arith.addi %broadcast_in_dim3A_1627, %add3A_1661 : vector<16xi32>
      %gather3A_1663 = arith.constant 0 : i32
      %gather3A_1664 = arith.constant 0 : i32
      %gather3A_1665 = arith.constant 0 : i32
      %gather3A_1666 = tpu.memref_slice %arg7[%gather3A_1663, %gather3A_1664, %gather3A_1665] : memref<2x6x80xf32, #tpu.memory_space<vmem>> -> memref<1x6x80xf32, #tpu.memory_space<vmem>>
      %gather3A_1667 = tpu.memref_squeeze %gather3A_1666 : memref<1x6x80xf32, #tpu.memory_space<vmem>> -> memref<6x80xf32, #tpu.memory_space<vmem>>
      %gather3A_1668 = tpu.vector_load_idx %gather3A_1667[%add3A_1659, %add3A_1662] : memref<6x80xf32, #tpu.memory_space<vmem>>[vector<16xi32>, vector<16xi32>], vector<16xf32>,
      %sub3A_1669 = arith.subf %gather3A_1633, %gather3A_1668 : vector<16xf32>
      %abs3A_1670 = math.absf %sub3A_1669 : vector<16xf32>
      %add3A_1671 = arith.addf %scan3A_1605, %abs3A_1670 : vector<16xf32>
      %sub3A_1672 = arith.subf %gather3A_1639, %gather3A_1668 : vector<16xf32>
      %abs3A_1673 = math.absf %sub3A_1672 : vector<16xf32>
      %add3A_1674 = arith.addf %scan3A_1606, %abs3A_1673 : vector<16xf32>
      %add3A_1675 = arith.constant 2 : i32
      %add3A_1676 = vector.broadcast %add3A_1675 : i32 to vector<16xi32>
      %add3A_1677 = arith.addi %mul3A_1, %add3A_1676 : vector<16xi32>
      %add3A_1678 = arith.constant 1 : i32
      %add3A_1679 = vector.broadcast %add3A_1678 : i32 to vector<16xi32>
      %add3A_1680 = arith.addi %broadcast_in_dim3A_1627, %add3A_1679 : vector<16xi32>
      %gather3A_1681 = arith.constant 0 : i32
      %gather3A_1682 = arith.constant 0 : i32
      %gather3A_1683 = arith.constant 0 : i32
      %gather3A_1684 = tpu.memref_slice %arg7[%gather3A_1681, %gather3A_1682, %gather3A_1683] : memref<2x6x80xf32, #tpu.memory_space<vmem>> -> memref<1x6x80xf32, #tpu.memory_space<vmem>>
      %gather3A_1685 = tpu.memref_squeeze %gather3A_1684 : memref<1x6x80xf32, #tpu.memory_space<vmem>> -> memref<6x80xf32, #tpu.memory_space<vmem>>
      %gather3A_1686 = tpu.vector_load_idx %gather3A_1685[%add3A_1677, %add3A_1680] : memref<6x80xf32, #tpu.memory_space<vmem>>[vector<16xi32>, vector<16xi32>], vector<16xf32>,
      %sub3A_1687 = arith.subf %gather3A_1633, %gather3A_1686 : vector<16xf32>
      %abs3A_1688 = math.absf %sub3A_1687 : vector<16xf32>
      %add3A_1689 = arith.addf %scan3A_1607, %abs3A_1688 : vector<16xf32>
      %sub3A_1690 = arith.subf %gather3A_1639, %gather3A_1686 : vector<16xf32>
      %abs3A_1691 = math.absf %sub3A_1690 : vector<16xf32>
      %add3A_1692 = arith.addf %scan3A_1608, %abs3A_1691 : vector<16xf32>
      %add3A_1693 = arith.constant 3 : i32
      %add3A_1694 = vector.broadcast %add3A_1693 : i32 to vector<16xi32>
      %add3A_1695 = arith.addi %mul3A_1, %add3A_1694 : vector<16xi32>
      %add3A_1696 = arith.constant 1 : i32
      %add3A_1697 = vector.broadcast %add3A_1696 : i32 to vector<16xi32>
      %add3A_1698 = arith.addi %broadcast_in_dim3A_1627, %add3A_1697 : vector<16xi32>
      %gather3A_1699 = arith.constant 0 : i32
      %gather3A_1700 = arith.constant 0 : i32
      %gather3A_1701 = arith.constant 0 : i32
      %gather3A_1702 = tpu.memref_slice %arg7[%gather3A_1699, %gather3A_1700, %gather3A_1701] : memref<2x6x80xf32, #tpu.memory_space<vmem>> -> memref<1x6x80xf32, #tpu.memory_space<vmem>>
      %gather3A_1703 = tpu.memref_squeeze %gather3A_1702 : memref<1x6x80xf32, #tpu.memory_space<vmem>> -> memref<6x80xf32, #tpu.memory_space<vmem>>
      %gather3A_1704 = tpu.vector_load_idx %gather3A_1703[%add3A_1695, %add3A_1698] : memref<6x80xf32, #tpu.memory_space<vmem>>[vector<16xi32>, vector<16xi32>], vector<16xf32>,
      %sub3A_1705 = arith.subf %gather3A_1633, %gather3A_1704 : vector<16xf32>
      %abs3A_1706 = math.absf %sub3A_1705 : vector<16xf32>
      %add3A_1707 = arith.addf %scan3A_1609, %abs3A_1706 : vector<16xf32>
      %sub3A_1708 = arith.subf %gather3A_1639, %gather3A_1704 : vector<16xf32>
      %abs3A_1709 = math.absf %sub3A_1708 : vector<16xf32>
      %add3A_1710 = arith.addf %scan3A_1610, %abs3A_1709 : vector<16xf32>
      %add3A_1711 = arith.constant 4 : i32
      %add3A_1712 = vector.broadcast %add3A_1711 : i32 to vector<16xi32>
      %add3A_1713 = arith.addi %mul3A_1, %add3A_1712 : vector<16xi32>
      %add3A_1714 = arith.constant 1 : i32
      %add3A_1715 = vector.broadcast %add3A_1714 : i32 to vector<16xi32>
      %add3A_1716 = arith.addi %broadcast_in_dim3A_1627, %add3A_1715 : vector<16xi32>
      %gather3A_1717 = arith.constant 0 : i32
      %gather3A_1718 = arith.constant 0 : i32
      %gather3A_1719 = arith.constant 0 : i32
      %gather3A_1720 = tpu.memref_slice %arg7[%gather3A_1717, %gather3A_1718, %gather3A_1719] : memref<2x6x80xf32, #tpu.memory_space<vmem>> -> memref<1x6x80xf32, #tpu.memory_space<vmem>>
      %gather3A_1721 = tpu.memref_squeeze %gather3A_1720 : memref<1x6x80xf32, #tpu.memory_space<vmem>> -> memref<6x80xf32, #tpu.memory_space<vmem>>
      %gather3A_1722 = tpu.vector_load_idx %gather3A_1721[%add3A_1713, %add3A_1716] : memref<6x80xf32, #tpu.memory_space<vmem>>[vector<16xi32>, vector<16xi32>], vector<16xf32>,
      %sub3A_1723 = arith.subf %gather3A_1633, %gather3A_1722 : vector<16xf32>
      %abs3A_1724 = math.absf %sub3A_1723 : vector<16xf32>
      %add3A_1725 = arith.addf %scan3A_1611, %abs3A_1724 : vector<16xf32>
      %sub3A_1726 = arith.subf %gather3A_1639, %gather3A_1722 : vector<16xf32>
      %abs3A_1727 = math.absf %sub3A_1726 : vector<16xf32>
      %add3A_1728 = arith.addf %scan3A_1612, %abs3A_1727 : vector<16xf32>
      %add3A_1729 = arith.constant 5 : i32
      %add3A_1730 = vector.broadcast %add3A_1729 : i32 to vector<16xi32>
      %add3A_1731 = arith.addi %mul3A_1, %add3A_1730 : vector<16xi32>
      %add3A_1732 = arith.constant 1 : i32
      %add3A_1733 = vector.broadcast %add3A_1732 : i32 to vector<16xi32>
      %add3A_1734 = arith.addi %broadcast_in_dim3A_1627, %add3A_1733 : vector<16xi32>
      %gather3A_1735 = arith.constant 0 : i32
      %gather3A_1736 = arith.constant 0 : i32
      %gather3A_1737 = arith.constant 0 : i32
      %gather3A_1738 = tpu.memref_slice %arg7[%gather3A_1735, %gather3A_1736, %gather3A_1737] : memref<2x6x80xf32, #tpu.memory_space<vmem>> -> memref<1x6x80xf32, #tpu.memory_space<vmem>>
      %gather3A_1739 = tpu.memref_squeeze %gather3A_1738 : memref<1x6x80xf32, #tpu.memory_space<vmem>> -> memref<6x80xf32, #tpu.memory_space<vmem>>
      %gather3A_1740 = tpu.vector_load_idx %gather3A_1739[%add3A_1731, %add3A_1734] : memref<6x80xf32, #tpu.memory_space<vmem>>[vector<16xi32>, vector<16xi32>], vector<16xf32>,
      %sub3A_1741 = arith.subf %gather3A_1633, %gather3A_1740 : vector<16xf32>
      %abs3A_1742 = math.absf %sub3A_1741 : vector<16xf32>
      %add3A_1743 = arith.addf %scan3A_1613, %abs3A_1742 : vector<16xf32>
      %sub3A_1744 = arith.subf %gather3A_1639, %gather3A_1740 : vector<16xf32>
      %abs3A_1745 = math.absf %sub3A_1744 : vector<16xf32>
      %add3A_1746 = arith.addf %scan3A_1614, %abs3A_1745 : vector<16xf32>
      %gather3A_1747 = arith.constant 1 : i32
      %gather3A_1748 = arith.constant 0 : i32
      %gather3A_1749 = arith.constant 0 : i32
      %gather3A_1750 = tpu.memref_slice %arg6[%gather3A_1747, %gather3A_1748, %gather3A_1749] : memref<2x32x72xf32, #tpu.memory_space<vmem>> -> memref<1x32x72xf32, #tpu.memory_space<vmem>>
      %gather3A_1751 = tpu.memref_squeeze %gather3A_1750 : memref<1x32x72xf32, #tpu.memory_space<vmem>> -> memref<32x72xf32, #tpu.memory_space<vmem>>
      %gather3A_1752 = tpu.vector_load_idx %gather3A_1751[%iota3A, %broadcast_in_dim3A_1627] : memref<32x72xf32, #tpu.memory_space<vmem>>[vector<16xi32>, vector<16xi32>], vector<16xf32>,
      %gather3A_1753 = arith.constant 1 : i32
      %gather3A_1754 = arith.constant 0 : i32
      %gather3A_1755 = arith.constant 0 : i32
      %gather3A_1756 = tpu.memref_slice %arg6[%gather3A_1753, %gather3A_1754, %gather3A_1755] : memref<2x32x72xf32, #tpu.memory_space<vmem>> -> memref<1x32x72xf32, #tpu.memory_space<vmem>>
      %gather3A_1757 = tpu.memref_squeeze %gather3A_1756 : memref<1x32x72xf32, #tpu.memory_space<vmem>> -> memref<32x72xf32, #tpu.memory_space<vmem>>
      %gather3A_1758 = tpu.vector_load_idx %gather3A_1757[%add3A_3, %broadcast_in_dim3A_1627] : memref<32x72xf32, #tpu.memory_space<vmem>>[vector<16xi32>, vector<16xi32>], vector<16xf32>,
      %add3A_1759 = arith.constant 0 : i32
      %add3A_1760 = vector.broadcast %add3A_1759 : i32 to vector<16xi32>
      %add3A_1761 = arith.addi %mul3A_1, %add3A_1760 : vector<16xi32>
      %add3A_1762 = arith.constant 1 : i32
      %add3A_1763 = vector.broadcast %add3A_1762 : i32 to vector<16xi32>
      %add3A_1764 = arith.addi %broadcast_in_dim3A_1627, %add3A_1763 : vector<16xi32>
      %gather3A_1765 = arith.constant 1 : i32
      %gather3A_1766 = arith.constant 0 : i32
      %gather3A_1767 = arith.constant 0 : i32
      %gather3A_1768 = tpu.memref_slice %arg7[%gather3A_1765, %gather3A_1766, %gather3A_1767] : memref<2x6x80xf32, #tpu.memory_space<vmem>> -> memref<1x6x80xf32, #tpu.memory_space<vmem>>
      %gather3A_1769 = tpu.memref_squeeze %gather3A_1768 : memref<1x6x80xf32, #tpu.memory_space<vmem>> -> memref<6x80xf32, #tpu.memory_space<vmem>>
      %gather3A_1770 = tpu.vector_load_idx %gather3A_1769[%add3A_1761, %add3A_1764] : memref<6x80xf32, #tpu.memory_space<vmem>>[vector<16xi32>, vector<16xi32>], vector<16xf32>,
      %sub3A_1771 = arith.subf %gather3A_1752, %gather3A_1770 : vector<16xf32>
      %abs3A_1772 = math.absf %sub3A_1771 : vector<16xf32>
      %add3A_1773 = arith.addf %scan3A_1615, %abs3A_1772 : vector<16xf32>
      %sub3A_1774 = arith.subf %gather3A_1758, %gather3A_1770 : vector<16xf32>
      %abs3A_1775 = math.absf %sub3A_1774 : vector<16xf32>
      %add3A_1776 = arith.addf %scan3A_1616, %abs3A_1775 : vector<16xf32>
      %add3A_1777 = arith.constant 1 : i32
      %add3A_1778 = vector.broadcast %add3A_1777 : i32 to vector<16xi32>
      %add3A_1779 = arith.addi %mul3A_1, %add3A_1778 : vector<16xi32>
      %add3A_1780 = arith.constant 1 : i32
      %add3A_1781 = vector.broadcast %add3A_1780 : i32 to vector<16xi32>
      %add3A_1782 = arith.addi %broadcast_in_dim3A_1627, %add3A_1781 : vector<16xi32>
      %gather3A_1783 = arith.constant 1 : i32
      %gather3A_1784 = arith.constant 0 : i32
      %gather3A_1785 = arith.constant 0 : i32
      %gather3A_1786 = tpu.memref_slice %arg7[%gather3A_1783, %gather3A_1784, %gather3A_1785] : memref<2x6x80xf32, #tpu.memory_space<vmem>> -> memref<1x6x80xf32, #tpu.memory_space<vmem>>
      %gather3A_1787 = tpu.memref_squeeze %gather3A_1786 : memref<1x6x80xf32, #tpu.memory_space<vmem>> -> memref<6x80xf32, #tpu.memory_space<vmem>>
      %gather3A_1788 = tpu.vector_load_idx %gather3A_1787[%add3A_1779, %add3A_1782] : memref<6x80xf32, #tpu.memory_space<vmem>>[vector<16xi32>, vector<16xi32>], vector<16xf32>,
      %sub3A_1789 = arith.subf %gather3A_1752, %gather3A_1788 : vector<16xf32>
      %abs3A_1790 = math.absf %sub3A_1789 : vector<16xf32>
      %add3A_1791 = arith.addf %scan3A_1617, %abs3A_1790 : vector<16xf32>
      %sub3A_1792 = arith.subf %gather3A_1758, %gather3A_1788 : vector<16xf32>
      %abs3A_1793 = math.absf %sub3A_1792 : vector<16xf32>
      %add3A_1794 = arith.addf %scan3A_1618, %abs3A_1793 : vector<16xf32>
      %add3A_1795 = arith.constant 2 : i32
      %add3A_1796 = vector.broadcast %add3A_1795 : i32 to vector<16xi32>
      %add3A_1797 = arith.addi %mul3A_1, %add3A_1796 : vector<16xi32>
      %add3A_1798 = arith.constant 1 : i32
      %add3A_1799 = vector.broadcast %add3A_1798 : i32 to vector<16xi32>
      %add3A_1800 = arith.addi %broadcast_in_dim3A_1627, %add3A_1799 : vector<16xi32>
      %gather3A_1801 = arith.constant 1 : i32
      %gather3A_1802 = arith.constant 0 : i32
      %gather3A_1803 = arith.constant 0 : i32
      %gather3A_1804 = tpu.memref_slice %arg7[%gather3A_1801, %gather3A_1802, %gather3A_1803] : memref<2x6x80xf32, #tpu.memory_space<vmem>> -> memref<1x6x80xf32, #tpu.memory_space<vmem>>
      %gather3A_1805 = tpu.memref_squeeze %gather3A_1804 : memref<1x6x80xf32, #tpu.memory_space<vmem>> -> memref<6x80xf32, #tpu.memory_space<vmem>>
      %gather3A_1806 = tpu.vector_load_idx %gather3A_1805[%add3A_1797, %add3A_1800] : memref<6x80xf32, #tpu.memory_space<vmem>>[vector<16xi32>, vector<16xi32>], vector<16xf32>,
      %sub3A_1807 = arith.subf %gather3A_1752, %gather3A_1806 : vector<16xf32>
      %abs3A_1808 = math.absf %sub3A_1807 : vector<16xf32>
      %add3A_1809 = arith.addf %scan3A_1619, %abs3A_1808 : vector<16xf32>
      %sub3A_1810 = arith.subf %gather3A_1758, %gather3A_1806 : vector<16xf32>
      %abs3A_1811 = math.absf %sub3A_1810 : vector<16xf32>
      %add3A_1812 = arith.addf %scan3A_1620, %abs3A_1811 : vector<16xf32>
      %add3A_1813 = arith.constant 3 : i32
      %add3A_1814 = vector.broadcast %add3A_1813 : i32 to vector<16xi32>
      %add3A_1815 = arith.addi %mul3A_1, %add3A_1814 : vector<16xi32>
      %add3A_1816 = arith.constant 1 : i32
      %add3A_1817 = vector.broadcast %add3A_1816 : i32 to vector<16xi32>
      %add3A_1818 = arith.addi %broadcast_in_dim3A_1627, %add3A_1817 : vector<16xi32>
      %gather3A_1819 = arith.constant 1 : i32
      %gather3A_1820 = arith.constant 0 : i32
      %gather3A_1821 = arith.constant 0 : i32
      %gather3A_1822 = tpu.memref_slice %arg7[%gather3A_1819, %gather3A_1820, %gather3A_1821] : memref<2x6x80xf32, #tpu.memory_space<vmem>> -> memref<1x6x80xf32, #tpu.memory_space<vmem>>
      %gather3A_1823 = tpu.memref_squeeze %gather3A_1822 : memref<1x6x80xf32, #tpu.memory_space<vmem>> -> memref<6x80xf32, #tpu.memory_space<vmem>>
      %gather3A_1824 = tpu.vector_load_idx %gather3A_1823[%add3A_1815, %add3A_1818] : memref<6x80xf32, #tpu.memory_space<vmem>>[vector<16xi32>, vector<16xi32>], vector<16xf32>,
      %sub3A_1825 = arith.subf %gather3A_1752, %gather3A_1824 : vector<16xf32>
      %abs3A_1826 = math.absf %sub3A_1825 : vector<16xf32>
      %add3A_1827 = arith.addf %scan3A_1621, %abs3A_1826 : vector<16xf32>
      %sub3A_1828 = arith.subf %gather3A_1758, %gather3A_1824 : vector<16xf32>
      %abs3A_1829 = math.absf %sub3A_1828 : vector<16xf32>
      %add3A_1830 = arith.addf %scan3A_1622, %abs3A_1829 : vector<16xf32>
      %add3A_1831 = arith.constant 4 : i32
      %add3A_1832 = vector.broadcast %add3A_1831 : i32 to vector<16xi32>
      %add3A_1833 = arith.addi %mul3A_1, %add3A_1832 : vector<16xi32>
      %add3A_1834 = arith.constant 1 : i32
      %add3A_1835 = vector.broadcast %add3A_1834 : i32 to vector<16xi32>
      %add3A_1836 = arith.addi %broadcast_in_dim3A_1627, %add3A_1835 : vector<16xi32>
      %gather3A_1837 = arith.constant 1 : i32
      %gather3A_1838 = arith.constant 0 : i32
      %gather3A_1839 = arith.constant 0 : i32
      %gather3A_1840 = tpu.memref_slice %arg7[%gather3A_1837, %gather3A_1838, %gather3A_1839] : memref<2x6x80xf32, #tpu.memory_space<vmem>> -> memref<1x6x80xf32, #tpu.memory_space<vmem>>
      %gather3A_1841 = tpu.memref_squeeze %gather3A_1840 : memref<1x6x80xf32, #tpu.memory_space<vmem>> -> memref<6x80xf32, #tpu.memory_space<vmem>>
      %gather3A_1842 = tpu.vector_load_idx %gather3A_1841[%add3A_1833, %add3A_1836] : memref<6x80xf32, #tpu.memory_space<vmem>>[vector<16xi32>, vector<16xi32>], vector<16xf32>,
      %sub3A_1843 = arith.subf %gather3A_1752, %gather3A_1842 : vector<16xf32>
      %abs3A_1844 = math.absf %sub3A_1843 : vector<16xf32>
      %add3A_1845 = arith.addf %scan3A_1623, %abs3A_1844 : vector<16xf32>
      %sub3A_1846 = arith.subf %gather3A_1758, %gather3A_1842 : vector<16xf32>
      %abs3A_1847 = math.absf %sub3A_1846 : vector<16xf32>
      %add3A_1848 = arith.addf %scan3A_1624, %abs3A_1847 : vector<16xf32>
      %add3A_1849 = arith.constant 5 : i32
      %add3A_1850 = vector.broadcast %add3A_1849 : i32 to vector<16xi32>
      %add3A_1851 = arith.addi %mul3A_1, %add3A_1850 : vector<16xi32>
      %add3A_1852 = arith.constant 1 : i32
      %add3A_1853 = vector.broadcast %add3A_1852 : i32 to vector<16xi32>
      %add3A_1854 = arith.addi %broadcast_in_dim3A_1627, %add3A_1853 : vector<16xi32>
      %gather3A_1855 = arith.constant 1 : i32
      %gather3A_1856 = arith.constant 0 : i32
      %gather3A_1857 = arith.constant 0 : i32
      %gather3A_1858 = tpu.memref_slice %arg7[%gather3A_1855, %gather3A_1856, %gather3A_1857] : memref<2x6x80xf32, #tpu.memory_space<vmem>> -> memref<1x6x80xf32, #tpu.memory_space<vmem>>
      %gather3A_1859 = tpu.memref_squeeze %gather3A_1858 : memref<1x6x80xf32, #tpu.memory_space<vmem>> -> memref<6x80xf32, #tpu.memory_space<vmem>>
      %gather3A_1860 = tpu.vector_load_idx %gather3A_1859[%add3A_1851, %add3A_1854] : memref<6x80xf32, #tpu.memory_space<vmem>>[vector<16xi32>, vector<16xi32>], vector<16xf32>,
      %sub3A_1861 = arith.subf %gather3A_1752, %gather3A_1860 : vector<16xf32>
      %abs3A_1862 = math.absf %sub3A_1861 : vector<16xf32>
      %add3A_1863 = arith.addf %scan3A_1625, %abs3A_1862 : vector<16xf32>
      %sub3A_1864 = arith.subf %gather3A_1758, %gather3A_1860 : vector<16xf32>
      %abs3A_1865 = math.absf %sub3A_1864 : vector<16xf32>
      %add3A_1866 = arith.addf %scan3A_1626, %abs3A_1865 : vector<16xf32>
      %scan3A_1867 = arith.constant 1 : i32
      %scan3A_1868 = arith.addi %scan3A_1602, %scan3A_1867 : i32
      %broadcast_in_dim3A_1869 = vector.broadcast %scan3A_1868 : i32 to vector<16xi32>
      %gather3A_1870 = arith.constant 0 : i32
      %gather3A_1871 = arith.constant 0 : i32
      %gather3A_1872 = arith.constant 0 : i32
      %gather3A_1873 = tpu.memref_slice %arg6[%gather3A_1870, %gather3A_1871, %gather3A_1872] : memref<2x32x72xf32, #tpu.memory_space<vmem>> -> memref<1x32x72xf32, #tpu.memory_space<vmem>>
      %gather3A_1874 = tpu.memref_squeeze %gather3A_1873 : memref<1x32x72xf32, #tpu.memory_space<vmem>> -> memref<32x72xf32, #tpu.memory_space<vmem>>
      %gather3A_1875 = tpu.vector_load_idx %gather3A_1874[%iota3A, %broadcast_in_dim3A_1869] : memref<32x72xf32, #tpu.memory_space<vmem>>[vector<16xi32>, vector<16xi32>], vector<16xf32>,
      %gather3A_1876 = arith.constant 0 : i32
      %gather3A_1877 = arith.constant 0 : i32
      %gather3A_1878 = arith.constant 0 : i32
      %gather3A_1879 = tpu.memref_slice %arg6[%gather3A_1876, %gather3A_1877, %gather3A_1878] : memref<2x32x72xf32, #tpu.memory_space<vmem>> -> memref<1x32x72xf32, #tpu.memory_space<vmem>>
      %gather3A_1880 = tpu.memref_squeeze %gather3A_1879 : memref<1x32x72xf32, #tpu.memory_space<vmem>> -> memref<32x72xf32, #tpu.memory_space<vmem>>
      %gather3A_1881 = tpu.vector_load_idx %gather3A_1880[%add3A_3, %broadcast_in_dim3A_1869] : memref<32x72xf32, #tpu.memory_space<vmem>>[vector<16xi32>, vector<16xi32>], vector<16xf32>,
      %add3A_1882 = arith.constant 0 : i32
      %add3A_1883 = vector.broadcast %add3A_1882 : i32 to vector<16xi32>
      %add3A_1884 = arith.addi %mul3A_1, %add3A_1883 : vector<16xi32>
      %add3A_1885 = arith.constant 1 : i32
      %add3A_1886 = vector.broadcast %add3A_1885 : i32 to vector<16xi32>
      %add3A_1887 = arith.addi %broadcast_in_dim3A_1869, %add3A_1886 : vector<16xi32>
      %gather3A_1888 = arith.constant 0 : i32
      %gather3A_1889 = arith.constant 0 : i32
      %gather3A_1890 = arith.constant 0 : i32
      %gather3A_1891 = tpu.memref_slice %arg7[%gather3A_1888, %gather3A_1889, %gather3A_1890] : memref<2x6x80xf32, #tpu.memory_space<vmem>> -> memref<1x6x80xf32, #tpu.memory_space<vmem>>
      %gather3A_1892 = tpu.memref_squeeze %gather3A_1891 : memref<1x6x80xf32, #tpu.memory_space<vmem>> -> memref<6x80xf32, #tpu.memory_space<vmem>>
      %gather3A_1893 = tpu.vector_load_idx %gather3A_1892[%add3A_1884, %add3A_1887] : memref<6x80xf32, #tpu.memory_space<vmem>>[vector<16xi32>, vector<16xi32>], vector<16xf32>,
      %sub3A_1894 = arith.subf %gather3A_1875, %gather3A_1893 : vector<16xf32>
      %abs3A_1895 = math.absf %sub3A_1894 : vector<16xf32>
      %add3A_1896 = arith.addf %add3A_1653, %abs3A_1895 : vector<16xf32>
      %sub3A_1897 = arith.subf %gather3A_1881, %gather3A_1893 : vector<16xf32>
      %abs3A_1898 = math.absf %sub3A_1897 : vector<16xf32>
      %add3A_1899 = arith.addf %add3A_1656, %abs3A_1898 : vector<16xf32>
      %add3A_1900 = arith.constant 1 : i32
      %add3A_1901 = vector.broadcast %add3A_1900 : i32 to vector<16xi32>
      %add3A_1902 = arith.addi %mul3A_1, %add3A_1901 : vector<16xi32>
      %add3A_1903 = arith.constant 1 : i32
      %add3A_1904 = vector.broadcast %add3A_1903 : i32 to vector<16xi32>
      %add3A_1905 = arith.addi %broadcast_in_dim3A_1869, %add3A_1904 : vector<16xi32>
      %gather3A_1906 = arith.constant 0 : i32
      %gather3A_1907 = arith.constant 0 : i32
      %gather3A_1908 = arith.constant 0 : i32
      %gather3A_1909 = tpu.memref_slice %arg7[%gather3A_1906, %gather3A_1907, %gather3A_1908] : memref<2x6x80xf32, #tpu.memory_space<vmem>> -> memref<1x6x80xf32, #tpu.memory_space<vmem>>
      %gather3A_1910 = tpu.memref_squeeze %gather3A_1909 : memref<1x6x80xf32, #tpu.memory_space<vmem>> -> memref<6x80xf32, #tpu.memory_space<vmem>>
      %gather3A_1911 = tpu.vector_load_idx %gather3A_1910[%add3A_1902, %add3A_1905] : memref<6x80xf32, #tpu.memory_space<vmem>>[vector<16xi32>, vector<16xi32>], vector<16xf32>,
      %sub3A_1912 = arith.subf %gather3A_1875, %gather3A_1911 : vector<16xf32>
      %abs3A_1913 = math.absf %sub3A_1912 : vector<16xf32>
      %add3A_1914 = arith.addf %add3A_1671, %abs3A_1913 : vector<16xf32>
      %sub3A_1915 = arith.subf %gather3A_1881, %gather3A_1911 : vector<16xf32>
      %abs3A_1916 = math.absf %sub3A_1915 : vector<16xf32>
      %add3A_1917 = arith.addf %add3A_1674, %abs3A_1916 : vector<16xf32>
      %add3A_1918 = arith.constant 2 : i32
      %add3A_1919 = vector.broadcast %add3A_1918 : i32 to vector<16xi32>
      %add3A_1920 = arith.addi %mul3A_1, %add3A_1919 : vector<16xi32>
      %add3A_1921 = arith.constant 1 : i32
      %add3A_1922 = vector.broadcast %add3A_1921 : i32 to vector<16xi32>
      %add3A_1923 = arith.addi %broadcast_in_dim3A_1869, %add3A_1922 : vector<16xi32>
      %gather3A_1924 = arith.constant 0 : i32
      %gather3A_1925 = arith.constant 0 : i32
      %gather3A_1926 = arith.constant 0 : i32
      %gather3A_1927 = tpu.memref_slice %arg7[%gather3A_1924, %gather3A_1925, %gather3A_1926] : memref<2x6x80xf32, #tpu.memory_space<vmem>> -> memref<1x6x80xf32, #tpu.memory_space<vmem>>
      %gather3A_1928 = tpu.memref_squeeze %gather3A_1927 : memref<1x6x80xf32, #tpu.memory_space<vmem>> -> memref<6x80xf32, #tpu.memory_space<vmem>>
      %gather3A_1929 = tpu.vector_load_idx %gather3A_1928[%add3A_1920, %add3A_1923] : memref<6x80xf32, #tpu.memory_space<vmem>>[vector<16xi32>, vector<16xi32>], vector<16xf32>,
      %sub3A_1930 = arith.subf %gather3A_1875, %gather3A_1929 : vector<16xf32>
      %abs3A_1931 = math.absf %sub3A_1930 : vector<16xf32>
      %add3A_1932 = arith.addf %add3A_1689, %abs3A_1931 : vector<16xf32>
      %sub3A_1933 = arith.subf %gather3A_1881, %gather3A_1929 : vector<16xf32>
      %abs3A_1934 = math.absf %sub3A_1933 : vector<16xf32>
      %add3A_1935 = arith.addf %add3A_1692, %abs3A_1934 : vector<16xf32>
      %add3A_1936 = arith.constant 3 : i32
      %add3A_1937 = vector.broadcast %add3A_1936 : i32 to vector<16xi32>
      %add3A_1938 = arith.addi %mul3A_1, %add3A_1937 : vector<16xi32>
      %add3A_1939 = arith.constant 1 : i32
      %add3A_1940 = vector.broadcast %add3A_1939 : i32 to vector<16xi32>
      %add3A_1941 = arith.addi %broadcast_in_dim3A_1869, %add3A_1940 : vector<16xi32>
      %gather3A_1942 = arith.constant 0 : i32
      %gather3A_1943 = arith.constant 0 : i32
      %gather3A_1944 = arith.constant 0 : i32
      %gather3A_1945 = tpu.memref_slice %arg7[%gather3A_1942, %gather3A_1943, %gather3A_1944] : memref<2x6x80xf32, #tpu.memory_space<vmem>> -> memref<1x6x80xf32, #tpu.memory_space<vmem>>
      %gather3A_1946 = tpu.memref_squeeze %gather3A_1945 : memref<1x6x80xf32, #tpu.memory_space<vmem>> -> memref<6x80xf32, #tpu.memory_space<vmem>>
      %gather3A_1947 = tpu.vector_load_idx %gather3A_1946[%add3A_1938, %add3A_1941] : memref<6x80xf32, #tpu.memory_space<vmem>>[vector<16xi32>, vector<16xi32>], vector<16xf32>,
      %sub3A_1948 = arith.subf %gather3A_1875, %gather3A_1947 : vector<16xf32>
      %abs3A_1949 = math.absf %sub3A_1948 : vector<16xf32>
      %add3A_1950 = arith.addf %add3A_1707, %abs3A_1949 : vector<16xf32>
      %sub3A_1951 = arith.subf %gather3A_1881, %gather3A_1947 : vector<16xf32>
      %abs3A_1952 = math.absf %sub3A_1951 : vector<16xf32>
      %add3A_1953 = arith.addf %add3A_1710, %abs3A_1952 : vector<16xf32>
      %add3A_1954 = arith.constant 4 : i32
      %add3A_1955 = vector.broadcast %add3A_1954 : i32 to vector<16xi32>
      %add3A_1956 = arith.addi %mul3A_1, %add3A_1955 : vector<16xi32>
      %add3A_1957 = arith.constant 1 : i32
      %add3A_1958 = vector.broadcast %add3A_1957 : i32 to vector<16xi32>
      %add3A_1959 = arith.addi %broadcast_in_dim3A_1869, %add3A_1958 : vector<16xi32>
      %gather3A_1960 = arith.constant 0 : i32
      %gather3A_1961 = arith.constant 0 : i32
      %gather3A_1962 = arith.constant 0 : i32
      %gather3A_1963 = tpu.memref_slice %arg7[%gather3A_1960, %gather3A_1961, %gather3A_1962] : memref<2x6x80xf32, #tpu.memory_space<vmem>> -> memref<1x6x80xf32, #tpu.memory_space<vmem>>
      %gather3A_1964 = tpu.memref_squeeze %gather3A_1963 : memref<1x6x80xf32, #tpu.memory_space<vmem>> -> memref<6x80xf32, #tpu.memory_space<vmem>>
      %gather3A_1965 = tpu.vector_load_idx %gather3A_1964[%add3A_1956, %add3A_1959] : memref<6x80xf32, #tpu.memory_space<vmem>>[vector<16xi32>, vector<16xi32>], vector<16xf32>,
      %sub3A_1966 = arith.subf %gather3A_1875, %gather3A_1965 : vector<16xf32>
      %abs3A_1967 = math.absf %sub3A_1966 : vector<16xf32>
      %add3A_1968 = arith.addf %add3A_1725, %abs3A_1967 : vector<16xf32>
      %sub3A_1969 = arith.subf %gather3A_1881, %gather3A_1965 : vector<16xf32>
      %abs3A_1970 = math.absf %sub3A_1969 : vector<16xf32>
      %add3A_1971 = arith.addf %add3A_1728, %abs3A_1970 : vector<16xf32>
      %add3A_1972 = arith.constant 5 : i32
      %add3A_1973 = vector.broadcast %add3A_1972 : i32 to vector<16xi32>
      %add3A_1974 = arith.addi %mul3A_1, %add3A_1973 : vector<16xi32>
      %add3A_1975 = arith.constant 1 : i32
      %add3A_1976 = vector.broadcast %add3A_1975 : i32 to vector<16xi32>
      %add3A_1977 = arith.addi %broadcast_in_dim3A_1869, %add3A_1976 : vector<16xi32>
      %gather3A_1978 = arith.constant 0 : i32
      %gather3A_1979 = arith.constant 0 : i32
      %gather3A_1980 = arith.constant 0 : i32
      %gather3A_1981 = tpu.memref_slice %arg7[%gather3A_1978, %gather3A_1979, %gather3A_1980] : memref<2x6x80xf32, #tpu.memory_space<vmem>> -> memref<1x6x80xf32, #tpu.memory_space<vmem>>
      %gather3A_1982 = tpu.memref_squeeze %gather3A_1981 : memref<1x6x80xf32, #tpu.memory_space<vmem>> -> memref<6x80xf32, #tpu.memory_space<vmem>>
      %gather3A_1983 = tpu.vector_load_idx %gather3A_1982[%add3A_1974, %add3A_1977] : memref<6x80xf32, #tpu.memory_space<vmem>>[vector<16xi32>, vector<16xi32>], vector<16xf32>,
      %sub3A_1984 = arith.subf %gather3A_1875, %gather3A_1983 : vector<16xf32>
      %abs3A_1985 = math.absf %sub3A_1984 : vector<16xf32>
      %add3A_1986 = arith.addf %add3A_1743, %abs3A_1985 : vector<16xf32>
      %sub3A_1987 = arith.subf %gather3A_1881, %gather3A_1983 : vector<16xf32>
      %abs3A_1988 = math.absf %sub3A_1987 : vector<16xf32>
      %add3A_1989 = arith.addf %add3A_1746, %abs3A_1988 : vector<16xf32>
      %gather3A_1990 = arith.constant 1 : i32
      %gather3A_1991 = arith.constant 0 : i32
      %gather3A_1992 = arith.constant 0 : i32
      %gather3A_1993 = tpu.memref_slice %arg6[%gather3A_1990, %gather3A_1991, %gather3A_1992] : memref<2x32x72xf32, #tpu.memory_space<vmem>> -> memref<1x32x72xf32, #tpu.memory_space<vmem>>
      %gather3A_1994 = tpu.memref_squeeze %gather3A_1993 : memref<1x32x72xf32, #tpu.memory_space<vmem>> -> memref<32x72xf32, #tpu.memory_space<vmem>>
      %gather3A_1995 = tpu.vector_load_idx %gather3A_1994[%iota3A, %broadcast_in_dim3A_1869] : memref<32x72xf32, #tpu.memory_space<vmem>>[vector<16xi32>, vector<16xi32>], vector<16xf32>,
      %gather3A_1996 = arith.constant 1 : i32
      %gather3A_1997 = arith.constant 0 : i32
      %gather3A_1998 = arith.constant 0 : i32
      %gather3A_1999 = tpu.memref_slice %arg6[%gather3A_1996, %gather3A_1997, %gather3A_1998] : memref<2x32x72xf32, #tpu.memory_space<vmem>> -> memref<1x32x72xf32, #tpu.memory_space<vmem>>
      %gather3A_2000 = tpu.memref_squeeze %gather3A_1999 : memref<1x32x72xf32, #tpu.memory_space<vmem>> -> memref<32x72xf32, #tpu.memory_space<vmem>>
      %gather3A_2001 = tpu.vector_load_idx %gather3A_2000[%add3A_3, %broadcast_in_dim3A_1869] : memref<32x72xf32, #tpu.memory_space<vmem>>[vector<16xi32>, vector<16xi32>], vector<16xf32>,
      %add3A_2002 = arith.constant 0 : i32
      %add3A_2003 = vector.broadcast %add3A_2002 : i32 to vector<16xi32>
      %add3A_2004 = arith.addi %mul3A_1, %add3A_2003 : vector<16xi32>
      %add3A_2005 = arith.constant 1 : i32
      %add3A_2006 = vector.broadcast %add3A_2005 : i32 to vector<16xi32>
      %add3A_2007 = arith.addi %broadcast_in_dim3A_1869, %add3A_2006 : vector<16xi32>
      %gather3A_2008 = arith.constant 1 : i32
      %gather3A_2009 = arith.constant 0 : i32
      %gather3A_2010 = arith.constant 0 : i32
      %gather3A_2011 = tpu.memref_slice %arg7[%gather3A_2008, %gather3A_2009, %gather3A_2010] : memref<2x6x80xf32, #tpu.memory_space<vmem>> -> memref<1x6x80xf32, #tpu.memory_space<vmem>>
      %gather3A_2012 = tpu.memref_squeeze %gather3A_2011 : memref<1x6x80xf32, #tpu.memory_space<vmem>> -> memref<6x80xf32, #tpu.memory_space<vmem>>
      %gather3A_2013 = tpu.vector_load_idx %gather3A_2012[%add3A_2004, %add3A_2007] : memref<6x80xf32, #tpu.memory_space<vmem>>[vector<16xi32>, vector<16xi32>], vector<16xf32>,
      %sub3A_2014 = arith.subf %gather3A_1995, %gather3A_2013 : vector<16xf32>
      %abs3A_2015 = math.absf %sub3A_2014 : vector<16xf32>
      %add3A_2016 = arith.addf %add3A_1773, %abs3A_2015 : vector<16xf32>
      %sub3A_2017 = arith.subf %gather3A_2001, %gather3A_2013 : vector<16xf32>
      %abs3A_2018 = math.absf %sub3A_2017 : vector<16xf32>
      %add3A_2019 = arith.addf %add3A_1776, %abs3A_2018 : vector<16xf32>
      %add3A_2020 = arith.constant 1 : i32
      %add3A_2021 = vector.broadcast %add3A_2020 : i32 to vector<16xi32>
      %add3A_2022 = arith.addi %mul3A_1, %add3A_2021 : vector<16xi32>
      %add3A_2023 = arith.constant 1 : i32
      %add3A_2024 = vector.broadcast %add3A_2023 : i32 to vector<16xi32>
      %add3A_2025 = arith.addi %broadcast_in_dim3A_1869, %add3A_2024 : vector<16xi32>
      %gather3A_2026 = arith.constant 1 : i32
      %gather3A_2027 = arith.constant 0 : i32
      %gather3A_2028 = arith.constant 0 : i32
      %gather3A_2029 = tpu.memref_slice %arg7[%gather3A_2026, %gather3A_2027, %gather3A_2028] : memref<2x6x80xf32, #tpu.memory_space<vmem>> -> memref<1x6x80xf32, #tpu.memory_space<vmem>>
      %gather3A_2030 = tpu.memref_squeeze %gather3A_2029 : memref<1x6x80xf32, #tpu.memory_space<vmem>> -> memref<6x80xf32, #tpu.memory_space<vmem>>
      %gather3A_2031 = tpu.vector_load_idx %gather3A_2030[%add3A_2022, %add3A_2025] : memref<6x80xf32, #tpu.memory_space<vmem>>[vector<16xi32>, vector<16xi32>], vector<16xf32>,
      %sub3A_2032 = arith.subf %gather3A_1995, %gather3A_2031 : vector<16xf32>
      %abs3A_2033 = math.absf %sub3A_2032 : vector<16xf32>
      %add3A_2034 = arith.addf %add3A_1791, %abs3A_2033 : vector<16xf32>
      %sub3A_2035 = arith.subf %gather3A_2001, %gather3A_2031 : vector<16xf32>
      %abs3A_2036 = math.absf %sub3A_2035 : vector<16xf32>
      %add3A_2037 = arith.addf %add3A_1794, %abs3A_2036 : vector<16xf32>
      %add3A_2038 = arith.constant 2 : i32
      %add3A_2039 = vector.broadcast %add3A_2038 : i32 to vector<16xi32>
      %add3A_2040 = arith.addi %mul3A_1, %add3A_2039 : vector<16xi32>
      %add3A_2041 = arith.constant 1 : i32
      %add3A_2042 = vector.broadcast %add3A_2041 : i32 to vector<16xi32>
      %add3A_2043 = arith.addi %broadcast_in_dim3A_1869, %add3A_2042 : vector<16xi32>
      %gather3A_2044 = arith.constant 1 : i32
      %gather3A_2045 = arith.constant 0 : i32
      %gather3A_2046 = arith.constant 0 : i32
      %gather3A_2047 = tpu.memref_slice %arg7[%gather3A_2044, %gather3A_2045, %gather3A_2046] : memref<2x6x80xf32, #tpu.memory_space<vmem>> -> memref<1x6x80xf32, #tpu.memory_space<vmem>>
      %gather3A_2048 = tpu.memref_squeeze %gather3A_2047 : memref<1x6x80xf32, #tpu.memory_space<vmem>> -> memref<6x80xf32, #tpu.memory_space<vmem>>
      %gather3A_2049 = tpu.vector_load_idx %gather3A_2048[%add3A_2040, %add3A_2043] : memref<6x80xf32, #tpu.memory_space<vmem>>[vector<16xi32>, vector<16xi32>], vector<16xf32>,
      %sub3A_2050 = arith.subf %gather3A_1995, %gather3A_2049 : vector<16xf32>
      %abs3A_2051 = math.absf %sub3A_2050 : vector<16xf32>
      %add3A_2052 = arith.addf %add3A_1809, %abs3A_2051 : vector<16xf32>
      %sub3A_2053 = arith.subf %gather3A_2001, %gather3A_2049 : vector<16xf32>
      %abs3A_2054 = math.absf %sub3A_2053 : vector<16xf32>
      %add3A_2055 = arith.addf %add3A_1812, %abs3A_2054 : vector<16xf32>
      %add3A_2056 = arith.constant 3 : i32
      %add3A_2057 = vector.broadcast %add3A_2056 : i32 to vector<16xi32>
      %add3A_2058 = arith.addi %mul3A_1, %add3A_2057 : vector<16xi32>
      %add3A_2059 = arith.constant 1 : i32
      %add3A_2060 = vector.broadcast %add3A_2059 : i32 to vector<16xi32>
      %add3A_2061 = arith.addi %broadcast_in_dim3A_1869, %add3A_2060 : vector<16xi32>
      %gather3A_2062 = arith.constant 1 : i32
      %gather3A_2063 = arith.constant 0 : i32
      %gather3A_2064 = arith.constant 0 : i32
      %gather3A_2065 = tpu.memref_slice %arg7[%gather3A_2062, %gather3A_2063, %gather3A_2064] : memref<2x6x80xf32, #tpu.memory_space<vmem>> -> memref<1x6x80xf32, #tpu.memory_space<vmem>>
      %gather3A_2066 = tpu.memref_squeeze %gather3A_2065 : memref<1x6x80xf32, #tpu.memory_space<vmem>> -> memref<6x80xf32, #tpu.memory_space<vmem>>
      %gather3A_2067 = tpu.vector_load_idx %gather3A_2066[%add3A_2058, %add3A_2061] : memref<6x80xf32, #tpu.memory_space<vmem>>[vector<16xi32>, vector<16xi32>], vector<16xf32>,
      %sub3A_2068 = arith.subf %gather3A_1995, %gather3A_2067 : vector<16xf32>
      %abs3A_2069 = math.absf %sub3A_2068 : vector<16xf32>
      %add3A_2070 = arith.addf %add3A_1827, %abs3A_2069 : vector<16xf32>
      %sub3A_2071 = arith.subf %gather3A_2001, %gather3A_2067 : vector<16xf32>
      %abs3A_2072 = math.absf %sub3A_2071 : vector<16xf32>
      %add3A_2073 = arith.addf %add3A_1830, %abs3A_2072 : vector<16xf32>
      %add3A_2074 = arith.constant 4 : i32
      %add3A_2075 = vector.broadcast %add3A_2074 : i32 to vector<16xi32>
      %add3A_2076 = arith.addi %mul3A_1, %add3A_2075 : vector<16xi32>
      %add3A_2077 = arith.constant 1 : i32
      %add3A_2078 = vector.broadcast %add3A_2077 : i32 to vector<16xi32>
      %add3A_2079 = arith.addi %broadcast_in_dim3A_1869, %add3A_2078 : vector<16xi32>
      %gather3A_2080 = arith.constant 1 : i32
      %gather3A_2081 = arith.constant 0 : i32
      %gather3A_2082 = arith.constant 0 : i32
      %gather3A_2083 = tpu.memref_slice %arg7[%gather3A_2080, %gather3A_2081, %gather3A_2082] : memref<2x6x80xf32, #tpu.memory_space<vmem>> -> memref<1x6x80xf32, #tpu.memory_space<vmem>>
      %gather3A_2084 = tpu.memref_squeeze %gather3A_2083 : memref<1x6x80xf32, #tpu.memory_space<vmem>> -> memref<6x80xf32, #tpu.memory_space<vmem>>
      %gather3A_2085 = tpu.vector_load_idx %gather3A_2084[%add3A_2076, %add3A_2079] : memref<6x80xf32, #tpu.memory_space<vmem>>[vector<16xi32>, vector<16xi32>], vector<16xf32>,
      %sub3A_2086 = arith.subf %gather3A_1995, %gather3A_2085 : vector<16xf32>
      %abs3A_2087 = math.absf %sub3A_2086 : vector<16xf32>
      %add3A_2088 = arith.addf %add3A_1845, %abs3A_2087 : vector<16xf32>
      %sub3A_2089 = arith.subf %gather3A_2001, %gather3A_2085 : vector<16xf32>
      %abs3A_2090 = math.absf %sub3A_2089 : vector<16xf32>
      %add3A_2091 = arith.addf %add3A_1848, %abs3A_2090 : vector<16xf32>
      %add3A_2092 = arith.constant 5 : i32
      %add3A_2093 = vector.broadcast %add3A_2092 : i32 to vector<16xi32>
      %add3A_2094 = arith.addi %mul3A_1, %add3A_2093 : vector<16xi32>
      %add3A_2095 = arith.constant 1 : i32
      %add3A_2096 = vector.broadcast %add3A_2095 : i32 to vector<16xi32>
      %add3A_2097 = arith.addi %broadcast_in_dim3A_1869, %add3A_2096 : vector<16xi32>
      %gather3A_2098 = arith.constant 1 : i32
      %gather3A_2099 = arith.constant 0 : i32
      %gather3A_2100 = arith.constant 0 : i32
      %gather3A_2101 = tpu.memref_slice %arg7[%gather3A_2098, %gather3A_2099, %gather3A_2100] : memref<2x6x80xf32, #tpu.memory_space<vmem>> -> memref<1x6x80xf32, #tpu.memory_space<vmem>>
      %gather3A_2102 = tpu.memref_squeeze %gather3A_2101 : memref<1x6x80xf32, #tpu.memory_space<vmem>> -> memref<6x80xf32, #tpu.memory_space<vmem>>
      %gather3A_2103 = tpu.vector_load_idx %gather3A_2102[%add3A_2094, %add3A_2097] : memref<6x80xf32, #tpu.memory_space<vmem>>[vector<16xi32>, vector<16xi32>], vector<16xf32>,
      %sub3A_2104 = arith.subf %gather3A_1995, %gather3A_2103 : vector<16xf32>
      %abs3A_2105 = math.absf %sub3A_2104 : vector<16xf32>
      %add3A_2106 = arith.addf %add3A_1863, %abs3A_2105 : vector<16xf32>
      %sub3A_2107 = arith.subf %gather3A_2001, %gather3A_2103 : vector<16xf32>
      %abs3A_2108 = math.absf %sub3A_2107 : vector<16xf32>
      %add3A_2109 = arith.addf %add3A_1866, %abs3A_2108 : vector<16xf32>
      scf.yield %add3A_1896, %add3A_1899, %add3A_1914, %add3A_1917, %add3A_1932, %add3A_1935, %add3A_1950, %add3A_1953, %add3A_1968, %add3A_1971, %add3A_1986, %add3A_1989, %add3A_2016, %add3A_2019, %add3A_2034, %add3A_2037, %add3A_2052, %add3A_2055, %add3A_2070, %add3A_2073, %add3A_2088, %add3A_2091, %add3A_2106, %add3A_2109 : vector<16xf32>, vector<16xf32>, vector<16xf32>, vector<16xf32>, vector<16xf32>, vector<16xf32>, vector<16xf32>, vector<16xf32>, vector<16xf32>, vector<16xf32>, vector<16xf32>, vector<16xf32>, vector<16xf32>, vector<16xf32>, vector<16xf32>, vector<16xf32>, vector<16xf32>, vector<16xf32>, vector<16xf32>, vector<16xf32>, vector<16xf32>, vector<16xf32>, vector<16xf32>, vector<16xf32>
    }
    %scan3A_219 = arith.constant 72 : i32
    %lt3A = arith.constant 0 : i32
    %lt3A_220 = vector.broadcast %lt3A : i32 to vector<16xi32>
    %lt3A_221 = arith.cmpi slt, %iota3A, %lt3A_220 : vector<16xi32>
    %lt3A_222 = arith.constant 0 : i32
    %lt3A_223 = vector.broadcast %lt3A_222 : i32 to vector<16xi32>
    %lt3A_224 = arith.cmpi slt, %iota3A, %lt3A_223 : vector<16xi32>
    %lt3A_225 = arith.constant 0 : i32
    %lt3A_226 = vector.broadcast %lt3A_225 : i32 to vector<16xi32>
    %lt3A_227 = arith.cmpi slt, %iota3A, %lt3A_226 : vector<16xi32>
    %lt3A_228 = arith.constant 0 : i32
    %lt3A_229 = vector.broadcast %lt3A_228 : i32 to vector<16xi32>
    %lt3A_230 = arith.cmpi slt, %iota3A, %lt3A_229 : vector<16xi32>
    %jit3A = arith.constant 0x7F800000 : f32
    %broadcast_in_dim3A_231 = vector.broadcast %jit3A : f32 to vector<16xf32>
    %select_n3A = arith.select %lt3A_221, %broadcast_in_dim3A_231, %scan3A_218#0 : vector<16xi1>, vector<16xf32>
    %jit3A_232 = arith.constant 0x7F800000 : f32
    %broadcast_in_dim3A_233 = vector.broadcast %jit3A_232 : f32 to vector<16xf32>
    %select_n3A_234 = arith.select %lt3A_227, %broadcast_in_dim3A_233, %scan3A_218#1 : vector<16xi1>, vector<16xf32>
    %reduce_min3A = arith.constant true
    %reduce_min3A_235 = vector.broadcast %reduce_min3A : i1 to vector<16xi1>
    %reduce_min3A_236 = tpu.scan <min>, %select_n3A masked %reduce_min3A_235 : vector<16xf32>, vector<16xi1> -> vector<16xf32>
    %reduce_min3A_237 = vector.extract %reduce_min3A_236[15] : f32 from vector<16xf32>
    %reduce_min3A_238 = arith.constant true
    %reduce_min3A_239 = vector.broadcast %reduce_min3A_238 : i1 to vector<16xi1>
    %reduce_min3A_240 = tpu.scan <min>, %select_n3A_234 masked %reduce_min3A_239 : vector<16xf32>, vector<16xi1> -> vector<16xf32>
    %reduce_min3A_241 = vector.extract %reduce_min3A_240[15] : f32 from vector<16xf32>
    %min3A = arith.minimumf %reduce_min3A_237, %reduce_min3A_241 : f32
    %broadcast_in_dim3A_242 = vector.broadcast %min3A : f32 to vector<16xf32>
    %eq3A = arith.cmpf oeq, %select_n3A, %broadcast_in_dim3A_242 : vector<16xf32>
    %all_reduce_ffs3A = tpu.all_reduce %eq3A {dim = 0 : i64, kind = #tpu.reduction_kind<find_first_set>} : vector<16xi1> -> vector<16xi32>
    %eq3A_243 = arith.cmpf oeq, %select_n3A_234, %broadcast_in_dim3A_242 : vector<16xf32>
    %all_reduce_ffs3A_244 = tpu.all_reduce %eq3A_243 {dim = 0 : i64, kind = #tpu.reduction_kind<find_first_set>} : vector<16xi1> -> vector<16xi32>
    %lt3A_245 = arith.constant 16 : i32
    %lt3A_246 = vector.broadcast %lt3A_245 : i32 to vector<16xi32>
    %lt3A_247 = arith.cmpi slt, %all_reduce_ffs3A, %lt3A_246 : vector<16xi32>
    %add3A_248 = arith.constant 16 : i32
    %add3A_249 = vector.broadcast %add3A_248 : i32 to vector<16xi32>
    %add3A_250 = arith.addi %all_reduce_ffs3A_244, %add3A_249 : vector<16xi32>
    %select_n3A_251 = arith.select %lt3A_247, %all_reduce_ffs3A, %add3A_250 : vector<16xi1>, vector<16xi32>
    %add3A_252 = arith.constant 0 : i32
    %add3A_253 = vector.broadcast %add3A_252 : i32 to vector<16xi32>
    %add3A_254 = arith.addi %mul3A_1, %add3A_253 : vector<16xi32>
    %gather3A = arith.constant 0 : i32
    %gather3A_255 = arith.constant 0 : i32
    %gather3A_256 = arith.constant 0 : i32
    %gather3A_257 = tpu.memref_slice %arg7[%gather3A, %gather3A_255, %gather3A_256] : memref<2x6x80xf32, #tpu.memory_space<vmem>> -> memref<1x6x80xf32, #tpu.memory_space<vmem>>
    %gather3A_258 = tpu.memref_squeeze %gather3A_257 : memref<1x6x80xf32, #tpu.memory_space<vmem>> -> memref<6x80xf32, #tpu.memory_space<vmem>>
    %gather3A_259 = tpu.vector_load_idx %gather3A_258[%add3A_254, %mul3A_1] : memref<6x80xf32, #tpu.memory_space<vmem>>[vector<16xi32>, vector<16xi32>], vector<16xf32>,
    %ne3A = arith.constant 0.000000e+00 : f32
    %ne3A_260 = vector.broadcast %ne3A : f32 to vector<16xf32>
    %ne3A_261 = arith.cmpf one, %gather3A_259, %ne3A_260 : vector<16xf32>
    %mul3A_262 = arith.constant 11.0972223 : f32
    %mul3A_263 = vector.broadcast %mul3A_262 : f32 to vector<16xf32>
    %mul3A_264 = arith.mulf %broadcast_in_dim3A_242, %mul3A_263 : vector<16xf32>
    %jit3A_265 = arith.constant 0.000000e+00 : f32
    %broadcast_in_dim3A_266 = vector.broadcast %jit3A_265 : f32 to vector<16xf32>
    %select_n3A_267 = arith.select %ne3A_261, %mul3A_264, %broadcast_in_dim3A_266 : vector<16xi1>, vector<16xf32>
    %add3A_268 = arith.addf %broadcast_in_dim3A_214, %select_n3A_267 : vector<16xf32>
    %jit3A_269 = arith.constant 1.000000e+00 : f32
    %jit3A_270 = arith.constant 0.000000e+00 : f32
    %broadcast_in_dim3A_271 = vector.broadcast %jit3A_269 : f32 to vector<16xf32>
    %broadcast_in_dim3A_272 = vector.broadcast %jit3A_270 : f32 to vector<16xf32>
    %select_n3A_273 = arith.select %ne3A_261, %broadcast_in_dim3A_271, %broadcast_in_dim3A_272 : vector<16xi1>, vector<16xf32>
    %add3A_274 = arith.addf %broadcast_in_dim3A_214, %select_n3A_273 : vector<16xf32>
    %eq3A_275 = arith.cmpi eq, %iota3A, %select_n3A_251 : vector<16xi32>
    %and3A = arith.andi %ne3A_261, %eq3A_275 : vector<16xi1>
    %or3A = arith.ori %lt3A_221, %and3A : vector<16xi1>
    %eq3A_276 = arith.cmpi eq, %add3A_3, %select_n3A_251 : vector<16xi32>
    %and3A_277 = arith.andi %ne3A_261, %eq3A_276 : vector<16xi1>
    %or3A_278 = arith.ori %lt3A_227, %and3A_277 : vector<16xi1>
    %jit3A_279 = arith.constant 0x7F800000 : f32
    %broadcast_in_dim3A_280 = vector.broadcast %jit3A_279 : f32 to vector<16xf32>
    %select_n3A_281 = arith.select %lt3A_224, %broadcast_in_dim3A_280, %scan3A_218#12 : vector<16xi1>, vector<16xf32>
    %jit3A_282 = arith.constant 0x7F800000 : f32
    %broadcast_in_dim3A_283 = vector.broadcast %jit3A_282 : f32 to vector<16xf32>
    %select_n3A_284 = arith.select %lt3A_230, %broadcast_in_dim3A_283, %scan3A_218#13 : vector<16xi1>, vector<16xf32>
    %reduce_min3A_285 = arith.constant true
    %reduce_min3A_286 = vector.broadcast %reduce_min3A_285 : i1 to vector<16xi1>
    %reduce_min3A_287 = tpu.scan <min>, %select_n3A_281 masked %reduce_min3A_286 : vector<16xf32>, vector<16xi1> -> vector<16xf32>
    %reduce_min3A_288 = vector.extract %reduce_min3A_287[15] : f32 from vector<16xf32>
    %reduce_min3A_289 = arith.constant true
    %reduce_min3A_290 = vector.broadcast %reduce_min3A_289 : i1 to vector<16xi1>
    %reduce_min3A_291 = tpu.scan <min>, %select_n3A_284 masked %reduce_min3A_290 : vector<16xf32>, vector<16xi1> -> vector<16xf32>
    %reduce_min3A_292 = vector.extract %reduce_min3A_291[15] : f32 from vector<16xf32>
    %min3A_293 = arith.minimumf %reduce_min3A_288, %reduce_min3A_292 : f32
    %broadcast_in_dim3A_294 = vector.broadcast %min3A_293 : f32 to vector<16xf32>
    %eq3A_295 = arith.cmpf oeq, %select_n3A_281, %broadcast_in_dim3A_294 : vector<16xf32>
    %all_reduce_ffs3A_296 = tpu.all_reduce %eq3A_295 {dim = 0 : i64, kind = #tpu.reduction_kind<find_first_set>} : vector<16xi1> -> vector<16xi32>
    %eq3A_297 = arith.cmpf oeq, %select_n3A_284, %broadcast_in_dim3A_294 : vector<16xf32>
    %all_reduce_ffs3A_298 = tpu.all_reduce %eq3A_297 {dim = 0 : i64, kind = #tpu.reduction_kind<find_first_set>} : vector<16xi1> -> vector<16xi32>
    %lt3A_299 = arith.constant 16 : i32
    %lt3A_300 = vector.broadcast %lt3A_299 : i32 to vector<16xi32>
    %lt3A_301 = arith.cmpi slt, %all_reduce_ffs3A_296, %lt3A_300 : vector<16xi32>
    %add3A_302 = arith.constant 16 : i32
    %add3A_303 = vector.broadcast %add3A_302 : i32 to vector<16xi32>
    %add3A_304 = arith.addi %all_reduce_ffs3A_298, %add3A_303 : vector<16xi32>
    %select_n3A_305 = arith.select %lt3A_301, %all_reduce_ffs3A_296, %add3A_304 : vector<16xi1>, vector<16xi32>
    %add3A_306 = arith.constant 0 : i32
    %add3A_307 = vector.broadcast %add3A_306 : i32 to vector<16xi32>
    %add3A_308 = arith.addi %mul3A_1, %add3A_307 : vector<16xi32>
    %gather3A_309 = arith.constant 1 : i32
    %gather3A_310 = arith.constant 0 : i32
    %gather3A_311 = arith.constant 0 : i32
    %gather3A_312 = tpu.memref_slice %arg7[%gather3A_309, %gather3A_310, %gather3A_311] : memref<2x6x80xf32, #tpu.memory_space<vmem>> -> memref<1x6x80xf32, #tpu.memory_space<vmem>>
    %gather3A_313 = tpu.memref_squeeze %gather3A_312 : memref<1x6x80xf32, #tpu.memory_space<vmem>> -> memref<6x80xf32, #tpu.memory_space<vmem>>
    %gather3A_314 = tpu.vector_load_idx %gather3A_313[%add3A_308, %mul3A_1] : memref<6x80xf32, #tpu.memory_space<vmem>>[vector<16xi32>, vector<16xi32>], vector<16xf32>,
    %ne3A_315 = arith.constant 0.000000e+00 : f32
    %ne3A_316 = vector.broadcast %ne3A_315 : f32 to vector<16xf32>
    %ne3A_317 = arith.cmpf one, %gather3A_314, %ne3A_316 : vector<16xf32>
    %mul3A_318 = arith.constant 11.0972223 : f32
    %mul3A_319 = vector.broadcast %mul3A_318 : f32 to vector<16xf32>
    %mul3A_320 = arith.mulf %broadcast_in_dim3A_294, %mul3A_319 : vector<16xf32>
    %jit3A_321 = arith.constant 0.000000e+00 : f32
    %broadcast_in_dim3A_322 = vector.broadcast %jit3A_321 : f32 to vector<16xf32>
    %select_n3A_323 = arith.select %ne3A_317, %mul3A_320, %broadcast_in_dim3A_322 : vector<16xi1>, vector<16xf32>
    %add3A_324 = arith.addf %broadcast_in_dim3A_214, %select_n3A_323 : vector<16xf32>
    %jit3A_325 = arith.constant 1.000000e+00 : f32
    %jit3A_326 = arith.constant 0.000000e+00 : f32
    %broadcast_in_dim3A_327 = vector.broadcast %jit3A_325 : f32 to vector<16xf32>
    %broadcast_in_dim3A_328 = vector.broadcast %jit3A_326 : f32 to vector<16xf32>
    %select_n3A_329 = arith.select %ne3A_317, %broadcast_in_dim3A_327, %broadcast_in_dim3A_328 : vector<16xi1>, vector<16xf32>
    %add3A_330 = arith.addf %broadcast_in_dim3A_214, %select_n3A_329 : vector<16xf32>
    %eq3A_331 = arith.cmpi eq, %iota3A, %select_n3A_305 : vector<16xi32>
    %and3A_332 = arith.andi %ne3A_317, %eq3A_331 : vector<16xi1>
    %or3A_333 = arith.ori %lt3A_224, %and3A_332 : vector<16xi1>
    %eq3A_334 = arith.cmpi eq, %add3A_3, %select_n3A_305 : vector<16xi32>
    %and3A_335 = arith.andi %ne3A_317, %eq3A_334 : vector<16xi1>
    %or3A_336 = arith.ori %lt3A_230, %and3A_335 : vector<16xi1>
    %jit3A_337 = arith.constant 0x7F800000 : f32
    %broadcast_in_dim3A_338 = vector.broadcast %jit3A_337 : f32 to vector<16xf32>
    %select_n3A_339 = arith.select %or3A, %broadcast_in_dim3A_338, %scan3A_218#2 : vector<16xi1>, vector<16xf32>
    %jit3A_340 = arith.constant 0x7F800000 : f32
    %broadcast_in_dim3A_341 = vector.broadcast %jit3A_340 : f32 to vector<16xf32>
    %select_n3A_342 = arith.select %or3A_278, %broadcast_in_dim3A_341, %scan3A_218#3 : vector<16xi1>, vector<16xf32>
    %reduce_min3A_343 = arith.constant true
    %reduce_min3A_344 = vector.broadcast %reduce_min3A_343 : i1 to vector<16xi1>
    %reduce_min3A_345 = tpu.scan <min>, %select_n3A_339 masked %reduce_min3A_344 : vector<16xf32>, vector<16xi1> -> vector<16xf32>
    %reduce_min3A_346 = vector.extract %reduce_min3A_345[15] : f32 from vector<16xf32>
    %reduce_min3A_347 = arith.constant true
    %reduce_min3A_348 = vector.broadcast %reduce_min3A_347 : i1 to vector<16xi1>
    %reduce_min3A_349 = tpu.scan <min>, %select_n3A_342 masked %reduce_min3A_348 : vector<16xf32>, vector<16xi1> -> vector<16xf32>
    %reduce_min3A_350 = vector.extract %reduce_min3A_349[15] : f32 from vector<16xf32>
    %min3A_351 = arith.minimumf %reduce_min3A_346, %reduce_min3A_350 : f32
    %broadcast_in_dim3A_352 = vector.broadcast %min3A_351 : f32 to vector<16xf32>
    %eq3A_353 = arith.cmpf oeq, %select_n3A_339, %broadcast_in_dim3A_352 : vector<16xf32>
    %all_reduce_ffs3A_354 = tpu.all_reduce %eq3A_353 {dim = 0 : i64, kind = #tpu.reduction_kind<find_first_set>} : vector<16xi1> -> vector<16xi32>
    %eq3A_355 = arith.cmpf oeq, %select_n3A_342, %broadcast_in_dim3A_352 : vector<16xf32>
    %all_reduce_ffs3A_356 = tpu.all_reduce %eq3A_355 {dim = 0 : i64, kind = #tpu.reduction_kind<find_first_set>} : vector<16xi1> -> vector<16xi32>
    %lt3A_357 = arith.constant 16 : i32
    %lt3A_358 = vector.broadcast %lt3A_357 : i32 to vector<16xi32>
    %lt3A_359 = arith.cmpi slt, %all_reduce_ffs3A_354, %lt3A_358 : vector<16xi32>
    %add3A_360 = arith.constant 16 : i32
    %add3A_361 = vector.broadcast %add3A_360 : i32 to vector<16xi32>
    %add3A_362 = arith.addi %all_reduce_ffs3A_356, %add3A_361 : vector<16xi32>
    %select_n3A_363 = arith.select %lt3A_359, %all_reduce_ffs3A_354, %add3A_362 : vector<16xi1>, vector<16xi32>
    %add3A_364 = arith.constant 1 : i32
    %add3A_365 = vector.broadcast %add3A_364 : i32 to vector<16xi32>
    %add3A_366 = arith.addi %mul3A_1, %add3A_365 : vector<16xi32>
    %gather3A_367 = arith.constant 0 : i32
    %gather3A_368 = arith.constant 0 : i32
    %gather3A_369 = arith.constant 0 : i32
    %gather3A_370 = tpu.memref_slice %arg7[%gather3A_367, %gather3A_368, %gather3A_369] : memref<2x6x80xf32, #tpu.memory_space<vmem>> -> memref<1x6x80xf32, #tpu.memory_space<vmem>>
    %gather3A_371 = tpu.memref_squeeze %gather3A_370 : memref<1x6x80xf32, #tpu.memory_space<vmem>> -> memref<6x80xf32, #tpu.memory_space<vmem>>
    %gather3A_372 = tpu.vector_load_idx %gather3A_371[%add3A_366, %mul3A_1] : memref<6x80xf32, #tpu.memory_space<vmem>>[vector<16xi32>, vector<16xi32>], vector<16xf32>,
    %ne3A_373 = arith.constant 0.000000e+00 : f32
    %ne3A_374 = vector.broadcast %ne3A_373 : f32 to vector<16xf32>
    %ne3A_375 = arith.cmpf one, %gather3A_372, %ne3A_374 : vector<16xf32>
    %mul3A_376 = arith.constant 11.0972223 : f32
    %mul3A_377 = vector.broadcast %mul3A_376 : f32 to vector<16xf32>
    %mul3A_378 = arith.mulf %broadcast_in_dim3A_352, %mul3A_377 : vector<16xf32>
    %jit3A_379 = arith.constant 0.000000e+00 : f32
    %broadcast_in_dim3A_380 = vector.broadcast %jit3A_379 : f32 to vector<16xf32>
    %select_n3A_381 = arith.select %ne3A_375, %mul3A_378, %broadcast_in_dim3A_380 : vector<16xi1>, vector<16xf32>
    %add3A_382 = arith.addf %add3A_268, %select_n3A_381 : vector<16xf32>
    %jit3A_383 = arith.constant 1.000000e+00 : f32
    %jit3A_384 = arith.constant 0.000000e+00 : f32
    %broadcast_in_dim3A_385 = vector.broadcast %jit3A_383 : f32 to vector<16xf32>
    %broadcast_in_dim3A_386 = vector.broadcast %jit3A_384 : f32 to vector<16xf32>
    %select_n3A_387 = arith.select %ne3A_375, %broadcast_in_dim3A_385, %broadcast_in_dim3A_386 : vector<16xi1>, vector<16xf32>
    %add3A_388 = arith.addf %add3A_274, %select_n3A_387 : vector<16xf32>
    %eq3A_389 = arith.cmpi eq, %iota3A, %select_n3A_363 : vector<16xi32>
    %and3A_390 = arith.andi %ne3A_375, %eq3A_389 : vector<16xi1>
    %or3A_391 = arith.ori %or3A, %and3A_390 : vector<16xi1>
    %eq3A_392 = arith.cmpi eq, %add3A_3, %select_n3A_363 : vector<16xi32>
    %and3A_393 = arith.andi %ne3A_375, %eq3A_392 : vector<16xi1>
    %or3A_394 = arith.ori %or3A_278, %and3A_393 : vector<16xi1>
    %jit3A_395 = arith.constant 0x7F800000 : f32
    %broadcast_in_dim3A_396 = vector.broadcast %jit3A_395 : f32 to vector<16xf32>
    %select_n3A_397 = arith.select %or3A_333, %broadcast_in_dim3A_396, %scan3A_218#14 : vector<16xi1>, vector<16xf32>
    %jit3A_398 = arith.constant 0x7F800000 : f32
    %broadcast_in_dim3A_399 = vector.broadcast %jit3A_398 : f32 to vector<16xf32>
    %select_n3A_400 = arith.select %or3A_336, %broadcast_in_dim3A_399, %scan3A_218#15 : vector<16xi1>, vector<16xf32>
    %reduce_min3A_401 = arith.constant true
    %reduce_min3A_402 = vector.broadcast %reduce_min3A_401 : i1 to vector<16xi1>
    %reduce_min3A_403 = tpu.scan <min>, %select_n3A_397 masked %reduce_min3A_402 : vector<16xf32>, vector<16xi1> -> vector<16xf32>
    %reduce_min3A_404 = vector.extract %reduce_min3A_403[15] : f32 from vector<16xf32>
    %reduce_min3A_405 = arith.constant true
    %reduce_min3A_406 = vector.broadcast %reduce_min3A_405 : i1 to vector<16xi1>
    %reduce_min3A_407 = tpu.scan <min>, %select_n3A_400 masked %reduce_min3A_406 : vector<16xf32>, vector<16xi1> -> vector<16xf32>
    %reduce_min3A_408 = vector.extract %reduce_min3A_407[15] : f32 from vector<16xf32>
    %min3A_409 = arith.minimumf %reduce_min3A_404, %reduce_min3A_408 : f32
    %broadcast_in_dim3A_410 = vector.broadcast %min3A_409 : f32 to vector<16xf32>
    %eq3A_411 = arith.cmpf oeq, %select_n3A_397, %broadcast_in_dim3A_410 : vector<16xf32>
    %all_reduce_ffs3A_412 = tpu.all_reduce %eq3A_411 {dim = 0 : i64, kind = #tpu.reduction_kind<find_first_set>} : vector<16xi1> -> vector<16xi32>
    %eq3A_413 = arith.cmpf oeq, %select_n3A_400, %broadcast_in_dim3A_410 : vector<16xf32>
    %all_reduce_ffs3A_414 = tpu.all_reduce %eq3A_413 {dim = 0 : i64, kind = #tpu.reduction_kind<find_first_set>} : vector<16xi1> -> vector<16xi32>
    %lt3A_415 = arith.constant 16 : i32
    %lt3A_416 = vector.broadcast %lt3A_415 : i32 to vector<16xi32>
    %lt3A_417 = arith.cmpi slt, %all_reduce_ffs3A_412, %lt3A_416 : vector<16xi32>
    %add3A_418 = arith.constant 16 : i32
    %add3A_419 = vector.broadcast %add3A_418 : i32 to vector<16xi32>
    %add3A_420 = arith.addi %all_reduce_ffs3A_414, %add3A_419 : vector<16xi32>
    %select_n3A_421 = arith.select %lt3A_417, %all_reduce_ffs3A_412, %add3A_420 : vector<16xi1>, vector<16xi32>
    %add3A_422 = arith.constant 1 : i32
    %add3A_423 = vector.broadcast %add3A_422 : i32 to vector<16xi32>
    %add3A_424 = arith.addi %mul3A_1, %add3A_423 : vector<16xi32>
    %gather3A_425 = arith.constant 1 : i32
    %gather3A_426 = arith.constant 0 : i32
    %gather3A_427 = arith.constant 0 : i32
    %gather3A_428 = tpu.memref_slice %arg7[%gather3A_425, %gather3A_426, %gather3A_427] : memref<2x6x80xf32, #tpu.memory_space<vmem>> -> memref<1x6x80xf32, #tpu.memory_space<vmem>>
    %gather3A_429 = tpu.memref_squeeze %gather3A_428 : memref<1x6x80xf32, #tpu.memory_space<vmem>> -> memref<6x80xf32, #tpu.memory_space<vmem>>
    %gather3A_430 = tpu.vector_load_idx %gather3A_429[%add3A_424, %mul3A_1] : memref<6x80xf32, #tpu.memory_space<vmem>>[vector<16xi32>, vector<16xi32>], vector<16xf32>,
    %ne3A_431 = arith.constant 0.000000e+00 : f32
    %ne3A_432 = vector.broadcast %ne3A_431 : f32 to vector<16xf32>
    %ne3A_433 = arith.cmpf one, %gather3A_430, %ne3A_432 : vector<16xf32>
    %mul3A_434 = arith.constant 11.0972223 : f32
    %mul3A_435 = vector.broadcast %mul3A_434 : f32 to vector<16xf32>
    %mul3A_436 = arith.mulf %broadcast_in_dim3A_410, %mul3A_435 : vector<16xf32>
    %jit3A_437 = arith.constant 0.000000e+00 : f32
    %broadcast_in_dim3A_438 = vector.broadcast %jit3A_437 : f32 to vector<16xf32>
    %select_n3A_439 = arith.select %ne3A_433, %mul3A_436, %broadcast_in_dim3A_438 : vector<16xi1>, vector<16xf32>
    %add3A_440 = arith.addf %add3A_324, %select_n3A_439 : vector<16xf32>
    %jit3A_441 = arith.constant 1.000000e+00 : f32
    %jit3A_442 = arith.constant 0.000000e+00 : f32
    %broadcast_in_dim3A_443 = vector.broadcast %jit3A_441 : f32 to vector<16xf32>
    %broadcast_in_dim3A_444 = vector.broadcast %jit3A_442 : f32 to vector<16xf32>
    %select_n3A_445 = arith.select %ne3A_433, %broadcast_in_dim3A_443, %broadcast_in_dim3A_444 : vector<16xi1>, vector<16xf32>
    %add3A_446 = arith.addf %add3A_330, %select_n3A_445 : vector<16xf32>
    %eq3A_447 = arith.cmpi eq, %iota3A, %select_n3A_421 : vector<16xi32>
    %and3A_448 = arith.andi %ne3A_433, %eq3A_447 : vector<16xi1>
    %or3A_449 = arith.ori %or3A_333, %and3A_448 : vector<16xi1>
    %eq3A_450 = arith.cmpi eq, %add3A_3, %select_n3A_421 : vector<16xi32>
    %and3A_451 = arith.andi %ne3A_433, %eq3A_450 : vector<16xi1>
    %or3A_452 = arith.ori %or3A_336, %and3A_451 : vector<16xi1>
    %jit3A_453 = arith.constant 0x7F800000 : f32
    %broadcast_in_dim3A_454 = vector.broadcast %jit3A_453 : f32 to vector<16xf32>
    %select_n3A_455 = arith.select %or3A_391, %broadcast_in_dim3A_454, %scan3A_218#4 : vector<16xi1>, vector<16xf32>
    %jit3A_456 = arith.constant 0x7F800000 : f32
    %broadcast_in_dim3A_457 = vector.broadcast %jit3A_456 : f32 to vector<16xf32>
    %select_n3A_458 = arith.select %or3A_394, %broadcast_in_dim3A_457, %scan3A_218#5 : vector<16xi1>, vector<16xf32>
    %reduce_min3A_459 = arith.constant true
    %reduce_min3A_460 = vector.broadcast %reduce_min3A_459 : i1 to vector<16xi1>
    %reduce_min3A_461 = tpu.scan <min>, %select_n3A_455 masked %reduce_min3A_460 : vector<16xf32>, vector<16xi1> -> vector<16xf32>
    %reduce_min3A_462 = vector.extract %reduce_min3A_461[15] : f32 from vector<16xf32>
    %reduce_min3A_463 = arith.constant true
    %reduce_min3A_464 = vector.broadcast %reduce_min3A_463 : i1 to vector<16xi1>
    %reduce_min3A_465 = tpu.scan <min>, %select_n3A_458 masked %reduce_min3A_464 : vector<16xf32>, vector<16xi1> -> vector<16xf32>
    %reduce_min3A_466 = vector.extract %reduce_min3A_465[15] : f32 from vector<16xf32>
    %min3A_467 = arith.minimumf %reduce_min3A_462, %reduce_min3A_466 : f32
    %broadcast_in_dim3A_468 = vector.broadcast %min3A_467 : f32 to vector<16xf32>
    %eq3A_469 = arith.cmpf oeq, %select_n3A_455, %broadcast_in_dim3A_468 : vector<16xf32>
    %all_reduce_ffs3A_470 = tpu.all_reduce %eq3A_469 {dim = 0 : i64, kind = #tpu.reduction_kind<find_first_set>} : vector<16xi1> -> vector<16xi32>
    %eq3A_471 = arith.cmpf oeq, %select_n3A_458, %broadcast_in_dim3A_468 : vector<16xf32>
    %all_reduce_ffs3A_472 = tpu.all_reduce %eq3A_471 {dim = 0 : i64, kind = #tpu.reduction_kind<find_first_set>} : vector<16xi1> -> vector<16xi32>
    %lt3A_473 = arith.constant 16 : i32
    %lt3A_474 = vector.broadcast %lt3A_473 : i32 to vector<16xi32>
    %lt3A_475 = arith.cmpi slt, %all_reduce_ffs3A_470, %lt3A_474 : vector<16xi32>
    %add3A_476 = arith.constant 16 : i32
    %add3A_477 = vector.broadcast %add3A_476 : i32 to vector<16xi32>
    %add3A_478 = arith.addi %all_reduce_ffs3A_472, %add3A_477 : vector<16xi32>
    %select_n3A_479 = arith.select %lt3A_475, %all_reduce_ffs3A_470, %add3A_478 : vector<16xi1>, vector<16xi32>
    %add3A_480 = arith.constant 2 : i32
    %add3A_481 = vector.broadcast %add3A_480 : i32 to vector<16xi32>
    %add3A_482 = arith.addi %mul3A_1, %add3A_481 : vector<16xi32>
    %gather3A_483 = arith.constant 0 : i32
    %gather3A_484 = arith.constant 0 : i32
    %gather3A_485 = arith.constant 0 : i32
    %gather3A_486 = tpu.memref_slice %arg7[%gather3A_483, %gather3A_484, %gather3A_485] : memref<2x6x80xf32, #tpu.memory_space<vmem>> -> memref<1x6x80xf32, #tpu.memory_space<vmem>>
    %gather3A_487 = tpu.memref_squeeze %gather3A_486 : memref<1x6x80xf32, #tpu.memory_space<vmem>> -> memref<6x80xf32, #tpu.memory_space<vmem>>
    %gather3A_488 = tpu.vector_load_idx %gather3A_487[%add3A_482, %mul3A_1] : memref<6x80xf32, #tpu.memory_space<vmem>>[vector<16xi32>, vector<16xi32>], vector<16xf32>,
    %ne3A_489 = arith.constant 0.000000e+00 : f32
    %ne3A_490 = vector.broadcast %ne3A_489 : f32 to vector<16xf32>
    %ne3A_491 = arith.cmpf one, %gather3A_488, %ne3A_490 : vector<16xf32>
    %mul3A_492 = arith.constant 11.0972223 : f32
    %mul3A_493 = vector.broadcast %mul3A_492 : f32 to vector<16xf32>
    %mul3A_494 = arith.mulf %broadcast_in_dim3A_468, %mul3A_493 : vector<16xf32>
    %jit3A_495 = arith.constant 0.000000e+00 : f32
    %broadcast_in_dim3A_496 = vector.broadcast %jit3A_495 : f32 to vector<16xf32>
    %select_n3A_497 = arith.select %ne3A_491, %mul3A_494, %broadcast_in_dim3A_496 : vector<16xi1>, vector<16xf32>
    %add3A_498 = arith.addf %add3A_382, %select_n3A_497 : vector<16xf32>
    %jit3A_499 = arith.constant 1.000000e+00 : f32
    %jit3A_500 = arith.constant 0.000000e+00 : f32
    %broadcast_in_dim3A_501 = vector.broadcast %jit3A_499 : f32 to vector<16xf32>
    %broadcast_in_dim3A_502 = vector.broadcast %jit3A_500 : f32 to vector<16xf32>
    %select_n3A_503 = arith.select %ne3A_491, %broadcast_in_dim3A_501, %broadcast_in_dim3A_502 : vector<16xi1>, vector<16xf32>
    %add3A_504 = arith.addf %add3A_388, %select_n3A_503 : vector<16xf32>
    %eq3A_505 = arith.cmpi eq, %iota3A, %select_n3A_479 : vector<16xi32>
    %and3A_506 = arith.andi %ne3A_491, %eq3A_505 : vector<16xi1>
    %or3A_507 = arith.ori %or3A_391, %and3A_506 : vector<16xi1>
    %eq3A_508 = arith.cmpi eq, %add3A_3, %select_n3A_479 : vector<16xi32>
    %and3A_509 = arith.andi %ne3A_491, %eq3A_508 : vector<16xi1>
    %or3A_510 = arith.ori %or3A_394, %and3A_509 : vector<16xi1>
    %jit3A_511 = arith.constant 0x7F800000 : f32
    %broadcast_in_dim3A_512 = vector.broadcast %jit3A_511 : f32 to vector<16xf32>
    %select_n3A_513 = arith.select %or3A_449, %broadcast_in_dim3A_512, %scan3A_218#16 : vector<16xi1>, vector<16xf32>
    %jit3A_514 = arith.constant 0x7F800000 : f32
    %broadcast_in_dim3A_515 = vector.broadcast %jit3A_514 : f32 to vector<16xf32>
    %select_n3A_516 = arith.select %or3A_452, %broadcast_in_dim3A_515, %scan3A_218#17 : vector<16xi1>, vector<16xf32>
    %reduce_min3A_517 = arith.constant true
    %reduce_min3A_518 = vector.broadcast %reduce_min3A_517 : i1 to vector<16xi1>
    %reduce_min3A_519 = tpu.scan <min>, %select_n3A_513 masked %reduce_min3A_518 : vector<16xf32>, vector<16xi1> -> vector<16xf32>
    %reduce_min3A_520 = vector.extract %reduce_min3A_519[15] : f32 from vector<16xf32>
    %reduce_min3A_521 = arith.constant true
    %reduce_min3A_522 = vector.broadcast %reduce_min3A_521 : i1 to vector<16xi1>
    %reduce_min3A_523 = tpu.scan <min>, %select_n3A_516 masked %reduce_min3A_522 : vector<16xf32>, vector<16xi1> -> vector<16xf32>
    %reduce_min3A_524 = vector.extract %reduce_min3A_523[15] : f32 from vector<16xf32>
    %min3A_525 = arith.minimumf %reduce_min3A_520, %reduce_min3A_524 : f32
    %broadcast_in_dim3A_526 = vector.broadcast %min3A_525 : f32 to vector<16xf32>
    %eq3A_527 = arith.cmpf oeq, %select_n3A_513, %broadcast_in_dim3A_526 : vector<16xf32>
    %all_reduce_ffs3A_528 = tpu.all_reduce %eq3A_527 {dim = 0 : i64, kind = #tpu.reduction_kind<find_first_set>} : vector<16xi1> -> vector<16xi32>
    %eq3A_529 = arith.cmpf oeq, %select_n3A_516, %broadcast_in_dim3A_526 : vector<16xf32>
    %all_reduce_ffs3A_530 = tpu.all_reduce %eq3A_529 {dim = 0 : i64, kind = #tpu.reduction_kind<find_first_set>} : vector<16xi1> -> vector<16xi32>
    %lt3A_531 = arith.constant 16 : i32
    %lt3A_532 = vector.broadcast %lt3A_531 : i32 to vector<16xi32>
    %lt3A_533 = arith.cmpi slt, %all_reduce_ffs3A_528, %lt3A_532 : vector<16xi32>
    %add3A_534 = arith.constant 16 : i32
    %add3A_535 = vector.broadcast %add3A_534 : i32 to vector<16xi32>
    %add3A_536 = arith.addi %all_reduce_ffs3A_530, %add3A_535 : vector<16xi32>
    %select_n3A_537 = arith.select %lt3A_533, %all_reduce_ffs3A_528, %add3A_536 : vector<16xi1>, vector<16xi32>
    %add3A_538 = arith.constant 2 : i32
    %add3A_539 = vector.broadcast %add3A_538 : i32 to vector<16xi32>
    %add3A_540 = arith.addi %mul3A_1, %add3A_539 : vector<16xi32>
    %gather3A_541 = arith.constant 1 : i32
    %gather3A_542 = arith.constant 0 : i32
    %gather3A_543 = arith.constant 0 : i32
    %gather3A_544 = tpu.memref_slice %arg7[%gather3A_541, %gather3A_542, %gather3A_543] : memref<2x6x80xf32, #tpu.memory_space<vmem>> -> memref<1x6x80xf32, #tpu.memory_space<vmem>>
    %gather3A_545 = tpu.memref_squeeze %gather3A_544 : memref<1x6x80xf32, #tpu.memory_space<vmem>> -> memref<6x80xf32, #tpu.memory_space<vmem>>
    %gather3A_546 = tpu.vector_load_idx %gather3A_545[%add3A_540, %mul3A_1] : memref<6x80xf32, #tpu.memory_space<vmem>>[vector<16xi32>, vector<16xi32>], vector<16xf32>,
    %ne3A_547 = arith.constant 0.000000e+00 : f32
    %ne3A_548 = vector.broadcast %ne3A_547 : f32 to vector<16xf32>
    %ne3A_549 = arith.cmpf one, %gather3A_546, %ne3A_548 : vector<16xf32>
    %mul3A_550 = arith.constant 11.0972223 : f32
    %mul3A_551 = vector.broadcast %mul3A_550 : f32 to vector<16xf32>
    %mul3A_552 = arith.mulf %broadcast_in_dim3A_526, %mul3A_551 : vector<16xf32>
    %jit3A_553 = arith.constant 0.000000e+00 : f32
    %broadcast_in_dim3A_554 = vector.broadcast %jit3A_553 : f32 to vector<16xf32>
    %select_n3A_555 = arith.select %ne3A_549, %mul3A_552, %broadcast_in_dim3A_554 : vector<16xi1>, vector<16xf32>
    %add3A_556 = arith.addf %add3A_440, %select_n3A_555 : vector<16xf32>
    %jit3A_557 = arith.constant 1.000000e+00 : f32
    %jit3A_558 = arith.constant 0.000000e+00 : f32
    %broadcast_in_dim3A_559 = vector.broadcast %jit3A_557 : f32 to vector<16xf32>
    %broadcast_in_dim3A_560 = vector.broadcast %jit3A_558 : f32 to vector<16xf32>
    %select_n3A_561 = arith.select %ne3A_549, %broadcast_in_dim3A_559, %broadcast_in_dim3A_560 : vector<16xi1>, vector<16xf32>
    %add3A_562 = arith.addf %add3A_446, %select_n3A_561 : vector<16xf32>
    %eq3A_563 = arith.cmpi eq, %iota3A, %select_n3A_537 : vector<16xi32>
    %and3A_564 = arith.andi %ne3A_549, %eq3A_563 : vector<16xi1>
    %or3A_565 = arith.ori %or3A_449, %and3A_564 : vector<16xi1>
    %eq3A_566 = arith.cmpi eq, %add3A_3, %select_n3A_537 : vector<16xi32>
    %and3A_567 = arith.andi %ne3A_549, %eq3A_566 : vector<16xi1>
    %or3A_568 = arith.ori %or3A_452, %and3A_567 : vector<16xi1>
    %jit3A_569 = arith.constant 0x7F800000 : f32
    %broadcast_in_dim3A_570 = vector.broadcast %jit3A_569 : f32 to vector<16xf32>
    %select_n3A_571 = arith.select %or3A_507, %broadcast_in_dim3A_570, %scan3A_218#6 : vector<16xi1>, vector<16xf32>
    %jit3A_572 = arith.constant 0x7F800000 : f32
    %broadcast_in_dim3A_573 = vector.broadcast %jit3A_572 : f32 to vector<16xf32>
    %select_n3A_574 = arith.select %or3A_510, %broadcast_in_dim3A_573, %scan3A_218#7 : vector<16xi1>, vector<16xf32>
    %reduce_min3A_575 = arith.constant true
    %reduce_min3A_576 = vector.broadcast %reduce_min3A_575 : i1 to vector<16xi1>
    %reduce_min3A_577 = tpu.scan <min>, %select_n3A_571 masked %reduce_min3A_576 : vector<16xf32>, vector<16xi1> -> vector<16xf32>
    %reduce_min3A_578 = vector.extract %reduce_min3A_577[15] : f32 from vector<16xf32>
    %reduce_min3A_579 = arith.constant true
    %reduce_min3A_580 = vector.broadcast %reduce_min3A_579 : i1 to vector<16xi1>
    %reduce_min3A_581 = tpu.scan <min>, %select_n3A_574 masked %reduce_min3A_580 : vector<16xf32>, vector<16xi1> -> vector<16xf32>
    %reduce_min3A_582 = vector.extract %reduce_min3A_581[15] : f32 from vector<16xf32>
    %min3A_583 = arith.minimumf %reduce_min3A_578, %reduce_min3A_582 : f32
    %broadcast_in_dim3A_584 = vector.broadcast %min3A_583 : f32 to vector<16xf32>
    %eq3A_585 = arith.cmpf oeq, %select_n3A_571, %broadcast_in_dim3A_584 : vector<16xf32>
    %all_reduce_ffs3A_586 = tpu.all_reduce %eq3A_585 {dim = 0 : i64, kind = #tpu.reduction_kind<find_first_set>} : vector<16xi1> -> vector<16xi32>
    %eq3A_587 = arith.cmpf oeq, %select_n3A_574, %broadcast_in_dim3A_584 : vector<16xf32>
    %all_reduce_ffs3A_588 = tpu.all_reduce %eq3A_587 {dim = 0 : i64, kind = #tpu.reduction_kind<find_first_set>} : vector<16xi1> -> vector<16xi32>
    %lt3A_589 = arith.constant 16 : i32
    %lt3A_590 = vector.broadcast %lt3A_589 : i32 to vector<16xi32>
    %lt3A_591 = arith.cmpi slt, %all_reduce_ffs3A_586, %lt3A_590 : vector<16xi32>
    %add3A_592 = arith.constant 16 : i32
    %add3A_593 = vector.broadcast %add3A_592 : i32 to vector<16xi32>
    %add3A_594 = arith.addi %all_reduce_ffs3A_588, %add3A_593 : vector<16xi32>
    %select_n3A_595 = arith.select %lt3A_591, %all_reduce_ffs3A_586, %add3A_594 : vector<16xi1>, vector<16xi32>
    %add3A_596 = arith.constant 3 : i32
    %add3A_597 = vector.broadcast %add3A_596 : i32 to vector<16xi32>
    %add3A_598 = arith.addi %mul3A_1, %add3A_597 : vector<16xi32>
    %gather3A_599 = arith.constant 0 : i32
    %gather3A_600 = arith.constant 0 : i32
    %gather3A_601 = arith.constant 0 : i32
    %gather3A_602 = tpu.memref_slice %arg7[%gather3A_599, %gather3A_600, %gather3A_601] : memref<2x6x80xf32, #tpu.memory_space<vmem>> -> memref<1x6x80xf32, #tpu.memory_space<vmem>>
    %gather3A_603 = tpu.memref_squeeze %gather3A_602 : memref<1x6x80xf32, #tpu.memory_space<vmem>> -> memref<6x80xf32, #tpu.memory_space<vmem>>
    %gather3A_604 = tpu.vector_load_idx %gather3A_603[%add3A_598, %mul3A_1] : memref<6x80xf32, #tpu.memory_space<vmem>>[vector<16xi32>, vector<16xi32>], vector<16xf32>,
    %ne3A_605 = arith.constant 0.000000e+00 : f32
    %ne3A_606 = vector.broadcast %ne3A_605 : f32 to vector<16xf32>
    %ne3A_607 = arith.cmpf one, %gather3A_604, %ne3A_606 : vector<16xf32>
    %mul3A_608 = arith.constant 11.0972223 : f32
    %mul3A_609 = vector.broadcast %mul3A_608 : f32 to vector<16xf32>
    %mul3A_610 = arith.mulf %broadcast_in_dim3A_584, %mul3A_609 : vector<16xf32>
    %jit3A_611 = arith.constant 0.000000e+00 : f32
    %broadcast_in_dim3A_612 = vector.broadcast %jit3A_611 : f32 to vector<16xf32>
    %select_n3A_613 = arith.select %ne3A_607, %mul3A_610, %broadcast_in_dim3A_612 : vector<16xi1>, vector<16xf32>
    %add3A_614 = arith.addf %add3A_498, %select_n3A_613 : vector<16xf32>
    %jit3A_615 = arith.constant 1.000000e+00 : f32
    %jit3A_616 = arith.constant 0.000000e+00 : f32
    %broadcast_in_dim3A_617 = vector.broadcast %jit3A_615 : f32 to vector<16xf32>
    %broadcast_in_dim3A_618 = vector.broadcast %jit3A_616 : f32 to vector<16xf32>
    %select_n3A_619 = arith.select %ne3A_607, %broadcast_in_dim3A_617, %broadcast_in_dim3A_618 : vector<16xi1>, vector<16xf32>
    %add3A_620 = arith.addf %add3A_504, %select_n3A_619 : vector<16xf32>
    %eq3A_621 = arith.cmpi eq, %iota3A, %select_n3A_595 : vector<16xi32>
    %and3A_622 = arith.andi %ne3A_607, %eq3A_621 : vector<16xi1>
    %or3A_623 = arith.ori %or3A_507, %and3A_622 : vector<16xi1>
    %eq3A_624 = arith.cmpi eq, %add3A_3, %select_n3A_595 : vector<16xi32>
    %and3A_625 = arith.andi %ne3A_607, %eq3A_624 : vector<16xi1>
    %or3A_626 = arith.ori %or3A_510, %and3A_625 : vector<16xi1>
    %jit3A_627 = arith.constant 0x7F800000 : f32
    %broadcast_in_dim3A_628 = vector.broadcast %jit3A_627 : f32 to vector<16xf32>
    %select_n3A_629 = arith.select %or3A_565, %broadcast_in_dim3A_628, %scan3A_218#18 : vector<16xi1>, vector<16xf32>
    %jit3A_630 = arith.constant 0x7F800000 : f32
    %broadcast_in_dim3A_631 = vector.broadcast %jit3A_630 : f32 to vector<16xf32>
    %select_n3A_632 = arith.select %or3A_568, %broadcast_in_dim3A_631, %scan3A_218#19 : vector<16xi1>, vector<16xf32>
    %reduce_min3A_633 = arith.constant true
    %reduce_min3A_634 = vector.broadcast %reduce_min3A_633 : i1 to vector<16xi1>
    %reduce_min3A_635 = tpu.scan <min>, %select_n3A_629 masked %reduce_min3A_634 : vector<16xf32>, vector<16xi1> -> vector<16xf32>
    %reduce_min3A_636 = vector.extract %reduce_min3A_635[15] : f32 from vector<16xf32>
    %reduce_min3A_637 = arith.constant true
    %reduce_min3A_638 = vector.broadcast %reduce_min3A_637 : i1 to vector<16xi1>
    %reduce_min3A_639 = tpu.scan <min>, %select_n3A_632 masked %reduce_min3A_638 : vector<16xf32>, vector<16xi1> -> vector<16xf32>
    %reduce_min3A_640 = vector.extract %reduce_min3A_639[15] : f32 from vector<16xf32>
    %min3A_641 = arith.minimumf %reduce_min3A_636, %reduce_min3A_640 : f32
    %broadcast_in_dim3A_642 = vector.broadcast %min3A_641 : f32 to vector<16xf32>
    %eq3A_643 = arith.cmpf oeq, %select_n3A_629, %broadcast_in_dim3A_642 : vector<16xf32>
    %all_reduce_ffs3A_644 = tpu.all_reduce %eq3A_643 {dim = 0 : i64, kind = #tpu.reduction_kind<find_first_set>} : vector<16xi1> -> vector<16xi32>
    %eq3A_645 = arith.cmpf oeq, %select_n3A_632, %broadcast_in_dim3A_642 : vector<16xf32>
    %all_reduce_ffs3A_646 = tpu.all_reduce %eq3A_645 {dim = 0 : i64, kind = #tpu.reduction_kind<find_first_set>} : vector<16xi1> -> vector<16xi32>
    %lt3A_647 = arith.constant 16 : i32
    %lt3A_648 = vector.broadcast %lt3A_647 : i32 to vector<16xi32>
    %lt3A_649 = arith.cmpi slt, %all_reduce_ffs3A_644, %lt3A_648 : vector<16xi32>
    %add3A_650 = arith.constant 16 : i32
    %add3A_651 = vector.broadcast %add3A_650 : i32 to vector<16xi32>
    %add3A_652 = arith.addi %all_reduce_ffs3A_646, %add3A_651 : vector<16xi32>
    %select_n3A_653 = arith.select %lt3A_649, %all_reduce_ffs3A_644, %add3A_652 : vector<16xi1>, vector<16xi32>
    %add3A_654 = arith.constant 3 : i32
    %add3A_655 = vector.broadcast %add3A_654 : i32 to vector<16xi32>
    %add3A_656 = arith.addi %mul3A_1, %add3A_655 : vector<16xi32>
    %gather3A_657 = arith.constant 1 : i32
    %gather3A_658 = arith.constant 0 : i32
    %gather3A_659 = arith.constant 0 : i32
    %gather3A_660 = tpu.memref_slice %arg7[%gather3A_657, %gather3A_658, %gather3A_659] : memref<2x6x80xf32, #tpu.memory_space<vmem>> -> memref<1x6x80xf32, #tpu.memory_space<vmem>>
    %gather3A_661 = tpu.memref_squeeze %gather3A_660 : memref<1x6x80xf32, #tpu.memory_space<vmem>> -> memref<6x80xf32, #tpu.memory_space<vmem>>
    %gather3A_662 = tpu.vector_load_idx %gather3A_661[%add3A_656, %mul3A_1] : memref<6x80xf32, #tpu.memory_space<vmem>>[vector<16xi32>, vector<16xi32>], vector<16xf32>,
    %ne3A_663 = arith.constant 0.000000e+00 : f32
    %ne3A_664 = vector.broadcast %ne3A_663 : f32 to vector<16xf32>
    %ne3A_665 = arith.cmpf one, %gather3A_662, %ne3A_664 : vector<16xf32>
    %mul3A_666 = arith.constant 11.0972223 : f32
    %mul3A_667 = vector.broadcast %mul3A_666 : f32 to vector<16xf32>
    %mul3A_668 = arith.mulf %broadcast_in_dim3A_642, %mul3A_667 : vector<16xf32>
    %jit3A_669 = arith.constant 0.000000e+00 : f32
    %broadcast_in_dim3A_670 = vector.broadcast %jit3A_669 : f32 to vector<16xf32>
    %select_n3A_671 = arith.select %ne3A_665, %mul3A_668, %broadcast_in_dim3A_670 : vector<16xi1>, vector<16xf32>
    %add3A_672 = arith.addf %add3A_556, %select_n3A_671 : vector<16xf32>
    %jit3A_673 = arith.constant 1.000000e+00 : f32
    %jit3A_674 = arith.constant 0.000000e+00 : f32
    %broadcast_in_dim3A_675 = vector.broadcast %jit3A_673 : f32 to vector<16xf32>
    %broadcast_in_dim3A_676 = vector.broadcast %jit3A_674 : f32 to vector<16xf32>
    %select_n3A_677 = arith.select %ne3A_665, %broadcast_in_dim3A_675, %broadcast_in_dim3A_676 : vector<16xi1>, vector<16xf32>
    %add3A_678 = arith.addf %add3A_562, %select_n3A_677 : vector<16xf32>
    %eq3A_679 = arith.cmpi eq, %iota3A, %select_n3A_653 : vector<16xi32>
    %and3A_680 = arith.andi %ne3A_665, %eq3A_679 : vector<16xi1>
    %or3A_681 = arith.ori %or3A_565, %and3A_680 : vector<16xi1>
    %eq3A_682 = arith.cmpi eq, %add3A_3, %select_n3A_653 : vector<16xi32>
    %and3A_683 = arith.andi %ne3A_665, %eq3A_682 : vector<16xi1>
    %or3A_684 = arith.ori %or3A_568, %and3A_683 : vector<16xi1>
    %jit3A_685 = arith.constant 0x7F800000 : f32
    %broadcast_in_dim3A_686 = vector.broadcast %jit3A_685 : f32 to vector<16xf32>
    %select_n3A_687 = arith.select %or3A_623, %broadcast_in_dim3A_686, %scan3A_218#8 : vector<16xi1>, vector<16xf32>
    %jit3A_688 = arith.constant 0x7F800000 : f32
    %broadcast_in_dim3A_689 = vector.broadcast %jit3A_688 : f32 to vector<16xf32>
    %select_n3A_690 = arith.select %or3A_626, %broadcast_in_dim3A_689, %scan3A_218#9 : vector<16xi1>, vector<16xf32>
    %reduce_min3A_691 = arith.constant true
    %reduce_min3A_692 = vector.broadcast %reduce_min3A_691 : i1 to vector<16xi1>
    %reduce_min3A_693 = tpu.scan <min>, %select_n3A_687 masked %reduce_min3A_692 : vector<16xf32>, vector<16xi1> -> vector<16xf32>
    %reduce_min3A_694 = vector.extract %reduce_min3A_693[15] : f32 from vector<16xf32>
    %reduce_min3A_695 = arith.constant true
    %reduce_min3A_696 = vector.broadcast %reduce_min3A_695 : i1 to vector<16xi1>
    %reduce_min3A_697 = tpu.scan <min>, %select_n3A_690 masked %reduce_min3A_696 : vector<16xf32>, vector<16xi1> -> vector<16xf32>
    %reduce_min3A_698 = vector.extract %reduce_min3A_697[15] : f32 from vector<16xf32>
    %min3A_699 = arith.minimumf %reduce_min3A_694, %reduce_min3A_698 : f32
    %broadcast_in_dim3A_700 = vector.broadcast %min3A_699 : f32 to vector<16xf32>
    %eq3A_701 = arith.cmpf oeq, %select_n3A_687, %broadcast_in_dim3A_700 : vector<16xf32>
    %all_reduce_ffs3A_702 = tpu.all_reduce %eq3A_701 {dim = 0 : i64, kind = #tpu.reduction_kind<find_first_set>} : vector<16xi1> -> vector<16xi32>
    %eq3A_703 = arith.cmpf oeq, %select_n3A_690, %broadcast_in_dim3A_700 : vector<16xf32>
    %all_reduce_ffs3A_704 = tpu.all_reduce %eq3A_703 {dim = 0 : i64, kind = #tpu.reduction_kind<find_first_set>} : vector<16xi1> -> vector<16xi32>
    %lt3A_705 = arith.constant 16 : i32
    %lt3A_706 = vector.broadcast %lt3A_705 : i32 to vector<16xi32>
    %lt3A_707 = arith.cmpi slt, %all_reduce_ffs3A_702, %lt3A_706 : vector<16xi32>
    %add3A_708 = arith.constant 16 : i32
    %add3A_709 = vector.broadcast %add3A_708 : i32 to vector<16xi32>
    %add3A_710 = arith.addi %all_reduce_ffs3A_704, %add3A_709 : vector<16xi32>
    %select_n3A_711 = arith.select %lt3A_707, %all_reduce_ffs3A_702, %add3A_710 : vector<16xi1>, vector<16xi32>
    %add3A_712 = arith.constant 4 : i32
    %add3A_713 = vector.broadcast %add3A_712 : i32 to vector<16xi32>
    %add3A_714 = arith.addi %mul3A_1, %add3A_713 : vector<16xi32>
    %gather3A_715 = arith.constant 0 : i32
    %gather3A_716 = arith.constant 0 : i32
    %gather3A_717 = arith.constant 0 : i32
    %gather3A_718 = tpu.memref_slice %arg7[%gather3A_715, %gather3A_716, %gather3A_717] : memref<2x6x80xf32, #tpu.memory_space<vmem>> -> memref<1x6x80xf32, #tpu.memory_space<vmem>>
    %gather3A_719 = tpu.memref_squeeze %gather3A_718 : memref<1x6x80xf32, #tpu.memory_space<vmem>> -> memref<6x80xf32, #tpu.memory_space<vmem>>
    %gather3A_720 = tpu.vector_load_idx %gather3A_719[%add3A_714, %mul3A_1] : memref<6x80xf32, #tpu.memory_space<vmem>>[vector<16xi32>, vector<16xi32>], vector<16xf32>,
    %ne3A_721 = arith.constant 0.000000e+00 : f32
    %ne3A_722 = vector.broadcast %ne3A_721 : f32 to vector<16xf32>
    %ne3A_723 = arith.cmpf one, %gather3A_720, %ne3A_722 : vector<16xf32>
    %mul3A_724 = arith.constant 11.0972223 : f32
    %mul3A_725 = vector.broadcast %mul3A_724 : f32 to vector<16xf32>
    %mul3A_726 = arith.mulf %broadcast_in_dim3A_700, %mul3A_725 : vector<16xf32>
    %jit3A_727 = arith.constant 0.000000e+00 : f32
    %broadcast_in_dim3A_728 = vector.broadcast %jit3A_727 : f32 to vector<16xf32>
    %select_n3A_729 = arith.select %ne3A_723, %mul3A_726, %broadcast_in_dim3A_728 : vector<16xi1>, vector<16xf32>
    %add3A_730 = arith.addf %add3A_614, %select_n3A_729 : vector<16xf32>
    %jit3A_731 = arith.constant 1.000000e+00 : f32
    %jit3A_732 = arith.constant 0.000000e+00 : f32
    %broadcast_in_dim3A_733 = vector.broadcast %jit3A_731 : f32 to vector<16xf32>
    %broadcast_in_dim3A_734 = vector.broadcast %jit3A_732 : f32 to vector<16xf32>
    %select_n3A_735 = arith.select %ne3A_723, %broadcast_in_dim3A_733, %broadcast_in_dim3A_734 : vector<16xi1>, vector<16xf32>
    %add3A_736 = arith.addf %add3A_620, %select_n3A_735 : vector<16xf32>
    %eq3A_737 = arith.cmpi eq, %iota3A, %select_n3A_711 : vector<16xi32>
    %and3A_738 = arith.andi %ne3A_723, %eq3A_737 : vector<16xi1>
    %or3A_739 = arith.ori %or3A_623, %and3A_738 : vector<16xi1>
    %eq3A_740 = arith.cmpi eq, %add3A_3, %select_n3A_711 : vector<16xi32>
    %and3A_741 = arith.andi %ne3A_723, %eq3A_740 : vector<16xi1>
    %or3A_742 = arith.ori %or3A_626, %and3A_741 : vector<16xi1>
    %jit3A_743 = arith.constant 0x7F800000 : f32
    %broadcast_in_dim3A_744 = vector.broadcast %jit3A_743 : f32 to vector<16xf32>
    %select_n3A_745 = arith.select %or3A_681, %broadcast_in_dim3A_744, %scan3A_218#20 : vector<16xi1>, vector<16xf32>
    %jit3A_746 = arith.constant 0x7F800000 : f32
    %broadcast_in_dim3A_747 = vector.broadcast %jit3A_746 : f32 to vector<16xf32>
    %select_n3A_748 = arith.select %or3A_684, %broadcast_in_dim3A_747, %scan3A_218#21 : vector<16xi1>, vector<16xf32>
    %reduce_min3A_749 = arith.constant true
    %reduce_min3A_750 = vector.broadcast %reduce_min3A_749 : i1 to vector<16xi1>
    %reduce_min3A_751 = tpu.scan <min>, %select_n3A_745 masked %reduce_min3A_750 : vector<16xf32>, vector<16xi1> -> vector<16xf32>
    %reduce_min3A_752 = vector.extract %reduce_min3A_751[15] : f32 from vector<16xf32>
    %reduce_min3A_753 = arith.constant true
    %reduce_min3A_754 = vector.broadcast %reduce_min3A_753 : i1 to vector<16xi1>
    %reduce_min3A_755 = tpu.scan <min>, %select_n3A_748 masked %reduce_min3A_754 : vector<16xf32>, vector<16xi1> -> vector<16xf32>
    %reduce_min3A_756 = vector.extract %reduce_min3A_755[15] : f32 from vector<16xf32>
    %min3A_757 = arith.minimumf %reduce_min3A_752, %reduce_min3A_756 : f32
    %broadcast_in_dim3A_758 = vector.broadcast %min3A_757 : f32 to vector<16xf32>
    %eq3A_759 = arith.cmpf oeq, %select_n3A_745, %broadcast_in_dim3A_758 : vector<16xf32>
    %all_reduce_ffs3A_760 = tpu.all_reduce %eq3A_759 {dim = 0 : i64, kind = #tpu.reduction_kind<find_first_set>} : vector<16xi1> -> vector<16xi32>
    %eq3A_761 = arith.cmpf oeq, %select_n3A_748, %broadcast_in_dim3A_758 : vector<16xf32>
    %all_reduce_ffs3A_762 = tpu.all_reduce %eq3A_761 {dim = 0 : i64, kind = #tpu.reduction_kind<find_first_set>} : vector<16xi1> -> vector<16xi32>
    %lt3A_763 = arith.constant 16 : i32
    %lt3A_764 = vector.broadcast %lt3A_763 : i32 to vector<16xi32>
    %lt3A_765 = arith.cmpi slt, %all_reduce_ffs3A_760, %lt3A_764 : vector<16xi32>
    %add3A_766 = arith.constant 16 : i32
    %add3A_767 = vector.broadcast %add3A_766 : i32 to vector<16xi32>
    %add3A_768 = arith.addi %all_reduce_ffs3A_762, %add3A_767 : vector<16xi32>
    %select_n3A_769 = arith.select %lt3A_765, %all_reduce_ffs3A_760, %add3A_768 : vector<16xi1>, vector<16xi32>
    %add3A_770 = arith.constant 4 : i32
    %add3A_771 = vector.broadcast %add3A_770 : i32 to vector<16xi32>
    %add3A_772 = arith.addi %mul3A_1, %add3A_771 : vector<16xi32>
    %gather3A_773 = arith.constant 1 : i32
    %gather3A_774 = arith.constant 0 : i32
    %gather3A_775 = arith.constant 0 : i32
    %gather3A_776 = tpu.memref_slice %arg7[%gather3A_773, %gather3A_774, %gather3A_775] : memref<2x6x80xf32, #tpu.memory_space<vmem>> -> memref<1x6x80xf32, #tpu.memory_space<vmem>>
    %gather3A_777 = tpu.memref_squeeze %gather3A_776 : memref<1x6x80xf32, #tpu.memory_space<vmem>> -> memref<6x80xf32, #tpu.memory_space<vmem>>
    %gather3A_778 = tpu.vector_load_idx %gather3A_777[%add3A_772, %mul3A_1] : memref<6x80xf32, #tpu.memory_space<vmem>>[vector<16xi32>, vector<16xi32>], vector<16xf32>,
    %ne3A_779 = arith.constant 0.000000e+00 : f32
    %ne3A_780 = vector.broadcast %ne3A_779 : f32 to vector<16xf32>
    %ne3A_781 = arith.cmpf one, %gather3A_778, %ne3A_780 : vector<16xf32>
    %mul3A_782 = arith.constant 11.0972223 : f32
    %mul3A_783 = vector.broadcast %mul3A_782 : f32 to vector<16xf32>
    %mul3A_784 = arith.mulf %broadcast_in_dim3A_758, %mul3A_783 : vector<16xf32>
    %jit3A_785 = arith.constant 0.000000e+00 : f32
    %broadcast_in_dim3A_786 = vector.broadcast %jit3A_785 : f32 to vector<16xf32>
    %select_n3A_787 = arith.select %ne3A_781, %mul3A_784, %broadcast_in_dim3A_786 : vector<16xi1>, vector<16xf32>
    %add3A_788 = arith.addf %add3A_672, %select_n3A_787 : vector<16xf32>
    %jit3A_789 = arith.constant 1.000000e+00 : f32
    %jit3A_790 = arith.constant 0.000000e+00 : f32
    %broadcast_in_dim3A_791 = vector.broadcast %jit3A_789 : f32 to vector<16xf32>
    %broadcast_in_dim3A_792 = vector.broadcast %jit3A_790 : f32 to vector<16xf32>
    %select_n3A_793 = arith.select %ne3A_781, %broadcast_in_dim3A_791, %broadcast_in_dim3A_792 : vector<16xi1>, vector<16xf32>
    %add3A_794 = arith.addf %add3A_678, %select_n3A_793 : vector<16xf32>
    %eq3A_795 = arith.cmpi eq, %iota3A, %select_n3A_769 : vector<16xi32>
    %and3A_796 = arith.andi %ne3A_781, %eq3A_795 : vector<16xi1>
    %or3A_797 = arith.ori %or3A_681, %and3A_796 : vector<16xi1>
    %eq3A_798 = arith.cmpi eq, %add3A_3, %select_n3A_769 : vector<16xi32>
    %and3A_799 = arith.andi %ne3A_781, %eq3A_798 : vector<16xi1>
    %or3A_800 = arith.ori %or3A_684, %and3A_799 : vector<16xi1>
    %jit3A_801 = arith.constant 0x7F800000 : f32
    %broadcast_in_dim3A_802 = vector.broadcast %jit3A_801 : f32 to vector<16xf32>
    %select_n3A_803 = arith.select %or3A_739, %broadcast_in_dim3A_802, %scan3A_218#10 : vector<16xi1>, vector<16xf32>
    %jit3A_804 = arith.constant 0x7F800000 : f32
    %broadcast_in_dim3A_805 = vector.broadcast %jit3A_804 : f32 to vector<16xf32>
    %select_n3A_806 = arith.select %or3A_742, %broadcast_in_dim3A_805, %scan3A_218#11 : vector<16xi1>, vector<16xf32>
    %reduce_min3A_807 = arith.constant true
    %reduce_min3A_808 = vector.broadcast %reduce_min3A_807 : i1 to vector<16xi1>
    %reduce_min3A_809 = tpu.scan <min>, %select_n3A_803 masked %reduce_min3A_808 : vector<16xf32>, vector<16xi1> -> vector<16xf32>
    %reduce_min3A_810 = vector.extract %reduce_min3A_809[15] : f32 from vector<16xf32>
    %reduce_min3A_811 = arith.constant true
    %reduce_min3A_812 = vector.broadcast %reduce_min3A_811 : i1 to vector<16xi1>
    %reduce_min3A_813 = tpu.scan <min>, %select_n3A_806 masked %reduce_min3A_812 : vector<16xf32>, vector<16xi1> -> vector<16xf32>
    %reduce_min3A_814 = vector.extract %reduce_min3A_813[15] : f32 from vector<16xf32>
    %min3A_815 = arith.minimumf %reduce_min3A_810, %reduce_min3A_814 : f32
    %broadcast_in_dim3A_816 = vector.broadcast %min3A_815 : f32 to vector<16xf32>
    %eq3A_817 = arith.cmpf oeq, %select_n3A_803, %broadcast_in_dim3A_816 : vector<16xf32>
    %all_reduce_ffs3A_818 = tpu.all_reduce %eq3A_817 {dim = 0 : i64, kind = #tpu.reduction_kind<find_first_set>} : vector<16xi1> -> vector<16xi32>
    %eq3A_819 = arith.cmpf oeq, %select_n3A_806, %broadcast_in_dim3A_816 : vector<16xf32>
    %all_reduce_ffs3A_820 = tpu.all_reduce %eq3A_819 {dim = 0 : i64, kind = #tpu.reduction_kind<find_first_set>} : vector<16xi1> -> vector<16xi32>
    %lt3A_821 = arith.constant 16 : i32
    %lt3A_822 = vector.broadcast %lt3A_821 : i32 to vector<16xi32>
    %lt3A_823 = arith.cmpi slt, %all_reduce_ffs3A_818, %lt3A_822 : vector<16xi32>
    %add3A_824 = arith.constant 16 : i32
    %add3A_825 = vector.broadcast %add3A_824 : i32 to vector<16xi32>
    %add3A_826 = arith.addi %all_reduce_ffs3A_820, %add3A_825 : vector<16xi32>
    %select_n3A_827 = arith.select %lt3A_823, %all_reduce_ffs3A_818, %add3A_826 : vector<16xi1>, vector<16xi32>
    %add3A_828 = arith.constant 5 : i32
    %add3A_829 = vector.broadcast %add3A_828 : i32 to vector<16xi32>
    %add3A_830 = arith.addi %mul3A_1, %add3A_829 : vector<16xi32>
    %gather3A_831 = arith.constant 0 : i32
    %gather3A_832 = arith.constant 0 : i32
    %gather3A_833 = arith.constant 0 : i32
    %gather3A_834 = tpu.memref_slice %arg7[%gather3A_831, %gather3A_832, %gather3A_833] : memref<2x6x80xf32, #tpu.memory_space<vmem>> -> memref<1x6x80xf32, #tpu.memory_space<vmem>>
    %gather3A_835 = tpu.memref_squeeze %gather3A_834 : memref<1x6x80xf32, #tpu.memory_space<vmem>> -> memref<6x80xf32, #tpu.memory_space<vmem>>
    %gather3A_836 = tpu.vector_load_idx %gather3A_835[%add3A_830, %mul3A_1] : memref<6x80xf32, #tpu.memory_space<vmem>>[vector<16xi32>, vector<16xi32>], vector<16xf32>,
    %ne3A_837 = arith.constant 0.000000e+00 : f32
    %ne3A_838 = vector.broadcast %ne3A_837 : f32 to vector<16xf32>
    %ne3A_839 = arith.cmpf one, %gather3A_836, %ne3A_838 : vector<16xf32>
    %mul3A_840 = arith.constant 11.0972223 : f32
    %mul3A_841 = vector.broadcast %mul3A_840 : f32 to vector<16xf32>
    %mul3A_842 = arith.mulf %broadcast_in_dim3A_816, %mul3A_841 : vector<16xf32>
    %jit3A_843 = arith.constant 0.000000e+00 : f32
    %broadcast_in_dim3A_844 = vector.broadcast %jit3A_843 : f32 to vector<16xf32>
    %select_n3A_845 = arith.select %ne3A_839, %mul3A_842, %broadcast_in_dim3A_844 : vector<16xi1>, vector<16xf32>
    %add3A_846 = arith.addf %add3A_730, %select_n3A_845 : vector<16xf32>
    %jit3A_847 = arith.constant 1.000000e+00 : f32
    %jit3A_848 = arith.constant 0.000000e+00 : f32
    %broadcast_in_dim3A_849 = vector.broadcast %jit3A_847 : f32 to vector<16xf32>
    %broadcast_in_dim3A_850 = vector.broadcast %jit3A_848 : f32 to vector<16xf32>
    %select_n3A_851 = arith.select %ne3A_839, %broadcast_in_dim3A_849, %broadcast_in_dim3A_850 : vector<16xi1>, vector<16xf32>
    %add3A_852 = arith.addf %add3A_736, %select_n3A_851 : vector<16xf32>
    %eq3A_853 = arith.cmpi eq, %iota3A, %select_n3A_827 : vector<16xi32>
    %and3A_854 = arith.andi %ne3A_839, %eq3A_853 : vector<16xi1>
    %or3A_855 = arith.ori %or3A_739, %and3A_854 : vector<16xi1>
    %eq3A_856 = arith.cmpi eq, %add3A_3, %select_n3A_827 : vector<16xi32>
    %and3A_857 = arith.andi %ne3A_839, %eq3A_856 : vector<16xi1>
    %or3A_858 = arith.ori %or3A_742, %and3A_857 : vector<16xi1>
    %jit3A_859 = arith.constant 0x7F800000 : f32
    %broadcast_in_dim3A_860 = vector.broadcast %jit3A_859 : f32 to vector<16xf32>
    %select_n3A_861 = arith.select %or3A_797, %broadcast_in_dim3A_860, %scan3A_218#22 : vector<16xi1>, vector<16xf32>
    %jit3A_862 = arith.constant 0x7F800000 : f32
    %broadcast_in_dim3A_863 = vector.broadcast %jit3A_862 : f32 to vector<16xf32>
    %select_n3A_864 = arith.select %or3A_800, %broadcast_in_dim3A_863, %scan3A_218#23 : vector<16xi1>, vector<16xf32>
    %reduce_min3A_865 = arith.constant true
    %reduce_min3A_866 = vector.broadcast %reduce_min3A_865 : i1 to vector<16xi1>
    %reduce_min3A_867 = tpu.scan <min>, %select_n3A_861 masked %reduce_min3A_866 : vector<16xf32>, vector<16xi1> -> vector<16xf32>
    %reduce_min3A_868 = vector.extract %reduce_min3A_867[15] : f32 from vector<16xf32>
    %reduce_min3A_869 = arith.constant true
    %reduce_min3A_870 = vector.broadcast %reduce_min3A_869 : i1 to vector<16xi1>
    %reduce_min3A_871 = tpu.scan <min>, %select_n3A_864 masked %reduce_min3A_870 : vector<16xf32>, vector<16xi1> -> vector<16xf32>
    %reduce_min3A_872 = vector.extract %reduce_min3A_871[15] : f32 from vector<16xf32>
    %min3A_873 = arith.minimumf %reduce_min3A_868, %reduce_min3A_872 : f32
    %broadcast_in_dim3A_874 = vector.broadcast %min3A_873 : f32 to vector<16xf32>
    %eq3A_875 = arith.cmpf oeq, %select_n3A_861, %broadcast_in_dim3A_874 : vector<16xf32>
    %all_reduce_ffs3A_876 = tpu.all_reduce %eq3A_875 {dim = 0 : i64, kind = #tpu.reduction_kind<find_first_set>} : vector<16xi1> -> vector<16xi32>
    %eq3A_877 = arith.cmpf oeq, %select_n3A_864, %broadcast_in_dim3A_874 : vector<16xf32>
    %all_reduce_ffs3A_878 = tpu.all_reduce %eq3A_877 {dim = 0 : i64, kind = #tpu.reduction_kind<find_first_set>} : vector<16xi1> -> vector<16xi32>
    %lt3A_879 = arith.constant 16 : i32
    %lt3A_880 = vector.broadcast %lt3A_879 : i32 to vector<16xi32>
    %lt3A_881 = arith.cmpi slt, %all_reduce_ffs3A_876, %lt3A_880 : vector<16xi32>
    %add3A_882 = arith.constant 16 : i32
    %add3A_883 = vector.broadcast %add3A_882 : i32 to vector<16xi32>
    %add3A_884 = arith.addi %all_reduce_ffs3A_878, %add3A_883 : vector<16xi32>
    %select_n3A_885 = arith.select %lt3A_881, %all_reduce_ffs3A_876, %add3A_884 : vector<16xi1>, vector<16xi32>
    %add3A_886 = arith.constant 5 : i32
    %add3A_887 = vector.broadcast %add3A_886 : i32 to vector<16xi32>
    %add3A_888 = arith.addi %mul3A_1, %add3A_887 : vector<16xi32>
    %gather3A_889 = arith.constant 1 : i32
    %gather3A_890 = arith.constant 0 : i32
    %gather3A_891 = arith.constant 0 : i32
    %gather3A_892 = tpu.memref_slice %arg7[%gather3A_889, %gather3A_890, %gather3A_891] : memref<2x6x80xf32, #tpu.memory_space<vmem>> -> memref<1x6x80xf32, #tpu.memory_space<vmem>>
    %gather3A_893 = tpu.memref_squeeze %gather3A_892 : memref<1x6x80xf32, #tpu.memory_space<vmem>> -> memref<6x80xf32, #tpu.memory_space<vmem>>
    %gather3A_894 = tpu.vector_load_idx %gather3A_893[%add3A_888, %mul3A_1] : memref<6x80xf32, #tpu.memory_space<vmem>>[vector<16xi32>, vector<16xi32>], vector<16xf32>,
    %ne3A_895 = arith.constant 0.000000e+00 : f32
    %ne3A_896 = vector.broadcast %ne3A_895 : f32 to vector<16xf32>
    %ne3A_897 = arith.cmpf one, %gather3A_894, %ne3A_896 : vector<16xf32>
    %mul3A_898 = arith.constant 11.0972223 : f32
    %mul3A_899 = vector.broadcast %mul3A_898 : f32 to vector<16xf32>
    %mul3A_900 = arith.mulf %broadcast_in_dim3A_874, %mul3A_899 : vector<16xf32>
    %jit3A_901 = arith.constant 0.000000e+00 : f32
    %broadcast_in_dim3A_902 = vector.broadcast %jit3A_901 : f32 to vector<16xf32>
    %select_n3A_903 = arith.select %ne3A_897, %mul3A_900, %broadcast_in_dim3A_902 : vector<16xi1>, vector<16xf32>
    %add3A_904 = arith.addf %add3A_788, %select_n3A_903 : vector<16xf32>
    %jit3A_905 = arith.constant 1.000000e+00 : f32
    %jit3A_906 = arith.constant 0.000000e+00 : f32
    %broadcast_in_dim3A_907 = vector.broadcast %jit3A_905 : f32 to vector<16xf32>
    %broadcast_in_dim3A_908 = vector.broadcast %jit3A_906 : f32 to vector<16xf32>
    %select_n3A_909 = arith.select %ne3A_897, %broadcast_in_dim3A_907, %broadcast_in_dim3A_908 : vector<16xi1>, vector<16xf32>
    %add3A_910 = arith.addf %add3A_794, %select_n3A_909 : vector<16xf32>
    %eq3A_911 = arith.cmpi eq, %iota3A, %select_n3A_885 : vector<16xi32>
    %and3A_912 = arith.andi %ne3A_897, %eq3A_911 : vector<16xi1>
    %or3A_913 = arith.ori %or3A_797, %and3A_912 : vector<16xi1>
    %eq3A_914 = arith.cmpi eq, %add3A_3, %select_n3A_885 : vector<16xi32>
    %and3A_915 = arith.andi %ne3A_897, %eq3A_914 : vector<16xi1>
    %or3A_916 = arith.ori %or3A_800, %and3A_915 : vector<16xi1>
    %add3A_917 = arith.constant 1 : i32
    %add3A_918 = vector.broadcast %add3A_917 : i32 to vector<16xi32>
    %add3A_919 = arith.addi %mul3A_1, %add3A_918 : vector<16xi32>
    %gather3A_920 = arith.constant 0 : i32
    %gather3A_921 = arith.constant 0 : i32
    %gather3A_922 = arith.constant 0 : i32
    %gather3A_923 = tpu.memref_slice %arg8[%gather3A_920, %gather3A_921, %gather3A_922] : memref<2x32x2xf32, #tpu.memory_space<vmem>> -> memref<1x32x2xf32, #tpu.memory_space<vmem>>
    %gather3A_924 = tpu.memref_squeeze %gather3A_923 : memref<1x32x2xf32, #tpu.memory_space<vmem>> -> memref<32x2xf32, #tpu.memory_space<vmem>>
    %gather3A_925 = tpu.vector_load_idx %gather3A_924[%iota3A, %mul3A_1] : memref<32x2xf32, #tpu.memory_space<vmem>>[vector<16xi32>, vector<16xi32>], vector<16xf32>,
    %gather3A_926 = arith.constant 0 : i32
    %gather3A_927 = arith.constant 0 : i32
    %gather3A_928 = arith.constant 0 : i32
    %gather3A_929 = tpu.memref_slice %arg8[%gather3A_926, %gather3A_927, %gather3A_928] : memref<2x32x2xf32, #tpu.memory_space<vmem>> -> memref<1x32x2xf32, #tpu.memory_space<vmem>>
    %gather3A_930 = tpu.memref_squeeze %gather3A_929 : memref<1x32x2xf32, #tpu.memory_space<vmem>> -> memref<32x2xf32, #tpu.memory_space<vmem>>
    %gather3A_931 = tpu.vector_load_idx %gather3A_930[%iota3A, %add3A_919] : memref<32x2xf32, #tpu.memory_space<vmem>>[vector<16xi32>, vector<16xi32>], vector<16xf32>,
    %gather3A_932 = arith.constant 0 : i32
    %gather3A_933 = arith.constant 0 : i32
    %gather3A_934 = arith.constant 0 : i32
    %gather3A_935 = tpu.memref_slice %arg8[%gather3A_932, %gather3A_933, %gather3A_934] : memref<2x32x2xf32, #tpu.memory_space<vmem>> -> memref<1x32x2xf32, #tpu.memory_space<vmem>>
    %gather3A_936 = tpu.memref_squeeze %gather3A_935 : memref<1x32x2xf32, #tpu.memory_space<vmem>> -> memref<32x2xf32, #tpu.memory_space<vmem>>
    %gather3A_937 = tpu.vector_load_idx %gather3A_936[%add3A_3, %mul3A_1] : memref<32x2xf32, #tpu.memory_space<vmem>>[vector<16xi32>, vector<16xi32>], vector<16xf32>,
    %gather3A_938 = arith.constant 0 : i32
    %gather3A_939 = arith.constant 0 : i32
    %gather3A_940 = arith.constant 0 : i32
    %gather3A_941 = tpu.memref_slice %arg8[%gather3A_938, %gather3A_939, %gather3A_940] : memref<2x32x2xf32, #tpu.memory_space<vmem>> -> memref<1x32x2xf32, #tpu.memory_space<vmem>>
    %gather3A_942 = tpu.memref_squeeze %gather3A_941 : memref<1x32x2xf32, #tpu.memory_space<vmem>> -> memref<32x2xf32, #tpu.memory_space<vmem>>
    %gather3A_943 = tpu.vector_load_idx %gather3A_942[%add3A_3, %add3A_919] : memref<32x2xf32, #tpu.memory_space<vmem>>[vector<16xi32>, vector<16xi32>], vector<16xf32>,
    %sub3A = arith.constant 1.000000e+00 : f32
    %sub3A_944 = vector.broadcast %sub3A : f32 to vector<16xf32>
    %sub3A_945 = arith.subf %sub3A_944, %gather3A_931 : vector<16xf32>
    %mul3A_946 = arith.mulf %sub3A_945, %sub3A_945 : vector<16xf32>
    %bitcast3A = vector.bitcast %gather3A_931 : vector<16xf32> to vector<16xi32>
    %shift_right_arithmetic3A = arith.constant 23 : i32
    %shift_right_arithmetic3A_947 = vector.broadcast %shift_right_arithmetic3A : i32 to vector<16xi32>
    %shift_right_arithmetic3A_948 = arith.shrsi %bitcast3A, %shift_right_arithmetic3A_947 : vector<16xi32>
    %and3A_949 = arith.constant 255 : i32
    %and3A_950 = vector.broadcast %and3A_949 : i32 to vector<16xi32>
    %and3A_951 = arith.andi %shift_right_arithmetic3A_948, %and3A_950 : vector<16xi32>
    %sub3A_952 = arith.constant 127 : i32
    %sub3A_953 = vector.broadcast %sub3A_952 : i32 to vector<16xi32>
    %sub3A_954 = arith.subi %and3A_951, %sub3A_953 : vector<16xi32>
    %and3A_955 = arith.constant 8388607 : i32
    %and3A_956 = vector.broadcast %and3A_955 : i32 to vector<16xi32>
    %and3A_957 = arith.andi %bitcast3A, %and3A_956 : vector<16xi32>
    %or3A_958 = arith.constant 1065353216 : i32
    %or3A_959 = vector.broadcast %or3A_958 : i32 to vector<16xi32>
    %or3A_960 = arith.ori %and3A_957, %or3A_959 : vector<16xi32>
    %bitcast3A_961 = vector.bitcast %or3A_960 : vector<16xi32> to vector<16xf32>
    %gt3A = arith.constant 1.41421354 : f32
    %gt3A_962 = vector.broadcast %gt3A : f32 to vector<16xf32>
    %gt3A_963 = arith.cmpf ogt, %bitcast3A_961, %gt3A_962 : vector<16xf32>
    %mul3A_964 = arith.constant 5.000000e-01 : f32
    %mul3A_965 = vector.broadcast %mul3A_964 : f32 to vector<16xf32>
    %mul3A_966 = arith.mulf %bitcast3A_961, %mul3A_965 : vector<16xf32>
    %select_n3A_967 = arith.select %gt3A_963, %mul3A_966, %bitcast3A_961 : vector<16xi1>, vector<16xf32>
    %convert_element_type3A = arith.sitofp %sub3A_954 : vector<16xi32> to vector<16xf32>
    %jit3A_968 = arith.constant 1.000000e+00 : f32
    %jit3A_969 = arith.constant 0.000000e+00 : f32
    %broadcast_in_dim3A_970 = vector.broadcast %jit3A_968 : f32 to vector<16xf32>
    %broadcast_in_dim3A_971 = vector.broadcast %jit3A_969 : f32 to vector<16xf32>
    %select_n3A_972 = arith.select %gt3A_963, %broadcast_in_dim3A_970, %broadcast_in_dim3A_971 : vector<16xi1>, vector<16xf32>
    %add3A_973 = arith.addf %convert_element_type3A, %select_n3A_972 : vector<16xf32>
    %sub3A_974 = arith.constant 1.000000e+00 : f32
    %sub3A_975 = vector.broadcast %sub3A_974 : f32 to vector<16xf32>
    %sub3A_976 = arith.subf %select_n3A_967, %sub3A_975 : vector<16xf32>
    %broadcast_in_dim3A_977 = arith.constant 0.114484355 : f32
    %broadcast_in_dim3A_978 = vector.broadcast %broadcast_in_dim3A_977 : f32 to vector<16xf32>
    %mul3A_979 = arith.mulf %broadcast_in_dim3A_978, %sub3A_976 : vector<16xf32>
    %add3A_980 = arith.constant -0.186276972 : f32
    %add3A_981 = vector.broadcast %add3A_980 : f32 to vector<16xf32>
    %add3A_982 = arith.addf %mul3A_979, %add3A_981 : vector<16xf32>
    %mul3A_983 = arith.mulf %add3A_982, %sub3A_976 : vector<16xf32>
    %add3A_984 = arith.constant 0.206117854 : f32
    %add3A_985 = vector.broadcast %add3A_984 : f32 to vector<16xf32>
    %add3A_986 = arith.addf %mul3A_983, %add3A_985 : vector<16xf32>
    %mul3A_987 = arith.mulf %add3A_986, %sub3A_976 : vector<16xf32>
    %add3A_988 = arith.constant -0.249112099 : f32
    %add3A_989 = vector.broadcast %add3A_988 : f32 to vector<16xf32>
    %add3A_990 = arith.addf %mul3A_987, %add3A_989 : vector<16xf32>
    %mul3A_991 = arith.mulf %add3A_990, %sub3A_976 : vector<16xf32>
    %add3A_992 = arith.constant 0.333048135 : f32
    %add3A_993 = vector.broadcast %add3A_992 : f32 to vector<16xf32>
    %add3A_994 = arith.addf %mul3A_991, %add3A_993 : vector<16xf32>
    %mul3A_995 = arith.mulf %add3A_994, %sub3A_976 : vector<16xf32>
    %add3A_996 = arith.constant -0.500012934 : f32
    %add3A_997 = vector.broadcast %add3A_996 : f32 to vector<16xf32>
    %add3A_998 = arith.addf %mul3A_995, %add3A_997 : vector<16xf32>
    %mul3A_999 = arith.mulf %add3A_998, %sub3A_976 : vector<16xf32>
    %add3A_1000 = arith.constant 1.0000031 : f32
    %add3A_1001 = vector.broadcast %add3A_1000 : f32 to vector<16xf32>
    %add3A_1002 = arith.addf %mul3A_999, %add3A_1001 : vector<16xf32>
    %mul3A_1003 = arith.mulf %add3A_1002, %sub3A_976 : vector<16xf32>
    %add3A_1004 = arith.constant 3.34232695E-8 : f32
    %add3A_1005 = vector.broadcast %add3A_1004 : f32 to vector<16xf32>
    %add3A_1006 = arith.addf %mul3A_1003, %add3A_1005 : vector<16xf32>
    %mul3A_1007 = arith.constant 0.693147182 : f32
    %mul3A_1008 = vector.broadcast %mul3A_1007 : f32 to vector<16xf32>
    %mul3A_1009 = arith.mulf %add3A_973, %mul3A_1008 : vector<16xf32>
    %add3A_1010 = arith.addf %mul3A_1009, %add3A_1006 : vector<16xf32>
    %mul3A_1011 = arith.mulf %mul3A_946, %add3A_1010 : vector<16xf32>
    %sub3A_1012 = arith.constant 1.000000e+00 : f32
    %sub3A_1013 = vector.broadcast %sub3A_1012 : f32 to vector<16xf32>
    %sub3A_1014 = arith.subf %sub3A_1013, %gather3A_925 : vector<16xf32>
    %mul3A_1015 = arith.mulf %sub3A_1014, %sub3A_1014 : vector<16xf32>
    %bitcast3A_1016 = vector.bitcast %gather3A_925 : vector<16xf32> to vector<16xi32>
    %shift_right_arithmetic3A_1017 = arith.constant 23 : i32
    %shift_right_arithmetic3A_1018 = vector.broadcast %shift_right_arithmetic3A_1017 : i32 to vector<16xi32>
    %shift_right_arithmetic3A_1019 = arith.shrsi %bitcast3A_1016, %shift_right_arithmetic3A_1018 : vector<16xi32>
    %and3A_1020 = arith.constant 255 : i32
    %and3A_1021 = vector.broadcast %and3A_1020 : i32 to vector<16xi32>
    %and3A_1022 = arith.andi %shift_right_arithmetic3A_1019, %and3A_1021 : vector<16xi32>
    %sub3A_1023 = arith.constant 127 : i32
    %sub3A_1024 = vector.broadcast %sub3A_1023 : i32 to vector<16xi32>
    %sub3A_1025 = arith.subi %and3A_1022, %sub3A_1024 : vector<16xi32>
    %and3A_1026 = arith.constant 8388607 : i32
    %and3A_1027 = vector.broadcast %and3A_1026 : i32 to vector<16xi32>
    %and3A_1028 = arith.andi %bitcast3A_1016, %and3A_1027 : vector<16xi32>
    %or3A_1029 = arith.constant 1065353216 : i32
    %or3A_1030 = vector.broadcast %or3A_1029 : i32 to vector<16xi32>
    %or3A_1031 = arith.ori %and3A_1028, %or3A_1030 : vector<16xi32>
    %bitcast3A_1032 = vector.bitcast %or3A_1031 : vector<16xi32> to vector<16xf32>
    %gt3A_1033 = arith.constant 1.41421354 : f32
    %gt3A_1034 = vector.broadcast %gt3A_1033 : f32 to vector<16xf32>
    %gt3A_1035 = arith.cmpf ogt, %bitcast3A_1032, %gt3A_1034 : vector<16xf32>
    %mul3A_1036 = arith.constant 5.000000e-01 : f32
    %mul3A_1037 = vector.broadcast %mul3A_1036 : f32 to vector<16xf32>
    %mul3A_1038 = arith.mulf %bitcast3A_1032, %mul3A_1037 : vector<16xf32>
    %select_n3A_1039 = arith.select %gt3A_1035, %mul3A_1038, %bitcast3A_1032 : vector<16xi1>, vector<16xf32>
    %convert_element_type3A_1040 = arith.sitofp %sub3A_1025 : vector<16xi32> to vector<16xf32>
    %jit3A_1041 = arith.constant 1.000000e+00 : f32
    %jit3A_1042 = arith.constant 0.000000e+00 : f32
    %broadcast_in_dim3A_1043 = vector.broadcast %jit3A_1041 : f32 to vector<16xf32>
    %broadcast_in_dim3A_1044 = vector.broadcast %jit3A_1042 : f32 to vector<16xf32>
    %select_n3A_1045 = arith.select %gt3A_1035, %broadcast_in_dim3A_1043, %broadcast_in_dim3A_1044 : vector<16xi1>, vector<16xf32>
    %add3A_1046 = arith.addf %convert_element_type3A_1040, %select_n3A_1045 : vector<16xf32>
    %sub3A_1047 = arith.constant 1.000000e+00 : f32
    %sub3A_1048 = vector.broadcast %sub3A_1047 : f32 to vector<16xf32>
    %sub3A_1049 = arith.subf %select_n3A_1039, %sub3A_1048 : vector<16xf32>
    %broadcast_in_dim3A_1050 = arith.constant 0.114484355 : f32
    %broadcast_in_dim3A_1051 = vector.broadcast %broadcast_in_dim3A_1050 : f32 to vector<16xf32>
    %mul3A_1052 = arith.mulf %broadcast_in_dim3A_1051, %sub3A_1049 : vector<16xf32>
    %add3A_1053 = arith.constant -0.186276972 : f32
    %add3A_1054 = vector.broadcast %add3A_1053 : f32 to vector<16xf32>
    %add3A_1055 = arith.addf %mul3A_1052, %add3A_1054 : vector<16xf32>
    %mul3A_1056 = arith.mulf %add3A_1055, %sub3A_1049 : vector<16xf32>
    %add3A_1057 = arith.constant 0.206117854 : f32
    %add3A_1058 = vector.broadcast %add3A_1057 : f32 to vector<16xf32>
    %add3A_1059 = arith.addf %mul3A_1056, %add3A_1058 : vector<16xf32>
    %mul3A_1060 = arith.mulf %add3A_1059, %sub3A_1049 : vector<16xf32>
    %add3A_1061 = arith.constant -0.249112099 : f32
    %add3A_1062 = vector.broadcast %add3A_1061 : f32 to vector<16xf32>
    %add3A_1063 = arith.addf %mul3A_1060, %add3A_1062 : vector<16xf32>
    %mul3A_1064 = arith.mulf %add3A_1063, %sub3A_1049 : vector<16xf32>
    %add3A_1065 = arith.constant 0.333048135 : f32
    %add3A_1066 = vector.broadcast %add3A_1065 : f32 to vector<16xf32>
    %add3A_1067 = arith.addf %mul3A_1064, %add3A_1066 : vector<16xf32>
    %mul3A_1068 = arith.mulf %add3A_1067, %sub3A_1049 : vector<16xf32>
    %add3A_1069 = arith.constant -0.500012934 : f32
    %add3A_1070 = vector.broadcast %add3A_1069 : f32 to vector<16xf32>
    %add3A_1071 = arith.addf %mul3A_1068, %add3A_1070 : vector<16xf32>
    %mul3A_1072 = arith.mulf %add3A_1071, %sub3A_1049 : vector<16xf32>
    %add3A_1073 = arith.constant 1.0000031 : f32
    %add3A_1074 = vector.broadcast %add3A_1073 : f32 to vector<16xf32>
    %add3A_1075 = arith.addf %mul3A_1072, %add3A_1074 : vector<16xf32>
    %mul3A_1076 = arith.mulf %add3A_1075, %sub3A_1049 : vector<16xf32>
    %add3A_1077 = arith.constant 3.34232695E-8 : f32
    %add3A_1078 = vector.broadcast %add3A_1077 : f32 to vector<16xf32>
    %add3A_1079 = arith.addf %mul3A_1076, %add3A_1078 : vector<16xf32>
    %mul3A_1080 = arith.constant 0.693147182 : f32
    %mul3A_1081 = vector.broadcast %mul3A_1080 : f32 to vector<16xf32>
    %mul3A_1082 = arith.mulf %add3A_1046, %mul3A_1081 : vector<16xf32>
    %add3A_1083 = arith.addf %mul3A_1082, %add3A_1079 : vector<16xf32>
    %mul3A_1084 = arith.mulf %mul3A_1015, %add3A_1083 : vector<16xf32>
    %select_n3A_1085 = arith.select %or3A_855, %mul3A_1011, %mul3A_1084 : vector<16xi1>, vector<16xf32>
    %sub3A_1086 = arith.constant 1.000000e+00 : f32
    %sub3A_1087 = vector.broadcast %sub3A_1086 : f32 to vector<16xf32>
    %sub3A_1088 = arith.subf %sub3A_1087, %gather3A_943 : vector<16xf32>
    %mul3A_1089 = arith.mulf %sub3A_1088, %sub3A_1088 : vector<16xf32>
    %bitcast3A_1090 = vector.bitcast %gather3A_943 : vector<16xf32> to vector<16xi32>
    %shift_right_arithmetic3A_1091 = arith.constant 23 : i32
    %shift_right_arithmetic3A_1092 = vector.broadcast %shift_right_arithmetic3A_1091 : i32 to vector<16xi32>
    %shift_right_arithmetic3A_1093 = arith.shrsi %bitcast3A_1090, %shift_right_arithmetic3A_1092 : vector<16xi32>
    %and3A_1094 = arith.constant 255 : i32
    %and3A_1095 = vector.broadcast %and3A_1094 : i32 to vector<16xi32>
    %and3A_1096 = arith.andi %shift_right_arithmetic3A_1093, %and3A_1095 : vector<16xi32>
    %sub3A_1097 = arith.constant 127 : i32
    %sub3A_1098 = vector.broadcast %sub3A_1097 : i32 to vector<16xi32>
    %sub3A_1099 = arith.subi %and3A_1096, %sub3A_1098 : vector<16xi32>
    %and3A_1100 = arith.constant 8388607 : i32
    %and3A_1101 = vector.broadcast %and3A_1100 : i32 to vector<16xi32>
    %and3A_1102 = arith.andi %bitcast3A_1090, %and3A_1101 : vector<16xi32>
    %or3A_1103 = arith.constant 1065353216 : i32
    %or3A_1104 = vector.broadcast %or3A_1103 : i32 to vector<16xi32>
    %or3A_1105 = arith.ori %and3A_1102, %or3A_1104 : vector<16xi32>
    %bitcast3A_1106 = vector.bitcast %or3A_1105 : vector<16xi32> to vector<16xf32>
    %gt3A_1107 = arith.constant 1.41421354 : f32
    %gt3A_1108 = vector.broadcast %gt3A_1107 : f32 to vector<16xf32>
    %gt3A_1109 = arith.cmpf ogt, %bitcast3A_1106, %gt3A_1108 : vector<16xf32>
    %mul3A_1110 = arith.constant 5.000000e-01 : f32
    %mul3A_1111 = vector.broadcast %mul3A_1110 : f32 to vector<16xf32>
    %mul3A_1112 = arith.mulf %bitcast3A_1106, %mul3A_1111 : vector<16xf32>
    %select_n3A_1113 = arith.select %gt3A_1109, %mul3A_1112, %bitcast3A_1106 : vector<16xi1>, vector<16xf32>
    %convert_element_type3A_1114 = arith.sitofp %sub3A_1099 : vector<16xi32> to vector<16xf32>
    %jit3A_1115 = arith.constant 1.000000e+00 : f32
    %jit3A_1116 = arith.constant 0.000000e+00 : f32
    %broadcast_in_dim3A_1117 = vector.broadcast %jit3A_1115 : f32 to vector<16xf32>
    %broadcast_in_dim3A_1118 = vector.broadcast %jit3A_1116 : f32 to vector<16xf32>
    %select_n3A_1119 = arith.select %gt3A_1109, %broadcast_in_dim3A_1117, %broadcast_in_dim3A_1118 : vector<16xi1>, vector<16xf32>
    %add3A_1120 = arith.addf %convert_element_type3A_1114, %select_n3A_1119 : vector<16xf32>
    %sub3A_1121 = arith.constant 1.000000e+00 : f32
    %sub3A_1122 = vector.broadcast %sub3A_1121 : f32 to vector<16xf32>
    %sub3A_1123 = arith.subf %select_n3A_1113, %sub3A_1122 : vector<16xf32>
    %broadcast_in_dim3A_1124 = arith.constant 0.114484355 : f32
    %broadcast_in_dim3A_1125 = vector.broadcast %broadcast_in_dim3A_1124 : f32 to vector<16xf32>
    %mul3A_1126 = arith.mulf %broadcast_in_dim3A_1125, %sub3A_1123 : vector<16xf32>
    %add3A_1127 = arith.constant -0.186276972 : f32
    %add3A_1128 = vector.broadcast %add3A_1127 : f32 to vector<16xf32>
    %add3A_1129 = arith.addf %mul3A_1126, %add3A_1128 : vector<16xf32>
    %mul3A_1130 = arith.mulf %add3A_1129, %sub3A_1123 : vector<16xf32>
    %add3A_1131 = arith.constant 0.206117854 : f32
    %add3A_1132 = vector.broadcast %add3A_1131 : f32 to vector<16xf32>
    %add3A_1133 = arith.addf %mul3A_1130, %add3A_1132 : vector<16xf32>
    %mul3A_1134 = arith.mulf %add3A_1133, %sub3A_1123 : vector<16xf32>
    %add3A_1135 = arith.constant -0.249112099 : f32
    %add3A_1136 = vector.broadcast %add3A_1135 : f32 to vector<16xf32>
    %add3A_1137 = arith.addf %mul3A_1134, %add3A_1136 : vector<16xf32>
    %mul3A_1138 = arith.mulf %add3A_1137, %sub3A_1123 : vector<16xf32>
    %add3A_1139 = arith.constant 0.333048135 : f32
    %add3A_1140 = vector.broadcast %add3A_1139 : f32 to vector<16xf32>
    %add3A_1141 = arith.addf %mul3A_1138, %add3A_1140 : vector<16xf32>
    %mul3A_1142 = arith.mulf %add3A_1141, %sub3A_1123 : vector<16xf32>
    %add3A_1143 = arith.constant -0.500012934 : f32
    %add3A_1144 = vector.broadcast %add3A_1143 : f32 to vector<16xf32>
    %add3A_1145 = arith.addf %mul3A_1142, %add3A_1144 : vector<16xf32>
    %mul3A_1146 = arith.mulf %add3A_1145, %sub3A_1123 : vector<16xf32>
    %add3A_1147 = arith.constant 1.0000031 : f32
    %add3A_1148 = vector.broadcast %add3A_1147 : f32 to vector<16xf32>
    %add3A_1149 = arith.addf %mul3A_1146, %add3A_1148 : vector<16xf32>
    %mul3A_1150 = arith.mulf %add3A_1149, %sub3A_1123 : vector<16xf32>
    %add3A_1151 = arith.constant 3.34232695E-8 : f32
    %add3A_1152 = vector.broadcast %add3A_1151 : f32 to vector<16xf32>
    %add3A_1153 = arith.addf %mul3A_1150, %add3A_1152 : vector<16xf32>
    %mul3A_1154 = arith.constant 0.693147182 : f32
    %mul3A_1155 = vector.broadcast %mul3A_1154 : f32 to vector<16xf32>
    %mul3A_1156 = arith.mulf %add3A_1120, %mul3A_1155 : vector<16xf32>
    %add3A_1157 = arith.addf %mul3A_1156, %add3A_1153 : vector<16xf32>
    %mul3A_1158 = arith.mulf %mul3A_1089, %add3A_1157 : vector<16xf32>
    %sub3A_1159 = arith.constant 1.000000e+00 : f32
    %sub3A_1160 = vector.broadcast %sub3A_1159 : f32 to vector<16xf32>
    %sub3A_1161 = arith.subf %sub3A_1160, %gather3A_937 : vector<16xf32>
    %mul3A_1162 = arith.mulf %sub3A_1161, %sub3A_1161 : vector<16xf32>
    %bitcast3A_1163 = vector.bitcast %gather3A_937 : vector<16xf32> to vector<16xi32>
    %shift_right_arithmetic3A_1164 = arith.constant 23 : i32
    %shift_right_arithmetic3A_1165 = vector.broadcast %shift_right_arithmetic3A_1164 : i32 to vector<16xi32>
    %shift_right_arithmetic3A_1166 = arith.shrsi %bitcast3A_1163, %shift_right_arithmetic3A_1165 : vector<16xi32>
    %and3A_1167 = arith.constant 255 : i32
    %and3A_1168 = vector.broadcast %and3A_1167 : i32 to vector<16xi32>
    %and3A_1169 = arith.andi %shift_right_arithmetic3A_1166, %and3A_1168 : vector<16xi32>
    %sub3A_1170 = arith.constant 127 : i32
    %sub3A_1171 = vector.broadcast %sub3A_1170 : i32 to vector<16xi32>
    %sub3A_1172 = arith.subi %and3A_1169, %sub3A_1171 : vector<16xi32>
    %and3A_1173 = arith.constant 8388607 : i32
    %and3A_1174 = vector.broadcast %and3A_1173 : i32 to vector<16xi32>
    %and3A_1175 = arith.andi %bitcast3A_1163, %and3A_1174 : vector<16xi32>
    %or3A_1176 = arith.constant 1065353216 : i32
    %or3A_1177 = vector.broadcast %or3A_1176 : i32 to vector<16xi32>
    %or3A_1178 = arith.ori %and3A_1175, %or3A_1177 : vector<16xi32>
    %bitcast3A_1179 = vector.bitcast %or3A_1178 : vector<16xi32> to vector<16xf32>
    %gt3A_1180 = arith.constant 1.41421354 : f32
    %gt3A_1181 = vector.broadcast %gt3A_1180 : f32 to vector<16xf32>
    %gt3A_1182 = arith.cmpf ogt, %bitcast3A_1179, %gt3A_1181 : vector<16xf32>
    %mul3A_1183 = arith.constant 5.000000e-01 : f32
    %mul3A_1184 = vector.broadcast %mul3A_1183 : f32 to vector<16xf32>
    %mul3A_1185 = arith.mulf %bitcast3A_1179, %mul3A_1184 : vector<16xf32>
    %select_n3A_1186 = arith.select %gt3A_1182, %mul3A_1185, %bitcast3A_1179 : vector<16xi1>, vector<16xf32>
    %convert_element_type3A_1187 = arith.sitofp %sub3A_1172 : vector<16xi32> to vector<16xf32>
    %jit3A_1188 = arith.constant 1.000000e+00 : f32
    %jit3A_1189 = arith.constant 0.000000e+00 : f32
    %broadcast_in_dim3A_1190 = vector.broadcast %jit3A_1188 : f32 to vector<16xf32>
    %broadcast_in_dim3A_1191 = vector.broadcast %jit3A_1189 : f32 to vector<16xf32>
    %select_n3A_1192 = arith.select %gt3A_1182, %broadcast_in_dim3A_1190, %broadcast_in_dim3A_1191 : vector<16xi1>, vector<16xf32>
    %add3A_1193 = arith.addf %convert_element_type3A_1187, %select_n3A_1192 : vector<16xf32>
    %sub3A_1194 = arith.constant 1.000000e+00 : f32
    %sub3A_1195 = vector.broadcast %sub3A_1194 : f32 to vector<16xf32>
    %sub3A_1196 = arith.subf %select_n3A_1186, %sub3A_1195 : vector<16xf32>
    %broadcast_in_dim3A_1197 = arith.constant 0.114484355 : f32
    %broadcast_in_dim3A_1198 = vector.broadcast %broadcast_in_dim3A_1197 : f32 to vector<16xf32>
    %mul3A_1199 = arith.mulf %broadcast_in_dim3A_1198, %sub3A_1196 : vector<16xf32>
    %add3A_1200 = arith.constant -0.186276972 : f32
    %add3A_1201 = vector.broadcast %add3A_1200 : f32 to vector<16xf32>
    %add3A_1202 = arith.addf %mul3A_1199, %add3A_1201 : vector<16xf32>
    %mul3A_1203 = arith.mulf %add3A_1202, %sub3A_1196 : vector<16xf32>
    %add3A_1204 = arith.constant 0.206117854 : f32
    %add3A_1205 = vector.broadcast %add3A_1204 : f32 to vector<16xf32>
    %add3A_1206 = arith.addf %mul3A_1203, %add3A_1205 : vector<16xf32>
    %mul3A_1207 = arith.mulf %add3A_1206, %sub3A_1196 : vector<16xf32>
    %add3A_1208 = arith.constant -0.249112099 : f32
    %add3A_1209 = vector.broadcast %add3A_1208 : f32 to vector<16xf32>
    %add3A_1210 = arith.addf %mul3A_1207, %add3A_1209 : vector<16xf32>
    %mul3A_1211 = arith.mulf %add3A_1210, %sub3A_1196 : vector<16xf32>
    %add3A_1212 = arith.constant 0.333048135 : f32
    %add3A_1213 = vector.broadcast %add3A_1212 : f32 to vector<16xf32>
    %add3A_1214 = arith.addf %mul3A_1211, %add3A_1213 : vector<16xf32>
    %mul3A_1215 = arith.mulf %add3A_1214, %sub3A_1196 : vector<16xf32>
    %add3A_1216 = arith.constant -0.500012934 : f32
    %add3A_1217 = vector.broadcast %add3A_1216 : f32 to vector<16xf32>
    %add3A_1218 = arith.addf %mul3A_1215, %add3A_1217 : vector<16xf32>
    %mul3A_1219 = arith.mulf %add3A_1218, %sub3A_1196 : vector<16xf32>
    %add3A_1220 = arith.constant 1.0000031 : f32
    %add3A_1221 = vector.broadcast %add3A_1220 : f32 to vector<16xf32>
    %add3A_1222 = arith.addf %mul3A_1219, %add3A_1221 : vector<16xf32>
    %mul3A_1223 = arith.mulf %add3A_1222, %sub3A_1196 : vector<16xf32>
    %add3A_1224 = arith.constant 3.34232695E-8 : f32
    %add3A_1225 = vector.broadcast %add3A_1224 : f32 to vector<16xf32>
    %add3A_1226 = arith.addf %mul3A_1223, %add3A_1225 : vector<16xf32>
    %mul3A_1227 = arith.constant 0.693147182 : f32
    %mul3A_1228 = vector.broadcast %mul3A_1227 : f32 to vector<16xf32>
    %mul3A_1229 = arith.mulf %add3A_1193, %mul3A_1228 : vector<16xf32>
    %add3A_1230 = arith.addf %mul3A_1229, %add3A_1226 : vector<16xf32>
    %mul3A_1231 = arith.mulf %mul3A_1162, %add3A_1230 : vector<16xf32>
    %select_n3A_1232 = arith.select %or3A_858, %mul3A_1158, %mul3A_1231 : vector<16xi1>, vector<16xf32>
    %reduce_sum3A = arith.constant true
    %reduce_sum3A_1233 = vector.broadcast %reduce_sum3A : i1 to vector<16xi1>
    %reduce_sum3A_1234 = tpu.scan <sum>, %select_n3A_1085 masked %reduce_sum3A_1233 : vector<16xf32>, vector<16xi1> -> vector<16xf32>
    %reduce_sum3A_1235 = vector.extract %reduce_sum3A_1234[15] : f32 from vector<16xf32>
    %reduce_sum3A_1236 = arith.constant true
    %reduce_sum3A_1237 = vector.broadcast %reduce_sum3A_1236 : i1 to vector<16xi1>
    %reduce_sum3A_1238 = tpu.scan <sum>, %select_n3A_1232 masked %reduce_sum3A_1237 : vector<16xf32>, vector<16xi1> -> vector<16xf32>
    %reduce_sum3A_1239 = vector.extract %reduce_sum3A_1238[15] : f32 from vector<16xf32>
    %add3A_1240 = arith.addf %reduce_sum3A_1235, %reduce_sum3A_1239 : f32
    %neg3A = arith.constant 0.000000e+00 : f32
    %neg3A_1241 = arith.subf %neg3A, %add3A_1240 : f32
    %mul3A_1242 = arith.constant 3.125000e-02 : f32
    %mul3A_1243 = arith.mulf %neg3A_1241, %mul3A_1242 : f32
    %broadcast_in_dim3A_1244 = vector.broadcast %mul3A_1243 : f32 to vector<16xf32>
    %add3A_1245 = arith.addf %broadcast_in_dim3A_214, %broadcast_in_dim3A_1244 : vector<16xf32>
    %add3A_1246 = arith.addf %broadcast_in_dim3A_214, %add3A_846 : vector<16xf32>
    %add3A_1247 = arith.addf %broadcast_in_dim3A_214, %add3A_852 : vector<16xf32>
    %gather3A_1248 = arith.constant 1 : i32
    %gather3A_1249 = arith.constant 0 : i32
    %gather3A_1250 = arith.constant 0 : i32
    %gather3A_1251 = tpu.memref_slice %arg8[%gather3A_1248, %gather3A_1249, %gather3A_1250] : memref<2x32x2xf32, #tpu.memory_space<vmem>> -> memref<1x32x2xf32, #tpu.memory_space<vmem>>
    %gather3A_1252 = tpu.memref_squeeze %gather3A_1251 : memref<1x32x2xf32, #tpu.memory_space<vmem>> -> memref<32x2xf32, #tpu.memory_space<vmem>>
    %gather3A_1253 = tpu.vector_load_idx %gather3A_1252[%iota3A, %mul3A_1] : memref<32x2xf32, #tpu.memory_space<vmem>>[vector<16xi32>, vector<16xi32>], vector<16xf32>,
    %gather3A_1254 = arith.constant 1 : i32
    %gather3A_1255 = arith.constant 0 : i32
    %gather3A_1256 = arith.constant 0 : i32
    %gather3A_1257 = tpu.memref_slice %arg8[%gather3A_1254, %gather3A_1255, %gather3A_1256] : memref<2x32x2xf32, #tpu.memory_space<vmem>> -> memref<1x32x2xf32, #tpu.memory_space<vmem>>
    %gather3A_1258 = tpu.memref_squeeze %gather3A_1257 : memref<1x32x2xf32, #tpu.memory_space<vmem>> -> memref<32x2xf32, #tpu.memory_space<vmem>>
    %gather3A_1259 = tpu.vector_load_idx %gather3A_1258[%iota3A, %add3A_919] : memref<32x2xf32, #tpu.memory_space<vmem>>[vector<16xi32>, vector<16xi32>], vector<16xf32>,
    %gather3A_1260 = arith.constant 1 : i32
    %gather3A_1261 = arith.constant 0 : i32
    %gather3A_1262 = arith.constant 0 : i32
    %gather3A_1263 = tpu.memref_slice %arg8[%gather3A_1260, %gather3A_1261, %gather3A_1262] : memref<2x32x2xf32, #tpu.memory_space<vmem>> -> memref<1x32x2xf32, #tpu.memory_space<vmem>>
    %gather3A_1264 = tpu.memref_squeeze %gather3A_1263 : memref<1x32x2xf32, #tpu.memory_space<vmem>> -> memref<32x2xf32, #tpu.memory_space<vmem>>
    %gather3A_1265 = tpu.vector_load_idx %gather3A_1264[%add3A_3, %mul3A_1] : memref<32x2xf32, #tpu.memory_space<vmem>>[vector<16xi32>, vector<16xi32>], vector<16xf32>,
    %gather3A_1266 = arith.constant 1 : i32
    %gather3A_1267 = arith.constant 0 : i32
    %gather3A_1268 = arith.constant 0 : i32
    %gather3A_1269 = tpu.memref_slice %arg8[%gather3A_1266, %gather3A_1267, %gather3A_1268] : memref<2x32x2xf32, #tpu.memory_space<vmem>> -> memref<1x32x2xf32, #tpu.memory_space<vmem>>
    %gather3A_1270 = tpu.memref_squeeze %gather3A_1269 : memref<1x32x2xf32, #tpu.memory_space<vmem>> -> memref<32x2xf32, #tpu.memory_space<vmem>>
    %gather3A_1271 = tpu.vector_load_idx %gather3A_1270[%add3A_3, %add3A_919] : memref<32x2xf32, #tpu.memory_space<vmem>>[vector<16xi32>, vector<16xi32>], vector<16xf32>,
    %sub3A_1272 = arith.constant 1.000000e+00 : f32
    %sub3A_1273 = vector.broadcast %sub3A_1272 : f32 to vector<16xf32>
    %sub3A_1274 = arith.subf %sub3A_1273, %gather3A_1259 : vector<16xf32>
    %mul3A_1275 = arith.mulf %sub3A_1274, %sub3A_1274 : vector<16xf32>
    %bitcast3A_1276 = vector.bitcast %gather3A_1259 : vector<16xf32> to vector<16xi32>
    %shift_right_arithmetic3A_1277 = arith.constant 23 : i32
    %shift_right_arithmetic3A_1278 = vector.broadcast %shift_right_arithmetic3A_1277 : i32 to vector<16xi32>
    %shift_right_arithmetic3A_1279 = arith.shrsi %bitcast3A_1276, %shift_right_arithmetic3A_1278 : vector<16xi32>
    %and3A_1280 = arith.constant 255 : i32
    %and3A_1281 = vector.broadcast %and3A_1280 : i32 to vector<16xi32>
    %and3A_1282 = arith.andi %shift_right_arithmetic3A_1279, %and3A_1281 : vector<16xi32>
    %sub3A_1283 = arith.constant 127 : i32
    %sub3A_1284 = vector.broadcast %sub3A_1283 : i32 to vector<16xi32>
    %sub3A_1285 = arith.subi %and3A_1282, %sub3A_1284 : vector<16xi32>
    %and3A_1286 = arith.constant 8388607 : i32
    %and3A_1287 = vector.broadcast %and3A_1286 : i32 to vector<16xi32>
    %and3A_1288 = arith.andi %bitcast3A_1276, %and3A_1287 : vector<16xi32>
    %or3A_1289 = arith.constant 1065353216 : i32
    %or3A_1290 = vector.broadcast %or3A_1289 : i32 to vector<16xi32>
    %or3A_1291 = arith.ori %and3A_1288, %or3A_1290 : vector<16xi32>
    %bitcast3A_1292 = vector.bitcast %or3A_1291 : vector<16xi32> to vector<16xf32>
    %gt3A_1293 = arith.constant 1.41421354 : f32
    %gt3A_1294 = vector.broadcast %gt3A_1293 : f32 to vector<16xf32>
    %gt3A_1295 = arith.cmpf ogt, %bitcast3A_1292, %gt3A_1294 : vector<16xf32>
    %mul3A_1296 = arith.constant 5.000000e-01 : f32
    %mul3A_1297 = vector.broadcast %mul3A_1296 : f32 to vector<16xf32>
    %mul3A_1298 = arith.mulf %bitcast3A_1292, %mul3A_1297 : vector<16xf32>
    %select_n3A_1299 = arith.select %gt3A_1295, %mul3A_1298, %bitcast3A_1292 : vector<16xi1>, vector<16xf32>
    %convert_element_type3A_1300 = arith.sitofp %sub3A_1285 : vector<16xi32> to vector<16xf32>
    %jit3A_1301 = arith.constant 1.000000e+00 : f32
    %jit3A_1302 = arith.constant 0.000000e+00 : f32
    %broadcast_in_dim3A_1303 = vector.broadcast %jit3A_1301 : f32 to vector<16xf32>
    %broadcast_in_dim3A_1304 = vector.broadcast %jit3A_1302 : f32 to vector<16xf32>
    %select_n3A_1305 = arith.select %gt3A_1295, %broadcast_in_dim3A_1303, %broadcast_in_dim3A_1304 : vector<16xi1>, vector<16xf32>
    %add3A_1306 = arith.addf %convert_element_type3A_1300, %select_n3A_1305 : vector<16xf32>
    %sub3A_1307 = arith.constant 1.000000e+00 : f32
    %sub3A_1308 = vector.broadcast %sub3A_1307 : f32 to vector<16xf32>
    %sub3A_1309 = arith.subf %select_n3A_1299, %sub3A_1308 : vector<16xf32>
    %broadcast_in_dim3A_1310 = arith.constant 0.114484355 : f32
    %broadcast_in_dim3A_1311 = vector.broadcast %broadcast_in_dim3A_1310 : f32 to vector<16xf32>
    %mul3A_1312 = arith.mulf %broadcast_in_dim3A_1311, %sub3A_1309 : vector<16xf32>
    %add3A_1313 = arith.constant -0.186276972 : f32
    %add3A_1314 = vector.broadcast %add3A_1313 : f32 to vector<16xf32>
    %add3A_1315 = arith.addf %mul3A_1312, %add3A_1314 : vector<16xf32>
    %mul3A_1316 = arith.mulf %add3A_1315, %sub3A_1309 : vector<16xf32>
    %add3A_1317 = arith.constant 0.206117854 : f32
    %add3A_1318 = vector.broadcast %add3A_1317 : f32 to vector<16xf32>
    %add3A_1319 = arith.addf %mul3A_1316, %add3A_1318 : vector<16xf32>
    %mul3A_1320 = arith.mulf %add3A_1319, %sub3A_1309 : vector<16xf32>
    %add3A_1321 = arith.constant -0.249112099 : f32
    %add3A_1322 = vector.broadcast %add3A_1321 : f32 to vector<16xf32>
    %add3A_1323 = arith.addf %mul3A_1320, %add3A_1322 : vector<16xf32>
    %mul3A_1324 = arith.mulf %add3A_1323, %sub3A_1309 : vector<16xf32>
    %add3A_1325 = arith.constant 0.333048135 : f32
    %add3A_1326 = vector.broadcast %add3A_1325 : f32 to vector<16xf32>
    %add3A_1327 = arith.addf %mul3A_1324, %add3A_1326 : vector<16xf32>
    %mul3A_1328 = arith.mulf %add3A_1327, %sub3A_1309 : vector<16xf32>
    %add3A_1329 = arith.constant -0.500012934 : f32
    %add3A_1330 = vector.broadcast %add3A_1329 : f32 to vector<16xf32>
    %add3A_1331 = arith.addf %mul3A_1328, %add3A_1330 : vector<16xf32>
    %mul3A_1332 = arith.mulf %add3A_1331, %sub3A_1309 : vector<16xf32>
    %add3A_1333 = arith.constant 1.0000031 : f32
    %add3A_1334 = vector.broadcast %add3A_1333 : f32 to vector<16xf32>
    %add3A_1335 = arith.addf %mul3A_1332, %add3A_1334 : vector<16xf32>
    %mul3A_1336 = arith.mulf %add3A_1335, %sub3A_1309 : vector<16xf32>
    %add3A_1337 = arith.constant 3.34232695E-8 : f32
    %add3A_1338 = vector.broadcast %add3A_1337 : f32 to vector<16xf32>
    %add3A_1339 = arith.addf %mul3A_1336, %add3A_1338 : vector<16xf32>
    %mul3A_1340 = arith.constant 0.693147182 : f32
    %mul3A_1341 = vector.broadcast %mul3A_1340 : f32 to vector<16xf32>
    %mul3A_1342 = arith.mulf %add3A_1306, %mul3A_1341 : vector<16xf32>
    %add3A_1343 = arith.addf %mul3A_1342, %add3A_1339 : vector<16xf32>
    %mul3A_1344 = arith.mulf %mul3A_1275, %add3A_1343 : vector<16xf32>
    %sub3A_1345 = arith.constant 1.000000e+00 : f32
    %sub3A_1346 = vector.broadcast %sub3A_1345 : f32 to vector<16xf32>
    %sub3A_1347 = arith.subf %sub3A_1346, %gather3A_1253 : vector<16xf32>
    %mul3A_1348 = arith.mulf %sub3A_1347, %sub3A_1347 : vector<16xf32>
    %bitcast3A_1349 = vector.bitcast %gather3A_1253 : vector<16xf32> to vector<16xi32>
    %shift_right_arithmetic3A_1350 = arith.constant 23 : i32
    %shift_right_arithmetic3A_1351 = vector.broadcast %shift_right_arithmetic3A_1350 : i32 to vector<16xi32>
    %shift_right_arithmetic3A_1352 = arith.shrsi %bitcast3A_1349, %shift_right_arithmetic3A_1351 : vector<16xi32>
    %and3A_1353 = arith.constant 255 : i32
    %and3A_1354 = vector.broadcast %and3A_1353 : i32 to vector<16xi32>
    %and3A_1355 = arith.andi %shift_right_arithmetic3A_1352, %and3A_1354 : vector<16xi32>
    %sub3A_1356 = arith.constant 127 : i32
    %sub3A_1357 = vector.broadcast %sub3A_1356 : i32 to vector<16xi32>
    %sub3A_1358 = arith.subi %and3A_1355, %sub3A_1357 : vector<16xi32>
    %and3A_1359 = arith.constant 8388607 : i32
    %and3A_1360 = vector.broadcast %and3A_1359 : i32 to vector<16xi32>
    %and3A_1361 = arith.andi %bitcast3A_1349, %and3A_1360 : vector<16xi32>
    %or3A_1362 = arith.constant 1065353216 : i32
    %or3A_1363 = vector.broadcast %or3A_1362 : i32 to vector<16xi32>
    %or3A_1364 = arith.ori %and3A_1361, %or3A_1363 : vector<16xi32>
    %bitcast3A_1365 = vector.bitcast %or3A_1364 : vector<16xi32> to vector<16xf32>
    %gt3A_1366 = arith.constant 1.41421354 : f32
    %gt3A_1367 = vector.broadcast %gt3A_1366 : f32 to vector<16xf32>
    %gt3A_1368 = arith.cmpf ogt, %bitcast3A_1365, %gt3A_1367 : vector<16xf32>
    %mul3A_1369 = arith.constant 5.000000e-01 : f32
    %mul3A_1370 = vector.broadcast %mul3A_1369 : f32 to vector<16xf32>
    %mul3A_1371 = arith.mulf %bitcast3A_1365, %mul3A_1370 : vector<16xf32>
    %select_n3A_1372 = arith.select %gt3A_1368, %mul3A_1371, %bitcast3A_1365 : vector<16xi1>, vector<16xf32>
    %convert_element_type3A_1373 = arith.sitofp %sub3A_1358 : vector<16xi32> to vector<16xf32>
    %jit3A_1374 = arith.constant 1.000000e+00 : f32
    %jit3A_1375 = arith.constant 0.000000e+00 : f32
    %broadcast_in_dim3A_1376 = vector.broadcast %jit3A_1374 : f32 to vector<16xf32>
    %broadcast_in_dim3A_1377 = vector.broadcast %jit3A_1375 : f32 to vector<16xf32>
    %select_n3A_1378 = arith.select %gt3A_1368, %broadcast_in_dim3A_1376, %broadcast_in_dim3A_1377 : vector<16xi1>, vector<16xf32>
    %add3A_1379 = arith.addf %convert_element_type3A_1373, %select_n3A_1378 : vector<16xf32>
    %sub3A_1380 = arith.constant 1.000000e+00 : f32
    %sub3A_1381 = vector.broadcast %sub3A_1380 : f32 to vector<16xf32>
    %sub3A_1382 = arith.subf %select_n3A_1372, %sub3A_1381 : vector<16xf32>
    %broadcast_in_dim3A_1383 = arith.constant 0.114484355 : f32
    %broadcast_in_dim3A_1384 = vector.broadcast %broadcast_in_dim3A_1383 : f32 to vector<16xf32>
    %mul3A_1385 = arith.mulf %broadcast_in_dim3A_1384, %sub3A_1382 : vector<16xf32>
    %add3A_1386 = arith.constant -0.186276972 : f32
    %add3A_1387 = vector.broadcast %add3A_1386 : f32 to vector<16xf32>
    %add3A_1388 = arith.addf %mul3A_1385, %add3A_1387 : vector<16xf32>
    %mul3A_1389 = arith.mulf %add3A_1388, %sub3A_1382 : vector<16xf32>
    %add3A_1390 = arith.constant 0.206117854 : f32
    %add3A_1391 = vector.broadcast %add3A_1390 : f32 to vector<16xf32>
    %add3A_1392 = arith.addf %mul3A_1389, %add3A_1391 : vector<16xf32>
    %mul3A_1393 = arith.mulf %add3A_1392, %sub3A_1382 : vector<16xf32>
    %add3A_1394 = arith.constant -0.249112099 : f32
    %add3A_1395 = vector.broadcast %add3A_1394 : f32 to vector<16xf32>
    %add3A_1396 = arith.addf %mul3A_1393, %add3A_1395 : vector<16xf32>
    %mul3A_1397 = arith.mulf %add3A_1396, %sub3A_1382 : vector<16xf32>
    %add3A_1398 = arith.constant 0.333048135 : f32
    %add3A_1399 = vector.broadcast %add3A_1398 : f32 to vector<16xf32>
    %add3A_1400 = arith.addf %mul3A_1397, %add3A_1399 : vector<16xf32>
    %mul3A_1401 = arith.mulf %add3A_1400, %sub3A_1382 : vector<16xf32>
    %add3A_1402 = arith.constant -0.500012934 : f32
    %add3A_1403 = vector.broadcast %add3A_1402 : f32 to vector<16xf32>
    %add3A_1404 = arith.addf %mul3A_1401, %add3A_1403 : vector<16xf32>
    %mul3A_1405 = arith.mulf %add3A_1404, %sub3A_1382 : vector<16xf32>
    %add3A_1406 = arith.constant 1.0000031 : f32
    %add3A_1407 = vector.broadcast %add3A_1406 : f32 to vector<16xf32>
    %add3A_1408 = arith.addf %mul3A_1405, %add3A_1407 : vector<16xf32>
    %mul3A_1409 = arith.mulf %add3A_1408, %sub3A_1382 : vector<16xf32>
    %add3A_1410 = arith.constant 3.34232695E-8 : f32
    %add3A_1411 = vector.broadcast %add3A_1410 : f32 to vector<16xf32>
    %add3A_1412 = arith.addf %mul3A_1409, %add3A_1411 : vector<16xf32>
    %mul3A_1413 = arith.constant 0.693147182 : f32
    %mul3A_1414 = vector.broadcast %mul3A_1413 : f32 to vector<16xf32>
    %mul3A_1415 = arith.mulf %add3A_1379, %mul3A_1414 : vector<16xf32>
    %add3A_1416 = arith.addf %mul3A_1415, %add3A_1412 : vector<16xf32>
    %mul3A_1417 = arith.mulf %mul3A_1348, %add3A_1416 : vector<16xf32>
    %select_n3A_1418 = arith.select %or3A_913, %mul3A_1344, %mul3A_1417 : vector<16xi1>, vector<16xf32>
    %sub3A_1419 = arith.constant 1.000000e+00 : f32
    %sub3A_1420 = vector.broadcast %sub3A_1419 : f32 to vector<16xf32>
    %sub3A_1421 = arith.subf %sub3A_1420, %gather3A_1271 : vector<16xf32>
    %mul3A_1422 = arith.mulf %sub3A_1421, %sub3A_1421 : vector<16xf32>
    %bitcast3A_1423 = vector.bitcast %gather3A_1271 : vector<16xf32> to vector<16xi32>
    %shift_right_arithmetic3A_1424 = arith.constant 23 : i32
    %shift_right_arithmetic3A_1425 = vector.broadcast %shift_right_arithmetic3A_1424 : i32 to vector<16xi32>
    %shift_right_arithmetic3A_1426 = arith.shrsi %bitcast3A_1423, %shift_right_arithmetic3A_1425 : vector<16xi32>
    %and3A_1427 = arith.constant 255 : i32
    %and3A_1428 = vector.broadcast %and3A_1427 : i32 to vector<16xi32>
    %and3A_1429 = arith.andi %shift_right_arithmetic3A_1426, %and3A_1428 : vector<16xi32>
    %sub3A_1430 = arith.constant 127 : i32
    %sub3A_1431 = vector.broadcast %sub3A_1430 : i32 to vector<16xi32>
    %sub3A_1432 = arith.subi %and3A_1429, %sub3A_1431 : vector<16xi32>
    %and3A_1433 = arith.constant 8388607 : i32
    %and3A_1434 = vector.broadcast %and3A_1433 : i32 to vector<16xi32>
    %and3A_1435 = arith.andi %bitcast3A_1423, %and3A_1434 : vector<16xi32>
    %or3A_1436 = arith.constant 1065353216 : i32
    %or3A_1437 = vector.broadcast %or3A_1436 : i32 to vector<16xi32>
    %or3A_1438 = arith.ori %and3A_1435, %or3A_1437 : vector<16xi32>
    %bitcast3A_1439 = vector.bitcast %or3A_1438 : vector<16xi32> to vector<16xf32>
    %gt3A_1440 = arith.constant 1.41421354 : f32
    %gt3A_1441 = vector.broadcast %gt3A_1440 : f32 to vector<16xf32>
    %gt3A_1442 = arith.cmpf ogt, %bitcast3A_1439, %gt3A_1441 : vector<16xf32>
    %mul3A_1443 = arith.constant 5.000000e-01 : f32
    %mul3A_1444 = vector.broadcast %mul3A_1443 : f32 to vector<16xf32>
    %mul3A_1445 = arith.mulf %bitcast3A_1439, %mul3A_1444 : vector<16xf32>
    %select_n3A_1446 = arith.select %gt3A_1442, %mul3A_1445, %bitcast3A_1439 : vector<16xi1>, vector<16xf32>
    %convert_element_type3A_1447 = arith.sitofp %sub3A_1432 : vector<16xi32> to vector<16xf32>
    %jit3A_1448 = arith.constant 1.000000e+00 : f32
    %jit3A_1449 = arith.constant 0.000000e+00 : f32
    %broadcast_in_dim3A_1450 = vector.broadcast %jit3A_1448 : f32 to vector<16xf32>
    %broadcast_in_dim3A_1451 = vector.broadcast %jit3A_1449 : f32 to vector<16xf32>
    %select_n3A_1452 = arith.select %gt3A_1442, %broadcast_in_dim3A_1450, %broadcast_in_dim3A_1451 : vector<16xi1>, vector<16xf32>
    %add3A_1453 = arith.addf %convert_element_type3A_1447, %select_n3A_1452 : vector<16xf32>
    %sub3A_1454 = arith.constant 1.000000e+00 : f32
    %sub3A_1455 = vector.broadcast %sub3A_1454 : f32 to vector<16xf32>
    %sub3A_1456 = arith.subf %select_n3A_1446, %sub3A_1455 : vector<16xf32>
    %broadcast_in_dim3A_1457 = arith.constant 0.114484355 : f32
    %broadcast_in_dim3A_1458 = vector.broadcast %broadcast_in_dim3A_1457 : f32 to vector<16xf32>
    %mul3A_1459 = arith.mulf %broadcast_in_dim3A_1458, %sub3A_1456 : vector<16xf32>
    %add3A_1460 = arith.constant -0.186276972 : f32
    %add3A_1461 = vector.broadcast %add3A_1460 : f32 to vector<16xf32>
    %add3A_1462 = arith.addf %mul3A_1459, %add3A_1461 : vector<16xf32>
    %mul3A_1463 = arith.mulf %add3A_1462, %sub3A_1456 : vector<16xf32>
    %add3A_1464 = arith.constant 0.206117854 : f32
    %add3A_1465 = vector.broadcast %add3A_1464 : f32 to vector<16xf32>
    %add3A_1466 = arith.addf %mul3A_1463, %add3A_1465 : vector<16xf32>
    %mul3A_1467 = arith.mulf %add3A_1466, %sub3A_1456 : vector<16xf32>
    %add3A_1468 = arith.constant -0.249112099 : f32
    %add3A_1469 = vector.broadcast %add3A_1468 : f32 to vector<16xf32>
    %add3A_1470 = arith.addf %mul3A_1467, %add3A_1469 : vector<16xf32>
    %mul3A_1471 = arith.mulf %add3A_1470, %sub3A_1456 : vector<16xf32>
    %add3A_1472 = arith.constant 0.333048135 : f32
    %add3A_1473 = vector.broadcast %add3A_1472 : f32 to vector<16xf32>
    %add3A_1474 = arith.addf %mul3A_1471, %add3A_1473 : vector<16xf32>
    %mul3A_1475 = arith.mulf %add3A_1474, %sub3A_1456 : vector<16xf32>
    %add3A_1476 = arith.constant -0.500012934 : f32
    %add3A_1477 = vector.broadcast %add3A_1476 : f32 to vector<16xf32>
    %add3A_1478 = arith.addf %mul3A_1475, %add3A_1477 : vector<16xf32>
    %mul3A_1479 = arith.mulf %add3A_1478, %sub3A_1456 : vector<16xf32>
    %add3A_1480 = arith.constant 1.0000031 : f32
    %add3A_1481 = vector.broadcast %add3A_1480 : f32 to vector<16xf32>
    %add3A_1482 = arith.addf %mul3A_1479, %add3A_1481 : vector<16xf32>
    %mul3A_1483 = arith.mulf %add3A_1482, %sub3A_1456 : vector<16xf32>
    %add3A_1484 = arith.constant 3.34232695E-8 : f32
    %add3A_1485 = vector.broadcast %add3A_1484 : f32 to vector<16xf32>
    %add3A_1486 = arith.addf %mul3A_1483, %add3A_1485 : vector<16xf32>
    %mul3A_1487 = arith.constant 0.693147182 : f32
    %mul3A_1488 = vector.broadcast %mul3A_1487 : f32 to vector<16xf32>
    %mul3A_1489 = arith.mulf %add3A_1453, %mul3A_1488 : vector<16xf32>
    %add3A_1490 = arith.addf %mul3A_1489, %add3A_1486 : vector<16xf32>
    %mul3A_1491 = arith.mulf %mul3A_1422, %add3A_1490 : vector<16xf32>
    %sub3A_1492 = arith.constant 1.000000e+00 : f32
    %sub3A_1493 = vector.broadcast %sub3A_1492 : f32 to vector<16xf32>
    %sub3A_1494 = arith.subf %sub3A_1493, %gather3A_1265 : vector<16xf32>
    %mul3A_1495 = arith.mulf %sub3A_1494, %sub3A_1494 : vector<16xf32>
    %bitcast3A_1496 = vector.bitcast %gather3A_1265 : vector<16xf32> to vector<16xi32>
    %shift_right_arithmetic3A_1497 = arith.constant 23 : i32
    %shift_right_arithmetic3A_1498 = vector.broadcast %shift_right_arithmetic3A_1497 : i32 to vector<16xi32>
    %shift_right_arithmetic3A_1499 = arith.shrsi %bitcast3A_1496, %shift_right_arithmetic3A_1498 : vector<16xi32>
    %and3A_1500 = arith.constant 255 : i32
    %and3A_1501 = vector.broadcast %and3A_1500 : i32 to vector<16xi32>
    %and3A_1502 = arith.andi %shift_right_arithmetic3A_1499, %and3A_1501 : vector<16xi32>
    %sub3A_1503 = arith.constant 127 : i32
    %sub3A_1504 = vector.broadcast %sub3A_1503 : i32 to vector<16xi32>
    %sub3A_1505 = arith.subi %and3A_1502, %sub3A_1504 : vector<16xi32>
    %and3A_1506 = arith.constant 8388607 : i32
    %and3A_1507 = vector.broadcast %and3A_1506 : i32 to vector<16xi32>
    %and3A_1508 = arith.andi %bitcast3A_1496, %and3A_1507 : vector<16xi32>
    %or3A_1509 = arith.constant 1065353216 : i32
    %or3A_1510 = vector.broadcast %or3A_1509 : i32 to vector<16xi32>
    %or3A_1511 = arith.ori %and3A_1508, %or3A_1510 : vector<16xi32>
    %bitcast3A_1512 = vector.bitcast %or3A_1511 : vector<16xi32> to vector<16xf32>
    %gt3A_1513 = arith.constant 1.41421354 : f32
    %gt3A_1514 = vector.broadcast %gt3A_1513 : f32 to vector<16xf32>
    %gt3A_1515 = arith.cmpf ogt, %bitcast3A_1512, %gt3A_1514 : vector<16xf32>
    %mul3A_1516 = arith.constant 5.000000e-01 : f32
    %mul3A_1517 = vector.broadcast %mul3A_1516 : f32 to vector<16xf32>
    %mul3A_1518 = arith.mulf %bitcast3A_1512, %mul3A_1517 : vector<16xf32>
    %select_n3A_1519 = arith.select %gt3A_1515, %mul3A_1518, %bitcast3A_1512 : vector<16xi1>, vector<16xf32>
    %convert_element_type3A_1520 = arith.sitofp %sub3A_1505 : vector<16xi32> to vector<16xf32>
    %jit3A_1521 = arith.constant 1.000000e+00 : f32
    %jit3A_1522 = arith.constant 0.000000e+00 : f32
    %broadcast_in_dim3A_1523 = vector.broadcast %jit3A_1521 : f32 to vector<16xf32>
    %broadcast_in_dim3A_1524 = vector.broadcast %jit3A_1522 : f32 to vector<16xf32>
    %select_n3A_1525 = arith.select %gt3A_1515, %broadcast_in_dim3A_1523, %broadcast_in_dim3A_1524 : vector<16xi1>, vector<16xf32>
    %add3A_1526 = arith.addf %convert_element_type3A_1520, %select_n3A_1525 : vector<16xf32>
    %sub3A_1527 = arith.constant 1.000000e+00 : f32
    %sub3A_1528 = vector.broadcast %sub3A_1527 : f32 to vector<16xf32>
    %sub3A_1529 = arith.subf %select_n3A_1519, %sub3A_1528 : vector<16xf32>
    %broadcast_in_dim3A_1530 = arith.constant 0.114484355 : f32
    %broadcast_in_dim3A_1531 = vector.broadcast %broadcast_in_dim3A_1530 : f32 to vector<16xf32>
    %mul3A_1532 = arith.mulf %broadcast_in_dim3A_1531, %sub3A_1529 : vector<16xf32>
    %add3A_1533 = arith.constant -0.186276972 : f32
    %add3A_1534 = vector.broadcast %add3A_1533 : f32 to vector<16xf32>
    %add3A_1535 = arith.addf %mul3A_1532, %add3A_1534 : vector<16xf32>
    %mul3A_1536 = arith.mulf %add3A_1535, %sub3A_1529 : vector<16xf32>
    %add3A_1537 = arith.constant 0.206117854 : f32
    %add3A_1538 = vector.broadcast %add3A_1537 : f32 to vector<16xf32>
    %add3A_1539 = arith.addf %mul3A_1536, %add3A_1538 : vector<16xf32>
    %mul3A_1540 = arith.mulf %add3A_1539, %sub3A_1529 : vector<16xf32>
    %add3A_1541 = arith.constant -0.249112099 : f32
    %add3A_1542 = vector.broadcast %add3A_1541 : f32 to vector<16xf32>
    %add3A_1543 = arith.addf %mul3A_1540, %add3A_1542 : vector<16xf32>
    %mul3A_1544 = arith.mulf %add3A_1543, %sub3A_1529 : vector<16xf32>
    %add3A_1545 = arith.constant 0.333048135 : f32
    %add3A_1546 = vector.broadcast %add3A_1545 : f32 to vector<16xf32>
    %add3A_1547 = arith.addf %mul3A_1544, %add3A_1546 : vector<16xf32>
    %mul3A_1548 = arith.mulf %add3A_1547, %sub3A_1529 : vector<16xf32>
    %add3A_1549 = arith.constant -0.500012934 : f32
    %add3A_1550 = vector.broadcast %add3A_1549 : f32 to vector<16xf32>
    %add3A_1551 = arith.addf %mul3A_1548, %add3A_1550 : vector<16xf32>
    %mul3A_1552 = arith.mulf %add3A_1551, %sub3A_1529 : vector<16xf32>
    %add3A_1553 = arith.constant 1.0000031 : f32
    %add3A_1554 = vector.broadcast %add3A_1553 : f32 to vector<16xf32>
    %add3A_1555 = arith.addf %mul3A_1552, %add3A_1554 : vector<16xf32>
    %mul3A_1556 = arith.mulf %add3A_1555, %sub3A_1529 : vector<16xf32>
    %add3A_1557 = arith.constant 3.34232695E-8 : f32
    %add3A_1558 = vector.broadcast %add3A_1557 : f32 to vector<16xf32>
    %add3A_1559 = arith.addf %mul3A_1556, %add3A_1558 : vector<16xf32>
    %mul3A_1560 = arith.constant 0.693147182 : f32
    %mul3A_1561 = vector.broadcast %mul3A_1560 : f32 to vector<16xf32>
    %mul3A_1562 = arith.mulf %add3A_1526, %mul3A_1561 : vector<16xf32>
    %add3A_1563 = arith.addf %mul3A_1562, %add3A_1559 : vector<16xf32>
    %mul3A_1564 = arith.mulf %mul3A_1495, %add3A_1563 : vector<16xf32>
    %select_n3A_1565 = arith.select %or3A_916, %mul3A_1491, %mul3A_1564 : vector<16xi1>, vector<16xf32>
    %reduce_sum3A_1566 = arith.constant true
    %reduce_sum3A_1567 = vector.broadcast %reduce_sum3A_1566 : i1 to vector<16xi1>
    %reduce_sum3A_1568 = tpu.scan <sum>, %select_n3A_1418 masked %reduce_sum3A_1567 : vector<16xf32>, vector<16xi1> -> vector<16xf32>
    %reduce_sum3A_1569 = vector.extract %reduce_sum3A_1568[15] : f32 from vector<16xf32>
    %reduce_sum3A_1570 = arith.constant true
    %reduce_sum3A_1571 = vector.broadcast %reduce_sum3A_1570 : i1 to vector<16xi1>
    %reduce_sum3A_1572 = tpu.scan <sum>, %select_n3A_1565 masked %reduce_sum3A_1571 : vector<16xf32>, vector<16xi1> -> vector<16xf32>
    %reduce_sum3A_1573 = vector.extract %reduce_sum3A_1572[15] : f32 from vector<16xf32>
    %add3A_1574 = arith.addf %reduce_sum3A_1569, %reduce_sum3A_1573 : f32
    %neg3A_1575 = arith.constant 0.000000e+00 : f32
    %neg3A_1576 = arith.subf %neg3A_1575, %add3A_1574 : f32
    %mul3A_1577 = arith.constant 3.125000e-02 : f32
    %mul3A_1578 = arith.mulf %neg3A_1576, %mul3A_1577 : f32
    %broadcast_in_dim3A_1579 = vector.broadcast %mul3A_1578 : f32 to vector<16xf32>
    %add3A_1580 = arith.addf %add3A_1245, %broadcast_in_dim3A_1579 : vector<16xf32>
    %add3A_1581 = arith.addf %add3A_1246, %add3A_904 : vector<16xf32>
    %add3A_1582 = arith.addf %add3A_1247, %add3A_910 : vector<16xf32>
    %eq3A_1583 = arith.constant 0 : i32
    %eq3A_1584 = vector.broadcast %eq3A_1583 : i32 to vector<16xi32>
    %eq3A_1585 = arith.cmpi eq, %iota3A, %eq3A_1584 : vector<16xi32>
    %eq3A_1586 = arith.constant 1 : i32
    %eq3A_1587 = vector.broadcast %eq3A_1586 : i32 to vector<16xi32>
    %eq3A_1588 = arith.cmpi eq, %iota3A, %eq3A_1587 : vector<16xi32>
    %eq3A_1589 = arith.constant 2 : i32
    %eq3A_1590 = vector.broadcast %eq3A_1589 : i32 to vector<16xi32>
    %eq3A_1591 = arith.cmpi eq, %iota3A, %eq3A_1590 : vector<16xi32>
    %jit3A_1592 = arith.constant 0.000000e+00 : f32
    %broadcast_in_dim3A_1593 = vector.broadcast %jit3A_1592 : f32 to vector<16xf32>
    %select_n3A_1594 = arith.select %eq3A_1591, %add3A_1582, %broadcast_in_dim3A_1593 : vector<16xi1>, vector<16xf32>
    %select_n3A_1595 = arith.select %eq3A_1588, %add3A_1581, %select_n3A_1594 : vector<16xi1>, vector<16xf32>
    %select_n3A_1596 = arith.select %eq3A_1585, %add3A_1580, %select_n3A_1595 : vector<16xi1>, vector<16xf32>
    %swap3A = arith.constant 0 : index
    %swap3A_1597 = tpu.vector_load %arg9[%swap3A] {strides = array<i32>} : memref<16xf32, #tpu.memory_space<vmem>>, vector<16xf32>,
    tpu.vector_store %arg9[%swap3A], %select_n3A_1596 {strides = array<i32>} : memref<16xf32, #tpu.memory_space<vmem>>, vector<16xf32>,
    "tpu.region"() ({
      %run_scoped3A = tpu.sem_alloc : memref<!tpu.dma_semaphore, #tpu.memory_space<semaphore_mem>>
      %dma_start3A_1602 = arith.constant 0 : i32
      %dma_start3A_1603 = tpu.memref_slice %arg10[%arg1, %dma_start3A_1602] : memref<16x16xf32, #tpu.memory_space<vmem_shared>> -> memref<1x16xf32, #tpu.memory_space<vmem_shared>>
      %dma_start3A_1604 = tpu.memref_squeeze %dma_start3A_1603 : memref<1x16xf32, #tpu.memory_space<vmem_shared>> -> memref<16xf32, #tpu.memory_space<vmem_shared>>
      %dma_start3A_1605 = arith.constant 0 : i32
      %dma_start3A_1606 = tpu.memref_slice %arg10[%arg1, %dma_start3A_1605] : memref<16x16xf32, #tpu.memory_space<vmem_shared>> -> memref<1x16xf32, #tpu.memory_space<vmem_shared>>
      %dma_start3A_1607 = tpu.memref_squeeze %dma_start3A_1606 : memref<1x16xf32, #tpu.memory_space<vmem_shared>> -> memref<16xf32, #tpu.memory_space<vmem_shared>>
      tpu.enqueue_dma source(%arg9 : memref<16xf32, #tpu.memory_space<vmem>>) target(%dma_start3A_1607 : memref<16xf32, #tpu.memory_space<vmem_shared>>) target_semaphore(%run_scoped3A : memref<!tpu.dma_semaphore, #tpu.memory_space<semaphore_mem>>)
      %dma_wait3A_1608 = arith.constant 0 : i32
      %dma_wait3A_1609 = tpu.memref_slice %arg10[%arg1, %dma_wait3A_1608] : memref<16x16xf32, #tpu.memory_space<vmem_shared>> -> memref<1x16xf32, #tpu.memory_space<vmem_shared>>
      %dma_wait3A_1610 = tpu.memref_squeeze %dma_wait3A_1609 : memref<1x16xf32, #tpu.memory_space<vmem_shared>> -> memref<16xf32, #tpu.memory_space<vmem_shared>>
      %dma_wait3A_1611 = arith.constant 0 : i32
      %dma_wait3A_1612 = tpu.memref_slice %arg10[%arg1, %dma_wait3A_1611] : memref<16x16xf32, #tpu.memory_space<vmem_shared>> -> memref<1x16xf32, #tpu.memory_space<vmem_shared>>
      %dma_wait3A_1613 = tpu.memref_squeeze %dma_wait3A_1612 : memref<1x16xf32, #tpu.memory_space<vmem_shared>> -> memref<16xf32, #tpu.memory_space<vmem_shared>>
      tpu.wait_dma2 semaphore(%run_scoped3A : memref<!tpu.dma_semaphore, #tpu.memory_space<semaphore_mem>>) src(%arg9 : memref<16xf32, #tpu.memory_space<vmem>>) dst(%dma_wait3A_1613 : memref<16xf32, #tpu.memory_space<vmem_shared>>)
      tpu.yield
    }) : () -> ()
    %barrier3A = arith.constant 0 : index
    tpu.barrier barrier_id(%barrier3A)
    %eq3A_1598 = arith.constant 0 : i32
    %eq3A_1599 = arith.cmpi eq, %arg1, %eq3A_1598 : i32
    %convert_element_type3A_1600 = arith.extui %eq3A_1599 : i1 to i32
    %cond3A = arith.constant 0 : i32
    %cond3A_1601 = arith.cmpi ne, %convert_element_type3A_1600, %cond3A : i32
    scf.if %cond3A_1601 {
      "tpu.region"() ({
        %run_scoped3A = tpu.sem_alloc : memref<!tpu.dma_semaphore, #tpu.memory_space<semaphore_mem>>
        tpu.enqueue_dma source(%arg10 : memref<16x16xf32, #tpu.memory_space<vmem_shared>>) target(%arg11 : memref<16x16xf32, #tpu.memory_space<vmem>>) target_semaphore(%run_scoped3A : memref<!tpu.dma_semaphore, #tpu.memory_space<semaphore_mem>>)
        tpu.wait_dma2 semaphore(%run_scoped3A : memref<!tpu.dma_semaphore, #tpu.memory_space<semaphore_mem>>) src(%arg10 : memref<16x16xf32, #tpu.memory_space<vmem_shared>>) dst(%arg11 : memref<16x16xf32, #tpu.memory_space<vmem>>)
        tpu.yield
      }) : () -> ()
      %get3A = arith.constant 0 : i32
      %get3A_1602 = arith.index_cast %get3A : i32 to index
      %get3A_1603 = arith.constant 0 : index
      %get3A_1604 = tpu.vector_load %arg11[%get3A_1602, %get3A_1603] {strides = array<i32>} : memref<16x16xf32, #tpu.memory_space<vmem>>, vector<16xf32>,
      %get3A_1605 = arith.constant 1 : i32
      %get3A_1606 = arith.index_cast %get3A_1605 : i32 to index
      %get3A_1607 = arith.constant 0 : index
      %get3A_1608 = tpu.vector_load %arg11[%get3A_1606, %get3A_1607] {strides = array<i32>} : memref<16x16xf32, #tpu.memory_space<vmem>>, vector<16xf32>,
      %add3A_1609 = arith.addf %get3A_1604, %get3A_1608 : vector<16xf32>
      %get3A_1610 = arith.constant 2 : i32
      %get3A_1611 = arith.index_cast %get3A_1610 : i32 to index
      %get3A_1612 = arith.constant 0 : index
      %get3A_1613 = tpu.vector_load %arg11[%get3A_1611, %get3A_1612] {strides = array<i32>} : memref<16x16xf32, #tpu.memory_space<vmem>>, vector<16xf32>,
      %add3A_1614 = arith.addf %add3A_1609, %get3A_1613 : vector<16xf32>
      %get3A_1615 = arith.constant 3 : i32
      %get3A_1616 = arith.index_cast %get3A_1615 : i32 to index
      %get3A_1617 = arith.constant 0 : index
      %get3A_1618 = tpu.vector_load %arg11[%get3A_1616, %get3A_1617] {strides = array<i32>} : memref<16x16xf32, #tpu.memory_space<vmem>>, vector<16xf32>,
      %add3A_1619 = arith.addf %add3A_1614, %get3A_1618 : vector<16xf32>
      %get3A_1620 = arith.constant 4 : i32
      %get3A_1621 = arith.index_cast %get3A_1620 : i32 to index
      %get3A_1622 = arith.constant 0 : index
      %get3A_1623 = tpu.vector_load %arg11[%get3A_1621, %get3A_1622] {strides = array<i32>} : memref<16x16xf32, #tpu.memory_space<vmem>>, vector<16xf32>,
      %add3A_1624 = arith.addf %add3A_1619, %get3A_1623 : vector<16xf32>
      %get3A_1625 = arith.constant 5 : i32
      %get3A_1626 = arith.index_cast %get3A_1625 : i32 to index
      %get3A_1627 = arith.constant 0 : index
      %get3A_1628 = tpu.vector_load %arg11[%get3A_1626, %get3A_1627] {strides = array<i32>} : memref<16x16xf32, #tpu.memory_space<vmem>>, vector<16xf32>,
      %add3A_1629 = arith.addf %add3A_1624, %get3A_1628 : vector<16xf32>
      %get3A_1630 = arith.constant 6 : i32
      %get3A_1631 = arith.index_cast %get3A_1630 : i32 to index
      %get3A_1632 = arith.constant 0 : index
      %get3A_1633 = tpu.vector_load %arg11[%get3A_1631, %get3A_1632] {strides = array<i32>} : memref<16x16xf32, #tpu.memory_space<vmem>>, vector<16xf32>,
      %add3A_1634 = arith.addf %add3A_1629, %get3A_1633 : vector<16xf32>
      %get3A_1635 = arith.constant 7 : i32
      %get3A_1636 = arith.index_cast %get3A_1635 : i32 to index
      %get3A_1637 = arith.constant 0 : index
      %get3A_1638 = tpu.vector_load %arg11[%get3A_1636, %get3A_1637] {strides = array<i32>} : memref<16x16xf32, #tpu.memory_space<vmem>>, vector<16xf32>,
      %add3A_1639 = arith.addf %add3A_1634, %get3A_1638 : vector<16xf32>
      %get3A_1640 = arith.constant 8 : i32
      %get3A_1641 = arith.index_cast %get3A_1640 : i32 to index
      %get3A_1642 = arith.constant 0 : index
      %get3A_1643 = tpu.vector_load %arg11[%get3A_1641, %get3A_1642] {strides = array<i32>} : memref<16x16xf32, #tpu.memory_space<vmem>>, vector<16xf32>,
      %add3A_1644 = arith.addf %add3A_1639, %get3A_1643 : vector<16xf32>
      %get3A_1645 = arith.constant 9 : i32
      %get3A_1646 = arith.index_cast %get3A_1645 : i32 to index
      %get3A_1647 = arith.constant 0 : index
      %get3A_1648 = tpu.vector_load %arg11[%get3A_1646, %get3A_1647] {strides = array<i32>} : memref<16x16xf32, #tpu.memory_space<vmem>>, vector<16xf32>,
      %add3A_1649 = arith.addf %add3A_1644, %get3A_1648 : vector<16xf32>
      %get3A_1650 = arith.constant 10 : i32
      %get3A_1651 = arith.index_cast %get3A_1650 : i32 to index
      %get3A_1652 = arith.constant 0 : index
      %get3A_1653 = tpu.vector_load %arg11[%get3A_1651, %get3A_1652] {strides = array<i32>} : memref<16x16xf32, #tpu.memory_space<vmem>>, vector<16xf32>,
      %add3A_1654 = arith.addf %add3A_1649, %get3A_1653 : vector<16xf32>
      %get3A_1655 = arith.constant 11 : i32
      %get3A_1656 = arith.index_cast %get3A_1655 : i32 to index
      %get3A_1657 = arith.constant 0 : index
      %get3A_1658 = tpu.vector_load %arg11[%get3A_1656, %get3A_1657] {strides = array<i32>} : memref<16x16xf32, #tpu.memory_space<vmem>>, vector<16xf32>,
      %add3A_1659 = arith.addf %add3A_1654, %get3A_1658 : vector<16xf32>
      %get3A_1660 = arith.constant 12 : i32
      %get3A_1661 = arith.index_cast %get3A_1660 : i32 to index
      %get3A_1662 = arith.constant 0 : index
      %get3A_1663 = tpu.vector_load %arg11[%get3A_1661, %get3A_1662] {strides = array<i32>} : memref<16x16xf32, #tpu.memory_space<vmem>>, vector<16xf32>,
      %add3A_1664 = arith.addf %add3A_1659, %get3A_1663 : vector<16xf32>
      %get3A_1665 = arith.constant 13 : i32
      %get3A_1666 = arith.index_cast %get3A_1665 : i32 to index
      %get3A_1667 = arith.constant 0 : index
      %get3A_1668 = tpu.vector_load %arg11[%get3A_1666, %get3A_1667] {strides = array<i32>} : memref<16x16xf32, #tpu.memory_space<vmem>>, vector<16xf32>,
      %add3A_1669 = arith.addf %add3A_1664, %get3A_1668 : vector<16xf32>
      %get3A_1670 = arith.constant 14 : i32
      %get3A_1671 = arith.index_cast %get3A_1670 : i32 to index
      %get3A_1672 = arith.constant 0 : index
      %get3A_1673 = tpu.vector_load %arg11[%get3A_1671, %get3A_1672] {strides = array<i32>} : memref<16x16xf32, #tpu.memory_space<vmem>>, vector<16xf32>,
      %add3A_1674 = arith.addf %add3A_1669, %get3A_1673 : vector<16xf32>
      %get3A_1675 = arith.constant 15 : i32
      %get3A_1676 = arith.index_cast %get3A_1675 : i32 to index
      %get3A_1677 = arith.constant 0 : index
      %get3A_1678 = tpu.vector_load %arg11[%get3A_1676, %get3A_1677] {strides = array<i32>} : memref<16x16xf32, #tpu.memory_space<vmem>>, vector<16xf32>,
      %add3A_1679 = arith.addf %add3A_1674, %get3A_1678 : vector<16xf32>
      %slice3A = vector.extract_strided_slice %add3A_1679 {offsets = [0], sizes = [1], strides = [1]} : vector<16xf32> to vector<1xf32>
      %squeeze3A = vector.extract %slice3A[0] : f32 from vector<1xf32>
      %broadcast_in_dim3A_1680 = vector.broadcast %squeeze3A : f32 to vector<16xf32>
      %slice3A_1681 = vector.extract_strided_slice %add3A_1679 {offsets = [1], sizes = [1], strides = [1]} : vector<16xf32> to vector<1xf32>
      %squeeze3A_1682 = vector.extract %slice3A_1681[0] : f32 from vector<1xf32>
      %broadcast_in_dim3A_1683 = vector.broadcast %squeeze3A_1682 : f32 to vector<16xf32>
      %slice3A_1684 = vector.extract_strided_slice %add3A_1679 {offsets = [2], sizes = [1], strides = [1]} : vector<16xf32> to vector<1xf32>
      %squeeze3A_1685 = vector.extract %slice3A_1684[0] : f32 from vector<1xf32>
      %broadcast_in_dim3A_1686 = vector.broadcast %squeeze3A_1685 : f32 to vector<16xf32>
      %mul3A_1687 = arith.constant 3.125000e-02 : f32
      %mul3A_1688 = vector.broadcast %mul3A_1687 : f32 to vector<16xf32>
      %mul3A_1689 = arith.mulf %broadcast_in_dim3A_1680, %mul3A_1688 : vector<16xf32>
      %mul3A_1690 = arith.constant 4.000000e-01 : f32
      %mul3A_1691 = vector.broadcast %mul3A_1690 : f32 to vector<16xf32>
      %mul3A_1692 = arith.mulf %mul3A_1691, %broadcast_in_dim3A_1683 : vector<16xf32>
      %add3A_1693 = arith.constant 9.99999997E-7 : f32
      %add3A_1694 = vector.broadcast %add3A_1693 : f32 to vector<16xf32>
      %add3A_1695 = arith.addf %broadcast_in_dim3A_1686, %add3A_1694 : vector<16xf32>
      %div3A = arith.divf %mul3A_1692, %add3A_1695 : vector<16xf32>
      %add3A_1696 = arith.addf %mul3A_1689, %div3A : vector<16xf32>
      %swap3A_1697 = arith.constant 0 : index
      %swap3A_1698 = tpu.vector_load %arg12[%swap3A_1697] {strides = array<i32>} : memref<16xf32, #tpu.memory_space<vmem>>, vector<16xf32>,
      tpu.vector_store %arg12[%swap3A_1697], %add3A_1696 {strides = array<i32>} : memref<16xf32, #tpu.memory_space<vmem>>, vector<16xf32>,
      "tpu.region"() ({
        %run_scoped3A = tpu.sem_alloc : memref<!tpu.dma_semaphore, #tpu.memory_space<semaphore_mem>>
        tpu.enqueue_dma source(%arg12 : memref<16xf32, #tpu.memory_space<vmem>>) target(%arg5 : memref<16xf32, #tpu.memory_space<hbm>>) target_semaphore(%run_scoped3A : memref<!tpu.dma_semaphore, #tpu.memory_space<semaphore_mem>>)
        tpu.wait_dma2 semaphore(%run_scoped3A : memref<!tpu.dma_semaphore, #tpu.memory_space<semaphore_mem>>) src(%arg12 : memref<16xf32, #tpu.memory_space<vmem>>) dst(%arg5 : memref<16xf32, #tpu.memory_space<hbm>>)
        tpu.yield
      }) : () -> ()
    } else {
    }
    return
  }
}

</mosaic_0001>

<sc_bundles>
// kernel: _lane_loss.3.cloned.1.call-start
scs
__scs_entry_jumppad:
0x0: {  	(pc) =	sbr.rel $0x88, $3  }
0x1: {  	(tag) =	ssettag $0x0;
	lr =	simm.s32 $0x1  }
0x2: {  	[smem:$0x3F9E] =	sst lr;
	_ =	strace $0xD0000000  }
0x3: {  	_ = 	snop  }
0x4: {  	_ = 	snop  }
0x5: {  	_ = 	snop  }
0x6: {  	_ = 	snop  }
0x7: {  	_ = 	snop  }
__scs_overlays_trampoline_lowered:
0x8: {  	[smem:$0x3FAD] =	sst s0  }
0x9: {  	[smem:$0x3FAE] =	sst s1  }
0xa: {  	[smem:$0x3FAF] =	sst s2  }
0xb: {  	[smem:$0x3FB0] =	sst s3  }
0xc: {  	[smem:$0x3FB1] =	sst s4  }
0xd: {  	[smem:$0x3FB2] =	sst s5  }
0xe: {  	[smem:$0x3FB3] =	sst s6  }
0xf: {  	[smem:$0x3FB4] =	sst s7  }
0x10: {  	[smem:$0x3FB5] =	sst s8  }
0x11: {  	[smem:$0x3FB6] =	sst s9;
	s0 =	simm.s32 @!p0 $0x0  }
0x12: {  	s1 =	sld [smem:$0x3F9C];
	s0 =	simm.s32 @p0 $0x1  }
0x13: {  	[smem:$0x3FB7] =	sst s0;
	s0 =	simm.s32 @!p1 $0x0  }
0x14: {  	s2 =	sld [smem:$0x3F9B];
	s0 =	simm.s32 @p1 $0x1  }
0x15: {  	[smem:$0x3FB8] =	sst s0;
	s0 =	simm.s32 @!p2 $0x0  }
0x16: {  	s3 =	sld [smem:$0x3FDB];
	s0 =	simm.s32 @p2 $0x1  }
0x17: {  	s4 =	simm.s32 $0x1BF5;
	[smem:$0x3FBA] =	sst s0  }
0x18: {  	s0 =	sld [smem:$0x3F9D];
	_ =	swait.ge [sflag:s4], $0x0  }
0x19: {  	s7 =	sld [smem:$0x3F9E]  }
0x1a: {  	s8 =	sadd.s32 $0xFFFFE003, lr  }
0x1b: {  	s9 =	sadd.s32 $0xFFFFFEF7, lr;
	s5 =	simm.s32 $0xFFFFFFFF;
	p2 =	slt.u32 s8, $0xFFFFF086  }
0x1c: {  	p1 =	slt.u32 s9, $0xF7A;
	s5 =	simm.s32 @!p2 $0x0  }
0x1d: {  	s5 =	simm.s32 @p1 $0x1;
	p0 =	seq.s32 s7, s2  }
0x1e: {  	s7 =	smul.u32 @!p0 $0xF7A, s2;
	p2 =	seq.s32 @!p0 s5, $0x0  }
0x1f: {  	s9 =	smul.u32 $0xF7A, s1;
	s8 =	simm.s32 @!p0 $0x1BF5;
	p2 =	por !p2, p0  }
0x20: {  	[sflag:s8] =	ssyncset.s32 @!p0 $0xFFFFF086;
	s6 =	sadd.s32 @!p0 s3, s7;
	s7 =	simm.s32 @!p0 $0x108  }
0x21: {  	s3 =	sadd.s32 s3, s9;
	s6 =	sadd.s32 @!p0 $0x88, s6;
	s7 =	simm.s32 @p2 $0x1082  }
0x22: {  	[simem:s7], [sflag:s8] =	dma.local @!p0 [hbm:s6], $0xF7A  }
0x23: {  	s9 =	sor.u32 $0xD0000000, s2;
	s6 =	simm.s32 $0x108;
	_ =	swait.ge @!p0 [sflag:s8], $0x0  }
0x24: {  	s3 =	sadd.s32 $0x88, s3;
	s6 =	simm.s32 @!p1 $0x1082;
	[sflag:s4] =	ssyncset.s32 $0xFFFFF086  }
0x25: {  	[simem:s6], [sflag:s4] =	dma.local [hbm:s3], $0xF7A  }
0x26: {  	[smem:$0x3F9E] =	sst s1;
	(tag) =	ssettag s2;
	_ =	strace s9  }
0x27: {  	s1 =	sld [smem:$0x3FAE]  }
0x28: {  	s2 =	sld [smem:$0x3FAF]  }
0x29: {  	s4 =	sld [smem:$0x3FB1]  }
0x2a: {  	p0 =	seq.s32 s5, $0x0;
	s5 =	sld [smem:$0x3FB2]  }
0x2b: {  	s6 =	sld [smem:$0x3FB3]  }
0x2c: {  	s7 =	sld [smem:$0x3FB4]  }
0x2d: {  	s3 =	simm.s32 $0x108;
	s8 =	sld [smem:$0x3FB5]  }
0x2e: {  	s3 =	simm.s32 @!p0 $0x1082;
	s9 =	sld [smem:$0x3FB6]  }
0x2f: {  	lr =	sadd.s32 s0, s3;
	s0 =	sld [smem:$0x3FAD]  }
0x30: {  	s3 =	sld [smem:$0x3FB0]  }
0x31: {  	[smem:$0x3FB9] =	sst s10  }
0x32: {  	s10 =	sld [smem:$0x3FB7];
	_ =	sdelay $0x3  }
0x33: {  	p0 =	seq.s32 s10, $0x1;
	s10 =	sld [smem:$0x3FB9];
	_ =	sdelay $0x3  }
0x34: {  	[smem:$0x3FB9] =	sst s10  }
0x35: {  	s10 =	sld [smem:$0x3FB8];
	_ =	sdelay $0x3  }
0x36: {  	p1 =	seq.s32 s10, $0x1;
	s10 =	sld [smem:$0x3FB9];
	_ =	sdelay $0x3  }
0x37: {  	[smem:$0x3FB9] =	sst s10  }
0x38: {  	s10 =	sld [smem:$0x3FBA]  }
0x39: {  	_ = 	snop;
	(pc) =	sbr.ind lr, $3  }
0x3a: {  	_ = 	snop  }
0x3b: {  	_ = 	snop  }
0x3c: {  	p2 =	seq.s32 s10, $0x1;
	s10 =	sld [smem:$0x3FB9]  }
0x3d: {  	_ =	shalt  }
0x3e: {  	_ =	shalt  }
0x3f: {  	_ =	shalt  }
0x40: {  	_ =	shalt  }
0x41: {  	_ =	shalt  }
0x42: {  	_ =	shalt  }
0x43: {  	_ =	shalt  }
0x44: {  	_ =	shalt  }
0x45: {  	_ =	shalt  }
0x46: {  	_ =	shalt  }
0x47: {  	_ =	shalt  }
0x48: {  	_ =	shalt  }
0x49: {  	_ =	shalt  }
0x4a: {  	_ =	shalt  }
0x4b: {  	_ =	shalt  }
0x4c: {  	_ =	shalt  }
0x4d: {  	_ =	shalt  }
0x4e: {  	_ =	shalt  }
0x4f: {  	_ =	shalt  }
0x50: {  	_ =	shalt  }
0x51: {  	_ =	shalt  }
0x52: {  	_ =	shalt  }
0x53: {  	_ =	shalt  }
0x54: {  	_ =	shalt  }
0x55: {  	_ =	shalt  }
0x56: {  	_ =	shalt  }
0x57: {  	_ =	shalt  }
0x58: {  	_ =	shalt  }
0x59: {  	_ =	shalt  }
0x5a: {  	_ =	shalt  }
0x5b: {  	_ =	shalt  }
0x5c: {  	_ =	shalt  }
0x5d: {  	_ =	shalt  }
0x5e: {  	_ =	shalt  }
0x5f: {  	_ =	shalt  }
0x60: {  	_ =	shalt  }
0x61: {  	_ =	shalt  }
0x62: {  	_ =	shalt  }
0x63: {  	_ =	shalt  }
0x64: {  	_ =	shalt  }
0x65: {  	_ =	shalt  }
0x66: {  	_ =	shalt  }
0x67: {  	_ =	shalt  }
0x68: {  	_ =	shalt  }
0x69: {  	_ =	shalt  }
0x6a: {  	_ =	shalt  }
0x6b: {  	_ =	shalt  }
0x6c: {  	_ =	shalt  }
0x6d: {  	_ =	shalt  }
0x6e: {  	_ =	shalt  }
0x6f: {  	_ =	shalt  }
0x70: {  	_ =	shalt  }
0x71: {  	_ =	shalt  }
0x72: {  	_ =	shalt  }
0x73: {  	_ =	shalt  }
0x74: {  	_ =	shalt  }
0x75: {  	_ =	shalt  }
0x76: {  	_ =	shalt  }
0x77: {  	_ =	shalt  }
0x78: {  	_ =	shalt  }
0x79: {  	_ =	shalt  }
0x7a: {  	_ =	shalt  }
0x7b: {  	_ =	shalt  }
0x7c: {  	_ =	shalt  }
0x7d: {  	_ =	shalt  }
0x7e: {  	_ =	shalt  }
0x7f: {  	_ =	shalt  }
0x80: {  	_ =	shalt  }
0x81: {  	_ =	shalt  }
0x82: {  	_ =	shalt  }
0x83: {  	_ =	shalt  }
0x84: {  	_ =	shalt  }
0x85: {  	_ =	shalt  }
0x86: {  	_ =	shalt  }
0x87: {  	_ =	shalt  }
.Lfunc_end0:
.L_simem_size_0:
called_computation_lowered:
.L_overlay_start_0:
0x88: {  	s0 =	sld [smem:$0x3FD9]  }
0x89: {  	s1 =	sld [smem:$0x3FFE];
	_ =	sdelay $0x3  }
0x8a: {  	s0 =	sadd.s32 s1, s0  }
0x8b: {  	[smem:$0x3FC5] =	sst s0  }
0x8c: {  	_ = 	snop  }
0x8d: {  	s0 =	sld [smem:$0x3FD0];
	(tm) =	ssettm $0x1  }
0x8e: {  	s16 =	sld [smem:$0x3FFB];
	_ =	sdelay $0x3  }
0x8f: {  	_ =	strace s16  }
0x90: {  	s1 =	sld [smem:$0x3FFC];
	_ =	sdelay $0x3  }
0x91: {  	_ =	strace s1  }
0x92: {  	s1 =	sld [smem:$0x3FFD];
	_ =	sdelay $0x3  }
0x93: {  	_ =	strace s1  }
0x94: {  	_ =	strace $0x8FFFFFFF  }
0x95: {  	s17 =	sld [smem:$0x3FDB];
	_ =	sdelay $0x1  }
0x96: {  	s2 =	simm.s32 $_scs_section_size  }
0x97: {  	s3 =	simm.s32 $_size__tile_overlayer_lowered;
	s4 =	simm.s32 $_tile_overlayer_lowered  }
0x98: {  	s20 =	simm.s32 $0x1BFF;
	s19 =	sshll.u32 s4, $0x1;
	s1 =	sadd.s32 s2, s17  }
0x99: {  	s5 =	simm.s32 $0x0;
	s18 =	sshll.u32 s3, $0x1;
	s3 =	sadd.s32 s19, s1  }
0x9a: {  	[timem:s5], [sflag:s20] =	dma.local [hbm:s3], s18  }
0x9b: {  	_ =	swait.ge [sflag:s20], s18  }
0x9c: {  	s2 =	ssub.s32 $0x0, s18;
	[sflag:s20] =	ssyncset.done $0x0  }
0x9d: {  	[sflag:s20] =	ssyncadd.s32 s2;
	_ =	sdelay $0x1  }
0x9e: {  	s21 =	simm.s32 $0x1B8B  }
0x9f: {  	_ =	swait.ge [sflag:s21], $0x1  }
0xa0: {  	[sflag:s21] =	ssyncset.done $0x0  }
0xa1: {  	s23 =	simm.s32 $0x1B8E;
	s22 =	sld [smem:$0x3FFE];
	[sflag:s21] =	ssyncadd.s32 $0xFFFFFFFF  }
0xa2: {  	s24 =	simm.s32 $execute0_lowered;
	[smem:$0x3FD2] =	sst s23  }
0xa3: {  	s3 =	sshll.u32 s24, $0x1;
	_ =	strace $0x80000046;
	[dreg:$0x1] =	wrdreg $0xFFFFFFFF  }
0xa4: {  	s25 =	simm.s32 $_size_execute0_lowered;
	s1 =	sadd.s32 s1, s3;
	[dreg:$0x0] =	wrdreg $0x0  }
0xa5: {  	s3 =	sshll.u32 s25, $0x1;
	[dreg:$0x2] =	wrdreg s1  }
0xa6: {  	[dreg:$0x3] =	wrdreg s3  }
0xa7: {  	[dreg:$0x4] =	wrdreg $0xC0  }
0xa8: {  	_ =	task [dreg:s5], $0x5FFFF  }
0xa9: {  	[dreg:$0x1] =	wrdreg $0xFFFFFFFF  }
0xaa: {  	[dreg:$0x0] =	wrdreg $0x60  }
0xab: {  	[dreg:$0x2] =	wrdreg s22  }
0xac: {  	[dreg:$0x3] =	wrdreg s0  }
0xad: {  	[dreg:$0x4] =	wrdreg $0x17D00  }
0xae: {  	[dreg:$0x5] =	wrdreg $0x9  }
0xaf: {  	_ =	task.clear_ibuf [dreg:s5], $0x6FFFF;
	_ =	strace $0x90000046  }
0xb0: {  	s26 =	simm.s32 $0x9;
	_ =	strace $0x80000048  }
0xb1: {  	_ =	swait.ge [sflag:s26], $0x1  }
0xb2: {  	[sflag:s26] =	ssyncadd.s32 $0xFFFFFFFF  }
0xb3: {  	_ =	strace $0x90000048  }
0xb4: {  	_ =	sfence  }
0xb5: {  	s28 =	sld [smem:$0x0];
	_ =	sdelay $0x1  }
0xb6: {  	s29 =	srdreg.scid  }
0xb7: {  	s30 =	sshll.u32 s29, $0xD;
	s31 =	sshrl.u32 s29, $0x2  }
0xb8: {  	s2 =	sand.u32 $0x4000, s30;
	s1 =	sand.u32 $0x1, s29;
	s0 =	sadd.s32 s31, s28  }
0xb9: {  	s1 =	sor.u32 s2, s1;
	s0 =	sshll.u32 s0, $0x11  }
0xba: {  	s0 =	sor.u32 s0, s1  }
0xbb: {  	s0 =	sadd.s32 $0x8F2B, s0  }
0xbc: {  	[sflag:s0] =	ssyncadd.remote.s32 $0x1  }
0xbd: {  	_ =	sfence.sel $0xFFFF  }
0xbe: {  	[dreg:$0x0] =	wrdreg $0xFFFFFFFF;
	(pc) =	sbr.abs _section_cstart, $3  }
0xbf: {  	[dreg:$0x1] =	wrdreg $0xFFFFFFFF  }
0xc0: {  	_ =	task.clear_ibuf [dreg:s5], $0x2FFFF;
	_ =	strace $0x9FFFFFFF  }
0xc1: {  	(tm) =	ssettm $0x7FFFFFFF  }
tec
execute0_lowered:
.L_overlay_start_1:
0x0: {  	(tag) =	ssettag $0x1  }
0x1: {  	s4 =	rddreg [dreg:$0x0]  }
0x2: {  	s1 =	rddreg [dreg:$0x1]  }
0x3: {  	s2 =	rddreg [dreg:$0x2];
	s3 =	stileid.u32  }
0x4: {  	s0 =	rddreg [dreg:$0x3];
	s7 =	simm.s32 $0x0;
	s5 =	smul.u32 $0x240, s3  }
0x5: {  	[smem:$0x7FF] =	sst s7;
	s6 =	smul.u32 $0x78, s3  }
0x6: {  	s8 =	sadd.s32 $0xC00, s4;
	s9 =	sadd.s32 $0x3000, s4;
	s10 =	sadd.s32 $0x800, s4  }
0x7: {  	s4 =	sshll.u32 s3, $0x6;
	_ =	strace $0x80000047;
	s18 =	sadd.s32 s8, s5  }
0x8: {  	[tilespmem:s7], [sflag:$0x1] =	stream.linear.gather [hbm4b:s18+s7], $0x900, $0x38;
	[tilespmem:$0x18F0] =	vst v63  }
0x9: {  	s11 =	sshllo.u32 s3, $0x1;
	s6 =	sadd.s32 s9, s6;
	s5 =	simm.s32 $0x1200  }
0xa: {  	[tilespmem:s5], [sflag:$0x2] =	stream.linear.gather [hbm4b:s6+s7], $0x1E0, $0x38;
	[tilespmem:$0x18F0] =	vst v63  }
0xb: {  	s13 =	simm.s32 $0x15C0;
	s19 =	sadd.s32 s10, s4;
	s12 =	smul.u32 $0x120, s11  }
0xc: {  	[tilespmem:s13], [sflag:$0x3] =	stream.linear.gather [hbm4b:s19+s7], $0x100, $0x38;
	[tilespmem:$0x18F0] =	vst v63  }
0xd: {  	s21 =	smul.u32 $0x3C, s11;
	s20 =	sadd.s32 s8, s12;
	s8 =	simm.s32 $0x900  }
0xe: {  	[tilespmem:s8], [sflag:$0x4] =	stream.linear.gather [hbm4b:s20+s7], $0x900, $0x38;
	[tilespmem:$0x18F0] =	vst v63  }
0xf: {  	s11 =	sshll.u32 s11, $0x5;
	s9 =	sadd.s32 s9, s21;
	s6 =	simm.s32 $0x13E0  }
0x10: {  	[tilespmem:s6], [sflag:$0x5] =	stream.linear.gather [hbm4b:s9+s7], $0x1E0, $0x38;
	[tilespmem:$0x18F0] =	vst v63  }
0x11: {  	s23 =	simm.s32 $0x16C0;
	s24 =	simm.s32 $0x1;
	s22 =	sadd.s32 s10, s11  }
0x12: {  	[tilespmem:s23], [sflag:$0x6] =	stream.linear.gather [hbm4b:s22+s7], $0x100, $0x38;
	[tilespmem:$0x18F0] =	vst v63  }
0x13: {  	_ =	swait.ge [sflag:s24], $0x900  }
0x14: {  	[sflag:s24] =	ssyncset.done $0x0  }
0x15: {  	s25 =	simm.s32 $0x2;
	[sflag:s24] =	ssyncadd.s32 $0xFFFFF700  }
0x16: {  	_ =	swait.ge [sflag:s25], $0x1E0  }
0x17: {  	[sflag:s25] =	ssyncset.done $0x0  }
0x18: {  	s26 =	simm.s32 $0x3;
	[sflag:s25] =	ssyncadd.s32 $0xFFFFFE20  }
0x19: {  	_ =	swait.ge [sflag:s26], $0x100  }
0x1a: {  	[sflag:s26] =	ssyncset.done $0x0  }
0x1b: {  	s28 =	simm.s32 $0x4;
	[sflag:s26] =	ssyncadd.s32 $0xFFFFFF00  }
0x1c: {  	_ =	swait.ge [sflag:s28], $0x900  }
0x1d: {  	v0 =	vlaneseq.u32;
	s29 =	simm.s32 $0x1;
	[sflag:s28] =	ssyncset.done $0x0  }
0x1e: {  	s30 =	simm.s32 $0x5;
	v21 =	vmul.u32 $0x48, v0;
	v0 =	vmov s29;
	[sflag:s28] =	ssyncadd.s32 $0xFFFFF700  }
0x1f: {  	v1 =	vand.u32 $0x7F, v0;
	_ =	swait.ge [sflag:s30], $0x1E0  }
0x20: {  	v2 =	vadd.s32 v21, v1;
	[sflag:s30] =	ssyncset.done $0x0  }
0x21: {  	s31 =	simm.s32 $0x6;
	[sflag:s30] =	ssyncadd.s32 $0xFFFFFE20  }
0x22: {  	v0 =	vadd.s32 $0x1, v0;
	v24 =	vadd.s32 $0x480, v21;
	_ =	swait.ge [sflag:s31], $0x100  }
0x23: {  	v1 =	vadd.s32 v24, v1;
	[sflag:s31] =	ssyncset.done $0x0  }
0x24: {  	v3 =	vand.u32 $0xFE, v0;
	[sflag:s31] =	ssyncadd.s32 $0xFFFFFF00  }
0x25: {  	v4 =	vadd.s32 $0xF0, v3;
	v5 =	vld.idx.msk [tilespmem:v2+s7+$0x0], $0xffff  }
0x26: {  	v6 =	vld.idx.msk [tilespmem:v2+s8+$0x0], $0xffff  }
0x27: {  	v7 =	vld.idx.msk [tilespmem:v0+s6+$0x0], $0xffff  }
0x28: {  	v8 =	vadd.s32 $0x50, v3;
	v9 =	vld.idx.msk [tilespmem:v1+s8+$0x0], $0xffff  }
0x29: {  	v10 =	vadd.s32 $0x190, v3;
	v1 =	vld.idx.msk [tilespmem:v1+s7+$0x0], $0xffff  }
0x2a: {  	v47 =	vimm.f32 $0.0e+00;
	v12 =	vadd.s32 $0xA0, v3;
	v13 =	vld.idx.msk [tilespmem:v4+s6+$0x0], $0xffff  }
0x2b: {  	v54 =	vimm.f32 $0.0e+00;
	v48 =	vimm.f32 $0.0e+00;
	v56 =	vimm.f32 $0.0e+00;
	v4 =	vld.idx.msk [tilespmem:v4+s5+$0x0], $0xffff  }
0x2c: {  	v58 =	vimm.f32 $0.0e+00;
	v11 =	vmov s7;
	v3 =	vadd.s32 $0x140, v3;
	v0 =	vld.idx.msk [tilespmem:v0+s5+$0x0], $0xffff  }
0x2d: {  	v51 =	vimm.f32 $0.0e+00;
	v36 =	vimm.f32 $0.0e+00;
	v19 =	vand.u32 $0x7E, v11;
	v14 =	vld.idx.msk [tilespmem:v8+s5+$0x0], $0xffff  }
0x2e: {  	v38 =	vimm.f32 $0.0e+00;
	v37 =	vimm.f32 $0.0e+00;
	v20 =	vor.u32 $0x1, v19;
	v15 =	vld.idx.msk [tilespmem:v10+s5+$0x0], $0xffff  }
0x2f: {  	v42 =	vimm.f32 $0.0e+00;
	v27 =	vadd.s32 v21, v19;
	v29 =	vadd.s32 $0x50, v20;
	v17 =	vld.idx.msk [tilespmem:v12+s5+$0x0], $0xffff  }
0x30: {  	v43 =	vadd.s32 $0xA0, v20;
	v10 =	vld.idx.msk [tilespmem:v10+s6+$0x0], $0xffff;
	v16 =	vsub.f32 v6, v7;
	v7 =	vsub.f32 v9, v7  }
0x31: {  	v41 =	vadd.s32 $0xF0, v20;
	v22 =	vld.idx.msk [tilespmem:v3+s5+$0x0], $0xffff;
	v18 =	vsub.f32 v6, v13;
	v11 =	vsub.f32 v5, v4  }
0x32: {  	v25 =	vadd.s32 $0x140, v20;
	[tilespmem:$0x1FF70] =	vst v21;
	v13 =	vsub.f32 v9, v13;
	v21 =	vsub.f32 v1, v4  }
0x33: {  	v2 =	vimm.f32 $0.0e+00;
	v23 =	vld.idx.msk [tilespmem:v12+s6+$0x0], $0xffff;
	v28 =	vsub.f32 v1, v14;
	v4 =	vsub.f32 v5, v15  }
0x34: {  	v3 =	vld.idx.msk [tilespmem:v3+s6+$0x0], $0xffff;
	[tilespmem:$0x1FF50] =	vst v2;
	v2 =	vimm.f32 $0.0e+00;
	v32 =	vsub.f32 v1, v0;
	v0 =	vsub.f32 v5, v0  }
0x35: {  	v60 =	vld.idx.msk [tilespmem:v29+s5+$0x0], $0xffff;
	[tilespmem:$0x1FFC0] =	vst v2;
	v2 =	vimm.f32 $0.0e+00;
	v33 =	vsub.f32 v9, v10;
	v34 =	vsub.f32 v1, v17  }
0x36: {  	v59 =	vld.idx.msk [tilespmem:v29+s6+$0x0], $0xffff;
	v29 =	vimm.f32 $0.0e+00;
	[tilespmem:$0x1FFD0] =	vst v2;
	v17 =	vsub.f32 v5, v17;
	v12 =	vsub.f32 v5, v22  }
0x37: {  	v2 =	vimm.f32 $0.0e+00;
	v5 =	vsub.f32 v5, v14;
	[tilespmem:$0x1FF80] =	vst v4;
	v4 =	vsub.f32 v1, v15  }
0x38: {  	[tilespmem:$0x1FF90] =	vst v24;
	v57 =	vand.u32 $0x7FFFFFFF, v7;
	v7 =	vadd.s32 v24, v19;
	v24 =	vadd.s32 $0x190, v20  }
0x39: {  	v52 =	vand.u32 $0x7FFFFFFF, v0;
	v0 =	vsub.f32 v6, v23;
	v26 =	vand.u32 $0x7FFFFFFF, v21  }
0x3a: {  	v8 =	vld.idx.msk [tilespmem:v8+s6+$0x0], $0xffff;
	v31 =	vand.u32 $0x7FFFFFFF, v13;
	v13 =	vsub.f32 v6, v3;
	v53 =	vand.u32 $0x7FFFFFFF, v5  }
0x3b: {  	v3 =	vsub.f32 v9, v3;
	v1 =	vsub.f32 v1, v22;
	v44 =	vand.u32 $0x7FFFFFFF, v17  }
0x3c: {  	v62 =	vld.idx.msk [tilespmem:v20+s6+$0x0], $0xffff;
	v46 =	vand.u32 $0x7FFFFFFF, v34;
	v35 =	vand.u32 $0x7FFFFFFF, v18;
	v63 =	vand.u32 $0x7FFFFFFF, v32  }
0x3d: {  	v61 =	vld.idx.msk [tilespmem:v20+s5+$0x0], $0xffff;
	[tilespmem:$0x1FF60] =	vst v11;
	v14 =	vand.u32 $0x7FFFFFFF, v33;
	v11 =	vimm.f32 $0.0e+00;
	v17 =	vimm.f32 $0.0e+00  }
0x3e: {  	v15 =	vand.u32 $0x7FFFFFFF, v4;
	v4 =	vsub.f32 v6, v10;
	v10 =	vand.u32 $0x7FFFFFFF, v12;
	v12 =	vld.idx.msk [tilespmem:v27+s8+$0x0], $0xffff  }
0x3f: {  	v33 =	vimm.f32 $0.0e+00;
	v22 =	vimm.f32 $0.0e+00;
	[tilespmem:$0x1FFA0] =	vst v0;
	v0 =	vsub.f32 v9, v8;
	v21 =	vld.idx.msk [tilespmem:v7+s7+$0x0], $0xffff  }
0x40: {  	v55 =	vld.idx.msk [tilespmem:v43+s5+$0x0], $0xffff;
	v32 =	vimm.f32 $0.0e+00;
	v19 =	vimm.f32 $0.0e+00;
	v6 =	vsub.f32 v6, v8  }
0x41: {  	v39 =	vld.idx.msk [tilespmem:v25+s5+$0x0], $0xffff;
	v18 =	vand.u32 $0x7FFFFFFF, v3;
	v45 =	vand.u32 $0x7FFFFFFF, v0;
	v0 =	vsub.f32 v9, v23  }
0x42: {  	v20 =	vand.u32 $0x7FFFFFFF, v4;
	v49 =	vand.u32 $0x7FFFFFFF, v6;
	v23 =	vand.u32 $0x7FFFFFFF, v13;
	v8 =	vld.idx.msk [tilespmem:v7+s8+$0x0], $0xffff  }
0x43: {  	[tilespmem:$0x1FFE0] =	vst v2;
	v6 =	vand.u32 $0x7FFFFFFF, v28;
	v13 =	vimm.f32 $0.0e+00;
	v4 =	vimm.f32 $0.0e+00;
	v28 =	vld.idx.msk [tilespmem:v24+s6+$0x0], $0xffff  }
0x44: {  	v50 =	vld.idx.msk [tilespmem:v41+s6+$0x0], $0xffff;
	[tilespmem:$0x1FFB0] =	vst v1;
	v40 =	vand.u32 $0x7FFFFFFF, v0;
	v3 =	vsub.f32 v12, v62;
	v1 =	vsub.f32 v21, v61  }
0x45: {  	s9 =	simm.s32 $0x2;
	v27 =	vld.idx.msk [tilespmem:v27+s7+$0x0], $0xffff;
	[tilespmem:$0x1FFF0] =	vst v4;
	v0 =	vand.u32 $0x7FFFFFFF, v16;
	v16 =	vimm.f32 $0.0e+00;
	v34 =	vsub.f32 v21, v60  }
.LBB2_1:
0x46: {  	v41 =	vld.idx.msk [tilespmem:v41+s5+$0x0], $0xffff;
	v3 =	vand.u32 $0x7FFFFFFF, v3;
	v1 =	vand.u32 $0x7FFFFFFF, v1  }
0x47: {  	v2 =	vld [tilespmem:$0x1FF50];
	v3 =	vadd.f32 v3, v47;
	v1 =	vadd.f32 v1, v54  }
0x48: {  	v24 =	vld.idx.msk [tilespmem:v24+s5+$0x0], $0xffff;
	v62 =	vsub.f32 v8, v62;
	v4 =	vsub.f32 v8, v28  }
0x49: {  	v25 =	vld.idx.msk [tilespmem:v25+s6+$0x0], $0xffff;
	v28 =	vsub.f32 v12, v28;
	v47 =	vadd.f32 v0, v3  }
0x4a: {  	v3 =	vsub.f32 v27, v61;
	v60 =	vsub.f32 v27, v60  }
0x4b: {  	v34 =	vand.u32 $0x7FFFFFFF, v34;
	v5 =	vsub.f32 v12, v50;
	v50 =	vsub.f32 v8, v50  }
0x4c: {  	v2 =	vadd.f32 v34, v2;
	v34 =	vsub.f32 v21, v55  }
0x4d: {  	s10 =	smov.u32 s9;
	v54 =	vsub.f32 v27, v41;
	v61 =	vsub.f32 v21, v24  }
0x4e: {  	s11 =	sadd.s32 $0x1, s10;
	v9 =	vsub.f32 v8, v25;
	v24 =	vsub.f32 v27, v24  }
0x4f: {  	v0 =	vmov s11;
	v41 =	vsub.f32 v21, v41;
	v21 =	vsub.f32 v21, v39  }
0x50: {  	v43 =	vld.idx.msk [tilespmem:v43+s6+$0x0], $0xffff;
	v62 =	vand.u32 $0x7FFFFFFF, v62;
	v4 =	vand.u32 $0x7FFFFFFF, v4;
	v28 =	vand.u32 $0x7FFFFFFF, v28  }
0x51: {  	v60 =	vand.u32 $0x7FFFFFFF, v60;
	v2 =	vadd.f32 v6, v2;
	v6 =	vsub.f32 v12, v59  }
0x52: {  	v3 =	vand.u32 $0x7FFFFFFF, v3;
	v48 =	vadd.f32 v62, v48;
	v56 =	vadd.f32 v60, v56  }
0x53: {  	v50 =	vand.u32 $0x7FFFFFFF, v50;
	v28 =	vadd.f32 v28, v13;
	v4 =	vadd.f32 v4, v11  }
0x54: {  	v7 =	vand.u32 $0x7FFFFFFF, v54;
	v54 =	vadd.f32 v63, v1;
	v1 =	vsub.f32 v27, v39  }
0x55: {  	v5 =	vand.u32 $0x7FFFFFFF, v5;
	v17 =	vadd.f32 v50, v17;
	v60 =	vsub.f32 v12, v43  }
0x56: {  	v50 =	vadd.s32 $0x1, v0;
	v12 =	vsub.f32 v12, v25;
	v5 =	vadd.f32 v5, v33  }
0x57: {  	v25 =	vand.u32 $0x7FFFFFFF, v61;
	v3 =	vadd.f32 v3, v58;
	v13 =	vsub.f32 v27, v55  }
0x58: {  	v62 =	vld [tilespmem:$0x1FF70];
	v27 =	vand.u32 $0xFE, v50;
	v25 =	vadd.f32 v25, v16;
	v6 =	vand.u32 $0x7FFFFFFF, v6  }
0x59: {  	v11 =	vld [tilespmem:$0x1FFD0];
	[tilespmem:$0x1FF50] =	vst v2;
	v2 =	vadd.f32 v31, v17;
	v17 =	vadd.f32 v14, v4;
	v4 =	vand.u32 $0x7FFFFFFF, v21  }
0x5a: {  	v63 =	vld [tilespmem:$0x1FF90];
	v12 =	vand.u32 $0x7FFFFFFF, v12;
	v33 =	vadd.f32 v35, v5;
	v21 =	vsub.f32 v8, v43  }
0x5b: {  	v20 =	vadd.f32 v20, v28;
	v28 =	vadd.s32 $0xF0, v27;
	v58 =	vadd.f32 v52, v3;
	v3 =	vld [tilespmem:$0x1FF60]  }
0x5c: {  	v1 =	vand.u32 $0x7FFFFFFF, v1;
	v8 =	vsub.f32 v8, v59;
	v5 =	vadd.f32 v6, v51;
	[tilespmem:$0x1FF40] =	vst v2;
	v2 =	vld [tilespmem:$0x1FFC0]  }
0x5d: {  	v43 =	vand.u32 $0x7FFFFFFF, v41;
	v1 =	vadd.f32 v1, v29;
	v30 =	vadd.f32 v15, v25;
	v25 =	vld.idx.msk [tilespmem:v50+s6+$0x0], $0xffff  }
0x5e: {  	v0 =	vand.u32 $0x7F, v0;
	v12 =	vadd.f32 v12, v22;
	v16 =	vadd.f32 v43, v11;
	v11 =	vld [tilespmem:$0x1FFE0]  }
0x5f: {  	v8 =	vand.u32 $0x7FFFFFFF, v8;
	v6 =	vadd.s32 v62, v0;
	v29 =	vadd.f32 v10, v1;
	v1 =	vld [tilespmem:$0x1FFA0]  }
0x60: {  	v34 =	vand.u32 $0x7FFFFFFF, v34;
	v8 =	vadd.f32 v8, v42;
	v10 =	vld [tilespmem:$0x1FFF0]  }
0x61: {  	v7 =	vadd.f32 v7, v32;
	v0 =	vadd.s32 v63, v0;
	v22 =	vadd.f32 v23, v12;
	v12 =	vld.idx.msk [tilespmem:v28+s5+$0x0], $0xffff  }
0x62: {  	v14 =	vadd.f32 v34, v36;
	v42 =	vadd.f32 v45, v8;
	v8 =	vld.idx.msk [tilespmem:v50+s5+$0x0], $0xffff;
	v3 =	vand.u32 $0x7FFFFFFF, v3  }
0x63: {  	v9 =	vand.u32 $0x7FFFFFFF, v9;
	v15 =	vadd.s32 $0x140, v27;
	v32 =	vadd.f32 v3, v7;
	v3 =	vld [tilespmem:$0x1FF80]  }
0x64: {  	v9 =	vadd.f32 v9, v19;
	v21 =	vand.u32 $0x7FFFFFFF, v21;
	v36 =	vadd.f32 v46, v14;
	v14 =	vld.idx.msk [tilespmem:v6+s7+$0x0], $0xffff  }
0x65: {  	v24 =	vand.u32 $0x7FFFFFFF, v24;
	v13 =	vand.u32 $0x7FFFFFFF, v13;
	v21 =	vadd.f32 v21, v2;
	v6 =	vld.idx.msk [tilespmem:v6+s8+$0x0], $0xffff  }
0x66: {  	v13 =	vadd.f32 v13, v37;
	v2 =	vadd.f32 v18, v9;
	v9 =	vadd.s32 $0x190, v27;
	v35 =	vld.idx.msk [tilespmem:v0+s8+$0x0], $0xffff  }
0x67: {  	v61 =	vand.u32 $0x7FFFFFFF, v60;
	v4 =	vadd.f32 v4, v11;
	v11 =	vadd.f32 v40, v21;
	v21 =	vld.idx.msk [tilespmem:v28+s6+$0x0], $0xffff  }
0x68: {  	v48 =	vadd.f32 v57, v48;
	v31 =	vadd.f32 v61, v38;
	v46 =	vadd.s32 $0x50, v27;
	v39 =	vld.idx.msk [tilespmem:v15+s6+$0x0], $0xffff  }
0x69: {  	v37 =	vadd.f32 v44, v13;
	v7 =	vmov s10;
	v18 =	vadd.s32 $0xA0, v27;
	v27 =	vld.idx.msk [tilespmem:v15+s5+$0x0], $0xffff  }
0x6a: {  	v51 =	vadd.f32 v49, v5;
	v7 =	vand.u32 $0x7E, v7;
	v0 =	vld.idx.msk [tilespmem:v0+s7+$0x0], $0xffff;
	[tilespmem:$0x1FFC0] =	vst v11;
	v11 =	vadd.f32 v26, v16  }
0x6b: {  	v1 =	vand.u32 $0x7FFFFFFF, v1;
	v10 =	vadd.f32 v24, v10;
	v5 =	vld.idx.msk [tilespmem:v9+s5+$0x0], $0xffff;
	v13 =	vsub.f32 v14, v12  }
0x6c: {  	[tilespmem:$0x1FFD0] =	vst v11;
	v11 =	vld [tilespmem:$0x1FFB0];
	v23 =	vsub.f32 v6, v21;
	v28 =	vsub.f32 v35, v21;
	v21 =	vor.u32 $0x1, v7  }
0x6d: {  	v56 =	vadd.f32 v53, v56;
	v34 =	vld.idx.msk [tilespmem:v46+s6+$0x0], $0xffff;
	v38 =	vadd.f32 v1, v31;
	v3 =	vand.u32 $0x7FFFFFFF, v3  }
0x6e: {  	v3 =	vadd.f32 v3, v10;
	[tilespmem:$0x1FF60] =	vst v13;
	v13 =	vadd.s32 v62, v7;
	v7 =	vadd.s32 v63, v7  }
0x6f: {  	v1 =	vld.idx.msk [tilespmem:v46+s5+$0x0], $0xffff;
	v26 =	vsub.f32 v0, v12;
	v49 =	vsub.f32 v0, v8  }
0x70: {  	v9 =	vld.idx.msk [tilespmem:v9+s6+$0x0], $0xffff;
	v8 =	vsub.f32 v14, v8;
	v59 =	vadd.s32 $0x50, v21;
	v43 =	vadd.s32 $0xA0, v21  }
0x71: {  	v41 =	vadd.s32 $0xF0, v21;
	v12 =	vsub.f32 v14, v5;
	v19 =	vand.u32 $0x7FFFFFFF, v11;
	v62 =	vld.idx.msk [tilespmem:v21+s6+$0x0], $0xffff  }
0x72: {  	v24 =	vadd.s32 $0x190, v21;
	v5 =	vsub.f32 v0, v5;
	v4 =	vadd.f32 v19, v4;
	v61 =	vld.idx.msk [tilespmem:v21+s5+$0x0], $0xffff  }
0x73: {  	[tilespmem:$0x1FFF0] =	vst v3;
	v11 =	vsub.f32 v6, v25;
	v19 =	vsub.f32 v35, v25;
	v25 =	vadd.s32 $0x140, v21;
	v21 =	vld.idx.msk [tilespmem:v7+s7+$0x0], $0xffff  }
0x74: {  	v16 =	vsub.f32 v0, v1;
	v3 =	vsub.f32 v35, v34;
	[tilespmem:$0x1FFE0] =	vst v4;
	v4 =	vld.idx.msk [tilespmem:v18+s5+$0x0], $0xffff  }
0x75: {  	v1 =	vsub.f32 v14, v1;
	v15 =	vand.u32 $0x7FFFFFFF, v5;
	v5 =	vsub.f32 v6, v9;
	v18 =	vld.idx.msk [tilespmem:v18+s6+$0x0], $0xffff  }
0x76: {  	v57 =	vand.u32 $0x7FFFFFFF, v19;
	v19 =	vsub.f32 v35, v9;
	v9 =	vsub.f32 v14, v27  }
0x77: {  	v52 =	vand.u32 $0x7FFFFFFF, v8;
	v26 =	vand.u32 $0x7FFFFFFF, v26;
	v53 =	vand.u32 $0x7FFFFFFF, v1;
	v60 =	vld.idx.msk [tilespmem:v59+s5+$0x0], $0xffff  }
0x78: {  	[tilespmem:$0x1FF80] =	vst v12;
	v12 =	vld.idx.msk [tilespmem:v13+s8+$0x0], $0xffff;
	v10 =	vand.u32 $0x7FFFFFFF, v9;
	v9 =	vsub.f32 v6, v39;
	v1 =	vsub.f32 v21, v61  }
0x79: {  	v31 =	vand.u32 $0x7FFFFFFF, v28;
	v28 =	vld.idx.msk [tilespmem:v24+s6+$0x0], $0xffff;
	v50 =	vsub.f32 v0, v4;
	v4 =	vsub.f32 v14, v4  }
0x7a: {  	v63 =	vand.u32 $0x7FFFFFFF, v49;
	v55 =	vld.idx.msk [tilespmem:v43+s5+$0x0], $0xffff;
	v8 =	vsub.f32 v6, v18;
	v0 =	vsub.f32 v0, v27  }
0x7b: {  	p0 =	slt.u32 s9, $0x46;
	v45 =	vand.u32 $0x7FFFFFFF, v3;
	v59 =	vld.idx.msk [tilespmem:v59+s6+$0x0], $0xffff;
	v6 =	vsub.f32 v6, v34;
	v3 =	vsub.f32 v35, v18  }
.Ltmp0:
0x7c: {  	v14 =	vand.u32 $0x7FFFFFFF, v19;
	v34 =	vsub.f32 v21, v60;
	v27 =	vld.idx.msk [tilespmem:v13+s7+$0x0], $0xffff;
	[tilespmem:$0x1FFB0] =	vst v0;
	v0 =	vsub.f32 v35, v39;
	(pc) =	sbr.rel @p0 .LBB2_1-.Ltmp0, $4  }
0x7d: {  	[tilespmem:$0x1FFA0] =	vst v8;
	v8 =	vld.idx.msk [tilespmem:v7+s8+$0x0], $0xffff;
	v44 =	vand.u32 $0x7FFFFFFF, v4;
	v46 =	vand.u32 $0x7FFFFFFF, v50;
	v40 =	vand.u32 $0x7FFFFFFF, v3  }
0x7e: {  	v39 =	vld.idx.msk [tilespmem:v25+s5+$0x0], $0xffff;
	v35 =	vand.u32 $0x7FFFFFFF, v23;
	v49 =	vand.u32 $0x7FFFFFFF, v6;
	v23 =	vand.u32 $0x7FFFFFFF, v9  }
0x7f: {  	v19 =	vmovc v2;
	v13 =	vmovc v20;
	v50 =	vld.idx.msk [tilespmem:v41+s6+$0x0], $0xffff;
	v3 =	vsub.f32 v12, v62;
	v18 =	vand.u32 $0x7FFFFFFF, v0;
	v0 =	vand.u32 $0x7FFFFFFF, v5  }
0x80: {  	s9 =	sadd.s32 $0x2, s9;
	v6 =	vand.u32 $0x7FFFFFFF, v16;
	v16 =	vmovc v30;
	v20 =	vmovc v0;
	v0 =	vand.u32 $0x7FFFFFFF, v11;
	v11 =	vmov v17;
	v17 =	vld [tilespmem:$0x1FF40]  }
0x81: {  	v4 =	vsub.f32 v27, v61;
	_ =	sdelay $0x1  }
0x82: {  	v4 =	vand.u32 $0x7FFFFFFF, v4  }
0x83: {  	v1 =	vand.u32 $0x7FFFFFFF, v1;
	v4 =	vadd.f32 v4, v58  }
0x84: {  	v1 =	vadd.f32 v1, v54  }
0x85: {  	v4 =	vadd.f32 v52, v4  }
0x86: {  	v1 =	vadd.f32 v63, v1  }
0x87: {  	(xrf0) =	vmin.scan.msk.f32 $0xffff, v4  }
0x88: {  	(xrf0) =	vmin.scan.msk.f32 $0xffff, v1;
	_ =	sdelay $0x4  }
0x89: {  	v5, _, _ =	vpop (xrf0)  }
0x8a: {  	(v2sf) =	vpush v5, $0xF;
	v61, _, _ =	vpop (xrf0)  }
0x8b: {  	(v2sf) =	vpush v61, $0xF  }
0x8c: {  	v62 =	vsub.f32 v8, v62  }
0x8d: {  	v3 =	vand.u32 $0x7FFFFFFF, v3  }
0x8e: {  	v3 =	vadd.f32 v3, v47;
	v5 =	vand.u32 $0x7FFFFFFF, v62  }
0x8f: {  	v5 =	vadd.f32 v5, v48  }
0x90: {  	v0 =	vadd.f32 v0, v3  }
0x91: {  	v63 =	vadd.f32 v57, v5  }
0x92: {  	(xrf0) =	vmin.scan.msk.f32 $0xffff, v0  }
0x93: {  	(xrf0) =	vmin.scan.msk.f32 $0xffff, v63;
	_ =	sdelay $0x3  }
0x94: {  	s16 =	simm.s32 $0x1200  }
0x95: {  	v30 =	vld.msk [tilespmem:s16+$0x0], $0xffff;
	v2, _, _ =	vpop (xrf0)  }
0x96: {  	(v2sf) =	vpush v2, $0xF;
	v9, _, _ =	vpop (xrf0);
	s7 =	spop (v2sf)  }
0x97: {  	v7 =	vsub.f32 v27, v60;
	(v2sf) =	vpush v9, $0xF;
	s8 =	spop (v2sf)  }
0x98: {  	v54 =	vimm.s32 $0x0;
	v2 =	vld [tilespmem:$0x1FF50];
	s7 =	smin.f32 s7, s8  }
0x99: {  	v47 =	vand.u32 $0x7FFFFFFF, v7;
	vm0 =	veq.f32 v4, s7;
	vm1 =	veq.f32 v1, s7  }
0x9a: {  	vm13 =	vlt.f32 v30, $0.0e+00;
	v48 =	vmctz.xlane vm0;
	v52 =	vmctz.xlane vm1  }
0x9b: {  	vm14 =	vgt.f32 v30, $0.0e+00;
	v9 =	vand.u32 $0x7FFFFFFF, v34;
	v34 =	vlaneseq.u32  }
0x9c: {  	v4 =	vadd.f32 v47, v56;
	vm0 =	vlt.s32 v48, $0x10;
	v7 =	vadd.s32 $0x10, v52  }
0x9d: {  	v9 =	vadd.f32 v9, v2;
	v2 =	vor.u32 $0x10, v34;
	v5 =	vsel vm0, v48, v7  }
0x9e: {  	vm1 =	vmor vm14, vm13;
	v4 =	vadd.f32 v53, v4;
	vm15 =	veq.s32 v5, v34  }
0x9f: {  	v56 =	vadd.f32 v6, v9;
	vm4 =	veq.s32 v5, v2;
	vm3 =	vmand vm1, vm15  }
0xa0: {  	v1 =	vsel vm1, $0xFFFFFFFF, v54;
	vm6 =	vmand vm1, vm4;
	v4 =	vsel vm3, $0x7F800000, v4  }
0xa1: {  	s12 =	simm.s32 $0x13E0;
	[tilespmem:$0x1FF10] =	vst v1;
	v1 =	vsel vm6, $0x7F800000, v56;
	(xrf0) =	vmin.scan.msk.f32 $0xffff, v4  }
0xa2: {  	v60 =	vld.msk [tilespmem:s12+$0x0], $0xffff;
	(xrf0) =	vmin.scan.msk.f32 $0xffff, v1;
	_ =	sdelay $0x2  }
0xa3: {  	s23 =	spop (v2sf)  }
0xa4: {  	s9 =	spop (v2sf)  }
0xa5: {  	v58 =	vsub.f32 v12, v59;
	vm8 =	vlt.f32 v60, $0.0e+00;
	v62 =	vsub.f32 v8, v59;
	s8 =	smin.f32 s23, s9;
	v57, _, _ =	vpop (xrf0)  }
0xa6: {  	vm5 =	veq.f32 v0, s8;
	vm7 =	veq.f32 v63, s8;
	(v2sf) =	vpush v57, $0xF;
	v61, _, _ =	vpop (xrf0)  }
0xa7: {  	v9 =	vmctz.xlane vm5;
	v30 =	vmctz.xlane vm7;
	(v2sf) =	vpush v61, $0xF  }
0xa8: {  	vm9 =	vgt.f32 v60, $0.0e+00;
	v7 =	vand.u32 $0x7FFFFFFF, v62;
	v63 =	vand.u32 $0x7FFFFFFF, v58  }
0xa9: {  	v3 =	vadd.f32 v63, v51;
	vm0 =	vlt.s32 v9, $0x10;
	v6 =	vadd.s32 $0x10, v30  }
0xaa: {  	v47 =	vimm.s32 $0x0;
	v7 =	vadd.f32 v7, v42;
	v5 =	vsel vm0, v9, v6  }
0xab: {  	vm1 =	vmor vm9, vm8;
	v42 =	vadd.f32 v49, v3;
	vm10 =	veq.s32 v5, v34  }
0xac: {  	v48 =	vadd.f32 v45, v7;
	vm11 =	veq.s32 v5, v2;
	vm4 =	vmand vm1, vm10  }
0xad: {  	v3 =	vsel vm1, $0xFFFFFFFF, v47;
	vm7 =	vmand vm1, vm11;
	v0 =	vsel vm4, $0x7F800000, v42  }
0xae: {  	[tilespmem:$0x1FF30] =	vst v3;
	v3 =	vsel vm7, $0x7F800000, v48;
	(xrf0) =	vmin.scan.msk.f32 $0xffff, v0  }
0xaf: {  	(xrf0) =	vmin.scan.msk.f32 $0xffff, v3  }
0xb0: {  	v49 =	vimm.s32 $0x50;
	_ =	sdelay $0x3  }
0xb1: {  	v51, _, _ =	vpop (xrf0)  }
0xb2: {  	v53 =	vld.idx.msk [tilespmem:v49+s16+$0x0], $0xffff;
	v52, _, _ =	vpop (xrf0);
	s24 =	spop (v2sf);
	(v2sf) =	vpush v51, $0xF  }
0xb3: {  	s10 =	spop (v2sf);
	(v2sf) =	vpush v52, $0xF  }
0xb4: {  	s9 =	smin.f32 s24, s10  }
0xb5: {  	v58 =	vsub.f32 v21, v55;
	vm12 =	veq.f32 v4, s9;
	vm13 =	veq.f32 v1, s9  }
0xb6: {  	v54 =	vsub.f32 v27, v55;
	v56 =	vmctz.xlane vm12;
	v57 =	vmctz.xlane vm13  }
0xb7: {  	v59 =	vand.u32 $0x7FFFFFFF, v58;
	vm14 =	vlt.f32 v53, $0.0e+00  }
0xb8: {  	v4 =	vand.u32 $0x7FFFFFFF, v54;
	vm0 =	vlt.s32 v56, $0x10;
	v7 =	vadd.s32 $0x10, v57  }
0xb9: {  	vm15 =	vgt.f32 v53, $0.0e+00;
	v4 =	vadd.f32 v4, v37;
	v6 =	vsel vm0, v56, v7  }
0xba: {  	vm2 =	vmor vm15, vm14;
	v1 =	vadd.f32 v59, v36;
	vm5 =	veq.s32 v6, v34  }
0xbb: {  	v4 =	vadd.f32 v44, v4;
	vm8 =	veq.s32 v6, v2;
	vm0 =	vmand vm2, vm5  }
0xbc: {  	v1 =	vadd.f32 v46, v1;
	vm9 =	vmand vm2, vm8;
	vm5 =	vmor vm3, vm0  }
0xbd: {  	v61 =	vld.idx.msk [tilespmem:v43+s6+$0x0], $0xffff;
	vm6 =	vmor vm6, vm9;
	v4 =	vsel vm5, $0x7F800000, v4  }
0xbe: {  	v5 =	vld.idx.msk [tilespmem:v49+s12+$0x0], $0xffff;
	v1 =	vsel vm6, $0x7F800000, v1;
	(xrf0) =	vmin.scan.msk.f32 $0xffff, v4  }
0xbf: {  	v45 =	vld [tilespmem:$0x1FFA0];
	(xrf0) =	vmin.scan.msk.f32 $0xffff, v1;
	_ =	sdelay $0x1  }
0xc0: {  	s25 =	spop (v2sf)  }
0xc1: {  	v60 =	vimm.s32 $0x0;
	s11 =	spop (v2sf)  }
0xc2: {  	v62 =	vsub.f32 v12, v61;
	vm12 =	vlt.f32 v5, $0.0e+00;
	vm13 =	vgt.f32 v5, $0.0e+00;
	s10 =	smin.f32 s25, s11  }
0xc3: {  	v43 =	vld [tilespmem:$0x1FFC0];
	v5 =	vand.u32 $0x7FFFFFFF, v45;
	vm10 =	veq.f32 v0, s10;
	vm11 =	veq.f32 v3, s10;
	v63, _, _ =	vpop (xrf0)  }
0xc4: {  	v30 =	vmctz.xlane vm10;
	v36 =	vmctz.xlane vm11;
	(v2sf) =	vpush v63, $0xF;
	v37, _, _ =	vpop (xrf0)  }
0xc5: {  	v7 =	vsel vm2, $0xFFFFFFFF, v60;
	v6 =	vsub.f32 v8, v61;
	(v2sf) =	vpush v37, $0xF  }
0xc6: {  	[tilespmem:$0x1FF20] =	vst v7;
	v7 =	vand.u32 $0x7FFFFFFF, v62;
	vm0 =	vlt.s32 v30, $0x10;
	v44 =	vadd.s32 $0x10, v36  }
0xc7: {  	v7 =	vadd.f32 v7, v38;
	v42 =	vand.u32 $0x7FFFFFFF, v6;
	v3 =	vsel vm0, v30, v44  }
0xc8: {  	vm3 =	vmor vm13, vm12;
	v0 =	vadd.f32 v42, v43;
	vm14 =	veq.s32 v3, v34  }
0xc9: {  	v5 =	vadd.f32 v5, v7;
	vm15 =	veq.s32 v3, v2;
	vm0 =	vmand vm3, vm14  }
0xca: {  	v0 =	vadd.f32 v40, v0;
	vm9 =	vmand vm3, vm15;
	vm8 =	vmor vm4, vm0  }
0xcb: {  	vm7 =	vmor vm7, vm9;
	v46 =	vsel vm8, $0x7F800000, v5  }
0xcc: {  	v0 =	vsel vm7, $0x7F800000, v0;
	(xrf0) =	vmin.scan.msk.f32 $0xffff, v46  }
0xcd: {  	(xrf0) =	vmin.scan.msk.f32 $0xffff, v0  }
0xce: {  	v48 =	vimm.s32 $0xA0;
	_ =	sdelay $0x1  }
0xcf: {  	v47 =	vld.idx.msk [tilespmem:v41+s5+$0x0], $0xffff;
	_ =	sdelay $0x1  }
0xd0: {  	v49, _, _ =	vpop (xrf0)  }
0xd1: {  	v53 =	vld.idx.msk [tilespmem:v48+s16+$0x0], $0xffff;
	s26 =	spop (v2sf);
	(v2sf) =	vpush v49, $0xF;
	v51, _, _ =	vpop (xrf0)  }
0xd2: {  	s13 =	spop (v2sf);
	(v2sf) =	vpush v51, $0xF  }
0xd3: {  	v52 =	vsub.f32 v27, v47;
	v57 =	vld [tilespmem:$0x1FF60];
	s11 =	smin.f32 s26, s13  }
0xd4: {  	v56 =	vld [tilespmem:$0x1FFD0];
	vm10 =	veq.f32 v4, s11;
	vm11 =	veq.f32 v1, s11  }
0xd5: {  	v54 =	vand.u32 $0x7FFFFFFF, v52;
	v4 =	vmctz.xlane vm10;
	v55 =	vmctz.xlane vm11  }
0xd6: {  	vm12 =	vlt.f32 v53, $0.0e+00;
	vm13 =	vgt.f32 v53, $0.0e+00;
	v5 =	vsub.f32 v21, v47  }
0xd7: {  	vm4 =	vmor vm13, vm12;
	vm0 =	vlt.s32 v4, $0x10;
	v7 =	vadd.s32 $0x10, v55  }
0xd8: {  	v5 =	vand.u32 $0x7FFFFFFF, v5;
	v1 =	vadd.f32 v54, v32;
	v4 =	vsel vm0, v4, v7  }
0xd9: {  	v5 =	vadd.f32 v5, v56;
	v7 =	vand.u32 $0x7FFFFFFF, v57;
	vm14 =	veq.s32 v4, v34  }
0xda: {  	v1 =	vadd.f32 v7, v1;
	vm15 =	veq.s32 v4, v2;
	vm0 =	vmand vm4, vm14  }
0xdb: {  	v58 =	vadd.f32 v26, v5;
	vm9 =	vmor vm5, vm0;
	vm5 =	vmand vm4, vm15  }
0xdc: {  	vm10 =	vmor vm6, vm5;
	v1 =	vsel vm9, $0x7F800000, v1  }
0xdd: {  	v4 =	vsel vm10, $0x7F800000, v58;
	(xrf0) =	vmin.scan.msk.f32 $0xffff, v1  }
0xde: {  	v60 =	vld.idx.msk [tilespmem:v48+s12+$0x0], $0xffff;
	(xrf0) =	vmin.scan.msk.f32 $0xffff, v4;
	_ =	sdelay $0x1  }
0xdf: {  	s28 =	spop (v2sf)  }
0xe0: {  	s14 =	spop (v2sf)  }
0xe1: {  	v59 =	vsub.f32 v12, v50;
	s13 =	smin.f32 s28, s14  }
0xe2: {  	vm12 =	vlt.f32 v60, $0.0e+00;
	vm6 =	veq.f32 v46, s13;
	vm11 =	veq.f32 v0, s13;
	v61, _, _ =	vpop (xrf0)  }
0xe3: {  	v62 =	vmctz.xlane vm6;
	v63 =	vmctz.xlane vm11;
	(v2sf) =	vpush v61, $0xF;
	v9, _, _ =	vpop (xrf0)  }
0xe4: {  	vm13 =	vgt.f32 v60, $0.0e+00;
	v26 =	vsub.f32 v8, v50;
	(v2sf) =	vpush v9, $0xF  }
0xe5: {  	v5 =	vand.u32 $0x7FFFFFFF, v59;
	vm0 =	vlt.s32 v62, $0x10;
	v7 =	vadd.s32 $0x10, v63  }
0xe6: {  	v5 =	vadd.f32 v5, v33;
	v30 =	vand.u32 $0x7FFFFFFF, v26;
	v6 =	vsel vm0, v62, v7  }
0xe7: {  	vm5 =	vmor vm13, vm12;
	v0 =	vadd.f32 v30, v17;
	vm14 =	veq.s32 v6, v34  }
0xe8: {  	v32 =	vadd.f32 v35, v5;
	vm15 =	veq.s32 v6, v2;
	vm0 =	vmand vm5, vm14  }
0xe9: {  	v0 =	vadd.f32 v31, v0;
	vm12 =	vmand vm5, vm15;
	vm8 =	vmor vm8, vm0  }
0xea: {  	vm11 =	vmor vm7, vm12;
	v3 =	vsel vm8, $0x7F800000, v32  }
0xeb: {  	v0 =	vsel vm11, $0x7F800000, v0;
	(xrf0) =	vmin.scan.msk.f32 $0xffff, v3  }
0xec: {  	(xrf0) =	vmin.scan.msk.f32 $0xffff, v0;
	_ =	sdelay $0x2  }
0xed: {  	v33 =	vimm.s32 $0xF0;
	_ =	sdelay $0x1  }
0xee: {  	v35, _, _ =	vpop (xrf0)  }
0xef: {  	s29 =	spop (v2sf);
	(v2sf) =	vpush v35, $0xF;
	v36, _, _ =	vpop (xrf0)  }
0xf0: {  	s15 =	spop (v2sf);
	(v2sf) =	vpush v36, $0xF  }
0xf1: {  	v38 =	vld.idx.msk [tilespmem:v33+s16+$0x0], $0xffff  }
0xf2: {  	s14 =	smin.f32 s29, s15  }
0xf3: {  	v37 =	vsub.f32 v27, v39;
	vm13 =	veq.f32 v1, s14;
	vm14 =	veq.f32 v4, s14  }
0xf4: {  	v41 =	vmctz.xlane vm13;
	v42 =	vmctz.xlane vm14  }
0xf5: {  	v40 =	vand.u32 $0x7FFFFFFF, v37  }
0xf6: {  	v43 =	vld [tilespmem:$0x1FFE0];
	vm6 =	vgt.f32 v38, $0.0e+00;
	vm0 =	vlt.s32 v41, $0x10;
	v6 =	vadd.s32 $0x10, v42  }
0xf7: {  	v44 =	vld [tilespmem:$0x1FFB0];
	vm15 =	vlt.f32 v38, $0.0e+00;
	v1 =	vadd.f32 v40, v29;
	v4 =	vsel vm0, v41, v6  }
0xf8: {  	v39 =	vsub.f32 v21, v39;
	v46 =	vld.idx.msk [tilespmem:v25+s6+$0x0], $0xffff;
	vm6 =	vmor vm6, vm15;
	vm7 =	veq.s32 v4, v34  }
0xf9: {  	v1 =	vadd.f32 v10, v1;
	vm0 =	vmand vm6, vm7  }
0xfa: {  	v9 =	vand.u32 $0x7FFFFFFF, v39;
	vm9 =	vmor vm9, vm0  }
0xfb: {  	v9 =	vadd.f32 v9, v43;
	v1 =	vsel vm9, $0x7F800000, v1  }
0xfc: {  	v6 =	vand.u32 $0x7FFFFFFF, v44;
	vm12 =	veq.s32 v4, v2;
	(xrf0) =	vmin.scan.msk.f32 $0xffff, v1  }
0xfd: {  	v47 =	vsub.f32 v12, v46;
	v45 =	vadd.f32 v6, v9;
	vm13 =	vmand vm6, vm12  }
0xfe: {  	vm10 =	vmor vm10, vm13;
	s30 =	spop (v2sf)  }
0xff: {  	v5 =	vld.idx.msk [tilespmem:v33+s12+$0x0], $0xffff;
	v7 =	vand.u32 $0x7FFFFFFF, v47;
	v4 =	vsel vm10, $0x7F800000, v45;
	s31 =	spop (v2sf)  }
0x100: {  	v7 =	vadd.f32 v7, v22;
	(xrf0) =	vmin.scan.msk.f32 $0xffff, v4;
	s6 =	smin.f32 s30, s31  }
0x101: {  	vm14 =	veq.f32 v3, s6;
	vm15 =	veq.f32 v0, s6  }
0x102: {  	v53 =	vadd.f32 v23, v7;
	v48, _, _ =	vpop (xrf0);
	v3 =	vmctz.xlane vm14;
	v49 =	vmctz.xlane vm15  }
0x103: {  	v6 =	vsub.f32 v8, v46;
	(v2sf) =	vpush v48, $0xF  }
0x104: {  	vm7 =	vlt.f32 v5, $0.0e+00;
	vm0 =	vlt.s32 v3, $0x10;
	v52 =	vadd.s32 $0x10, v49  }
0x105: {  	vm12 =	vgt.f32 v5, $0.0e+00;
	v51 =	vand.u32 $0x7FFFFFFF, v6;
	v3 =	vsel vm0, v3, v52  }
0x106: {  	vm7 =	vmor vm12, vm7;
	v0 =	vadd.f32 v51, v19;
	v50, _, _ =	vpop (xrf0);
	vm13 =	veq.s32 v3, v34  }
0x107: {  	(v2sf) =	vpush v50, $0xF;
	vm1 =	veq.s32 v3, v2;
	vm0 =	vmand vm7, vm13  }
0x108: {  	v0 =	vadd.f32 v18, v0;
	vm14 =	vmand vm7, vm1;
	vm12 =	vmor vm8, vm0  }
0x109: {  	vm11 =	vmor vm11, vm14;
	v54 =	vsel vm12, $0x7F800000, v53  }
0x10a: {  	v0 =	vsel vm11, $0x7F800000, v0;
	(xrf0) =	vmin.scan.msk.f32 $0xffff, v54  }
0x10b: {  	(xrf0) =	vmin.scan.msk.f32 $0xffff, v0;
	_ =	sdelay $0x4  }
0x10c: {  	v57, _, _ =	vpop (xrf0)  }
0x10d: {  	(v2sf) =	vpush v57, $0xF;
	v58, _, _ =	vpop (xrf0)  }
0x10e: {  	s17 =	spop (v2sf);
	(v2sf) =	vpush v58, $0xF  }
0x10f: {  	v56 =	vimm.s32 $0x140  }
0x110: {  	v55 =	vld.idx.msk [tilespmem:v24+s5+$0x0], $0xffff;
	_ =	sdelay $0x2  }
0x111: {  	v17 =	vld [tilespmem:$0x1FFF0];
	s18 =	spop (v2sf)  }
0x112: {  	v60 =	vld.idx.msk [tilespmem:v56+s16+$0x0], $0xffff;
	s5 =	smin.f32 s17, s18  }
0x113: {  	v5 =	vsub.f32 v27, v55;
	v18 =	vld [tilespmem:$0x1FF80];
	vm15 =	veq.f32 v1, s5;
	vm8 =	veq.f32 v4, s5  }
0x114: {  	v62 =	vmctz.xlane vm15;
	v63 =	vmctz.xlane vm8  }
0x115: {  	v59 =	vsub.f32 v21, v55;
	v5 =	vand.u32 $0x7FFFFFFF, v5  }
0x116: {  	v5 =	vadd.f32 v5, v17;
	vm0 =	vlt.s32 v62, $0x10;
	v7 =	vadd.s32 $0x10, v63  }
0x117: {  	vm13 =	vlt.f32 v60, $0.0e+00;
	vm14 =	vgt.f32 v60, $0.0e+00;
	v4 =	vsel vm0, v62, v7  }
0x118: {  	vm8 =	vmor vm14, vm13;
	v7 =	vand.u32 $0x7FFFFFFF, v18;
	vm15 =	veq.s32 v4, v34  }
0x119: {  	v61 =	vand.u32 $0x7FFFFFFF, v59;
	v5 =	vadd.f32 v7, v5;
	vm0 =	vmand vm8, vm15  }
0x11a: {  	v22 =	vld.idx.msk [tilespmem:v56+s12+$0x0], $0xffff;
	v1 =	vadd.f32 v61, v16;
	vm13 =	vmor vm9, vm0;
	s19 =	spop (v2sf)  }
0x11b: {  	vm1 =	veq.s32 v4, v2;
	v19 =	vsel vm13, $0x7F800000, v5;
	s17 =	spop (v2sf)  }
0x11c: {  	v21 =	vsub.f32 v12, v28;
	v1 =	vadd.f32 v15, v1;
	vm9 =	vmand vm8, vm1;
	(xrf0) =	vmin.scan.msk.f32 $0xffff, v19;
	s15 =	smin.f32 s19, s17  }
0x11d: {  	vm14 =	vmor vm10, vm9;
	vm10 =	veq.f32 v54, s15;
	vm15 =	veq.f32 v0, s15  }
0x11e: {  	v1 =	vsel vm14, $0x7F800000, v1;
	v3 =	vmctz.xlane vm10;
	v25 =	vmctz.xlane vm15  }
0x11f: {  	v24 =	vand.u32 $0x7FFFFFFF, v21;
	v23 =	vsub.f32 v8, v28;
	vm9 =	vlt.f32 v22, $0.0e+00;
	(xrf0) =	vmin.scan.msk.f32 $0xffff, v1  }
0x120: {  	vm10 =	vgt.f32 v22, $0.0e+00;
	vm0 =	vlt.s32 v3, $0x10;
	v4 =	vadd.s32 $0x10, v25  }
0x121: {  	vm9 =	vmor vm10, vm9;
	v3 =	vsel vm0, v3, v4;
	v4 =	vmul.u32 $0x8, v34  }
0x122: {  	v26, _, _ =	vpop (xrf0);
	vm15 =	veq.s32 v3, v34;
	vm10 =	veq.s32 v3, v2;
	v3 =	vimm.s32 $0x190  }
0x123: {  	v6 =	vand.u32 $0x7FFFFFFF, v23;
	v0 =	vadd.f32 v24, v13;
	(v2sf) =	vpush v26, $0xF  }
0x124: {  	v28 =	vadd.f32 v6, v11;
	v7 =	vor.u32 $0x1, v4  }
0x125: {  	v27, _, _ =	vpop (xrf0);
	v0 =	vadd.f32 v20, v0;
	vm0 =	vmand vm9, vm15;
	v36 =	vor.u32 $0x81, v4  }
0x126: {  	(v2sf) =	vpush v27, $0xF;
	v45 =	vor.u32 $0x80, v4;
	vm12 =	vmor vm12, vm0  }
0x127: {  	s18 =	simm.s32 $0x15C0;
	v0 =	vsel vm12, $0x7F800000, v0;
	v35 =	vld.idx.msk [tilespmem:v3+s16+$0x0], $0xffff  }
0x128: {  	v29 =	vadd.f32 v14, v28;
	vm10 =	vmand vm9, vm10;
	(xrf0) =	vmin.scan.msk.f32 $0xffff, v0;
	v39 =	vld.idx.msk [tilespmem:v4+s18+$0x0], $0xffff  }
0x129: {  	vm11 =	vmor vm11, vm10;
	v33 =	vld.idx.msk [tilespmem:v7+s18+$0x0], $0xffff  }
0x12a: {  	v30 =	vsel vm11, $0x7F800000, v29;
	v41 =	vld.idx.msk [tilespmem:v36+s18+$0x0], $0xffff  }
0x12b: {  	(xrf0) =	vmin.scan.msk.f32 $0xffff, v30;
	v51 =	vld.idx.msk [tilespmem:v45+s18+$0x0], $0xffff;
	_ =	sdelay $0x2  }
0x12c: {  	v31, _, _ =	vpop (xrf0);
	vm1 =	vlt.f32 v35, $0.0e+00;
	v43 =	vand.u32 $0x7FFFFF, v39  }
0x12d: {  	v63 =	vshrl.u32 v39, $0x17;
	v11 =	vsub.f32 $1.000000000e+00, v39;
	(v2sf) =	vpush v31, $0xF  }
0x12e: {  	v40 =	vand.u32 $0x7FFFFF, v33;
	v46 =	vand.u32 $0x7FFFFF, v41;
	v57 =	vand.u32 $0x7FFFFF, v51  }
0x12f: {  	v32, _, _ =	vpop (xrf0);
	v61 =	vshrl.u32 v33, $0x17;
	v24 =	vand.u32 $0xFF, v63;
	v10 =	vsub.f32 $1.000000000e+00, v33  }
0x130: {  	s20 =	spop (v2sf);
	v27 =	vshrl.u32 v41, $0x17;
	v13 =	vsub.f32 $1.000000000e+00, v41;
	(v2sf) =	vpush v32, $0xF  }
0x131: {  	s23 =	simm.s32 $0x16C0;
	v12 =	vor.u32 $0x3F800000, v40;
	v48 =	vor.u32 $0x3F800000, v46;
	v21 =	vand.u32 $0xFF, v61  }
0x132: {  	v7 =	vld.idx.msk [tilespmem:v7+s23+$0x0], $0xffff;
	v24 =	vadd.s32 $0xFFFFFF81, v24;
	v20 =	vand.u32 $0xFF, v27;
	v11 =	vmul.f32 v11, v11  }
0x133: {  	s19 =	spop (v2sf);
	v32 =	vshrl.u32 v51, $0x17;
	v42 =	vmul.f32 $5.000000000e-01, v12;
	v15 =	vmul.f32 $5.000000000e-01, v48  }
0x134: {  	s17 =	smin.f32 s20, s19;
	v21 =	vadd.s32 $0xFFFFFF81, v21;
	v24 =	vcvt.s32.f32 v24;
	v28 =	vadd.s32 $0xFFFFFF81, v20  }
0x135: {  	v33 =	vld.idx.msk [tilespmem:v4+s23+$0x0], $0xffff;
	v10 =	vmul.f32 v10, v10;
	v13 =	vmul.f32 v13, v13;
	vm15 =	veq.f32 v19, s17  }
0x136: {  	vm10 =	veq.f32 v1, s17;
	v19 =	vor.u32 $0x3F800000, v57;
	v21 =	vcvt.s32.f32 v21  }
0x137: {  	v57 =	vshrl.u32 v7, $0x17;
	v37 =	vmctz.xlane vm15;
	v38 =	vmctz.xlane vm10  }
0x138: {  	vm15 =	vgt.f32 v35, $0.0e+00;
	v59 =	vmul.f32 $5.000000000e-01, v19;
	v35 =	vld.idx.msk [tilespmem:v36+s23+$0x0], $0xffff;
	v36 =	vand.u32 $0x7FFFFF, v7  }
0x139: {  	v7 =	vsub.f32 $1.000000000e+00, v7;
	vm10 =	vmor vm15, vm1;
	vm15 =	vgt.f32 v12, $1.414213540e+00  }
0x13a: {  	vm1 =	vgt.f32 v48, $1.414213540e+00;
	v5 =	vor.u32 $0x3F800000, v36;
	v40 =	vand.u32 $0x7FFFFF, v33  }
0x13b: {  	v61 =	vshrl.u32 v33, $0x17;
	vm0 =	vlt.s32 v37, $0x10;
	v9 =	vadd.s32 $0x10, v38  }
0x13c: {  	v8 =	vsel vm15, v42, v12;
	v14 =	vsel vm1, v15, v48;
	v39 =	vmul.f32 $5.000000000e-01, v5  }
0x13d: {  	v1 =	vsel vm0, v37, v9;
	v9 =	vor.u32 $0x3F800000, v43;
	v12 =	vadd.f32 $-1.000000000e+00, v8  }
0x13e: {  	v15 =	vor.u32 $0x3F800000, v40;
	v14 =	vadd.f32 $-1.000000000e+00, v14;
	v44 =	vmul.f32 $5.000000000e-01, v9  }
0x13f: {  	v7 =	vmul.f32 v7, v7;
	vm2 =	vgt.f32 v9, $1.414213540e+00;
	v47 =	vmul.f32 $1.144843550e-01, v12  }
0x140: {  	vm0 =	veq.s32 v1, v34;
	v53 =	vmul.f32 $1.144843550e-01, v14;
	v9 =	vsel vm2, v44, v9  }
0x141: {  	v8 =	vld.idx.msk [tilespmem:v45+s23+$0x0], $0xffff;
	vm0 =	vmand vm10, vm0;
	v9 =	vadd.f32 $-1.000000000e+00, v9;
	v49 =	vadd.f32 $-1.862769720e-01, v47  }
0x142: {  	v37 =	vsub.f32 $1.000000000e+00, v51;
	vm13 =	vmor vm13, vm0;
	v18 =	vadd.f32 $-1.862769720e-01, v53  }
0x143: {  	vm0 =	veq.s32 v1, v2;
	v50 =	vmul.f32 $1.144843550e-01, v9;
	v1 =	vmul.f32 v49, v12  }
0x144: {  	v42 =	vmul.f32 $5.000000000e-01, v15;
	v41 =	vand.u32 $0x7FFFFF, v35;
	v18 =	vmul.f32 v18, v14;
	s21 =	spop (v2sf)  }
0x145: {  	vm0 =	vmand vm10, vm0;
	v16 =	vadd.f32 $-1.862769720e-01, v50;
	v1 =	vadd.f32 $2.061178540e-01, v1;
	s22 =	spop (v2sf)  }
0x146: {  	vm14 =	vmor vm14, vm0;
	v47 =	vand.u32 $0x7FFFFF, v8;
	v18 =	vadd.f32 $2.061178540e-01, v18;
	s16 =	smin.f32 s21, s22  }
0x147: {  	v16 =	vmul.f32 v16, v9;
	v54 =	vmul.f32 v1, v12;
	vm0 =	veq.f32 v30, s16  }
0x148: {  	v3 =	vld.idx.msk [tilespmem:v3+s12+$0x0], $0xffff;
	v18 =	vmul.f32 v18, v14;
	v6 =	vmctz.xlane vm0;
	vm0 =	veq.f32 v0, s16  }
0x149: {  	v0 =	vimm.f32 $0.0e+00;
	v16 =	vadd.f32 $2.061178540e-01, v16;
	v56 =	vadd.f32 $-2.491120990e-01, v54  }
0x14a: {  	v18 =	vadd.f32 $-2.491120990e-01, v18;
	v60 =	vsel vm1, $0x3F800000, v0;
	vm1 =	vgt.f32 v19, $1.414213540e+00  }
0x14b: {  	v52 =	vmctz.xlane vm0;
	v55 =	vsel vm15, $0x3F800000, v0;
	v19 =	vsel vm1, v59, v19  }
0x14c: {  	v58 =	vsel vm2, $0x3F800000, v0;
	v16 =	vmul.f32 v16, v9;
	v19 =	vadd.f32 $-1.000000000e+00, v19  }
0x14d: {  	vm2 =	vgt.f32 v3, $0.0e+00;
	v6 =	vadd.s32 $0x10, v6;
	v17 =	vmul.f32 v56, v12  }
0x14e: {  	v18 =	vmul.f32 v18, v14;
	v16 =	vadd.f32 $-2.491120990e-01, v16;
	v62 =	vmul.f32 $1.144843550e-01, v19  }
0x14f: {  	v26 =	vadd.f32 v24, v58;
	v38 =	vsel vm1, $0x3F800000, v0;
	v17 =	vadd.f32 $3.330481350e-01, v17  }
0x150: {  	vm1 =	vgt.f32 v15, $1.414213540e+00;
	v16 =	vmul.f32 v16, v9;
	v23 =	vadd.f32 $-1.862769720e-01, v62  }
0x151: {  	vm0 =	vlt.s32 v52, $0x10;
	v15 =	vsel vm1, v42, v15;
	v17 =	vmul.f32 v17, v12  }
0x152: {  	v18 =	vadd.f32 $3.330481350e-01, v18;
	v16 =	vadd.f32 $3.330481350e-01, v16;
	v23 =	vmul.f32 v23, v19  }
0x153: {  	v1 =	vsel vm0, v52, v6;
	v6 =	vadd.f32 v21, v55;
	v17 =	vadd.f32 $-5.000129340e-01, v17  }
0x154: {  	vm0 =	vgt.f32 v5, $1.414213540e+00;
	v16 =	vmul.f32 v16, v9;
	v25 =	vadd.f32 $2.061178540e-01, v23  }
0x155: {  	v15 =	vadd.f32 $-1.000000000e+00, v15;
	v18 =	vmul.f32 v18, v14;
	v17 =	vmul.f32 v17, v12  }
0x156: {  	v55 =	vsel vm1, $0x3F800000, v0;
	v16 =	vadd.f32 $-5.000129340e-01, v16;
	v21 =	vmul.f32 v25, v19  }
0x157: {  	v5 =	vsel vm0, v39, v5;
	v18 =	vadd.f32 $-5.000129340e-01, v18;
	v17 =	vadd.f32 $1.000003100e+00, v17  }
0x158: {  	v6 =	vmul.f32 $6.931471820e-01, v6;
	v16 =	vmul.f32 v16, v9;
	v29 =	vadd.f32 $-2.491120990e-01, v21  }
0x159: {  	v54 =	vsel vm0, $0x3F800000, v0;
	v18 =	vmul.f32 v18, v14;
	v12 =	vmul.f32 v17, v12  }
0x15a: {  	v5 =	vadd.f32 $-1.000000000e+00, v5;
	v16 =	vadd.f32 $1.000003100e+00, v16;
	v20 =	vmul.f32 v29, v19  }
0x15b: {  	v48 =	vmul.f32 $1.144843550e-01, v15;
	v18 =	vadd.f32 $1.000003100e+00, v18;
	v12 =	vadd.f32 $3.342326950e-08, v12  }
0x15c: {  	v9 =	vmul.f32 v16, v9;
	v16 =	vcvt.s32.f32 v28;
	v30 =	vadd.f32 $3.330481350e-01, v20  }
0x15d: {  	v62 =	vshrl.u32 v35, $0x17;
	v14 =	vmul.f32 v18, v14;
	v6 =	vadd.f32 v12, v6  }
0x15e: {  	v43 =	vmul.f32 $1.144843550e-01, v5;
	v16 =	vadd.f32 v16, v60;
	v31 =	vmul.f32 v30, v19  }
0x15f: {  	v51 =	vadd.f32 $-1.862769720e-01, v48;
	v14 =	vadd.f32 $3.342326950e-08, v14;
	v6 =	vmul.f32 v6, v10  }
0x160: {  	v10 =	vand.u32 $0xFF, v32;
	v16 =	vmul.f32 $6.931471820e-01, v16;
	v12 =	vadd.f32 $-5.000129340e-01, v31  }
0x161: {  	v17 =	vmul.f32 $6.931471820e-01, v26;
	v9 =	vadd.f32 $3.342326950e-08, v9;
	v10 =	vadd.s32 $0xFFFFFF81, v10  }
0x162: {  	v14 =	vadd.f32 v14, v16;
	v16 =	vor.u32 $0x3F800000, v41;
	v12 =	vmul.f32 v12, v19  }
0x163: {  	v9 =	vadd.f32 v9, v17;
	v10 =	vcvt.s32.f32 v10;
	v44 =	vmul.f32 $5.000000000e-01, v16  }
0x164: {  	v22 =	vand.u32 $0xFF, v62;
	vm15 =	vgt.f32 v16, $1.414213540e+00;
	v12 =	vadd.f32 $1.000003100e+00, v12  }
0x165: {  	v11 =	vmul.f32 v9, v11;
	v10 =	vadd.f32 v10, v38;
	v16 =	vsel vm15, v44, v16  }
0x166: {  	v46 =	vadd.f32 $-1.000000000e+00, v16;
	v16 =	vor.u32 $0x3F800000, v47;
	v12 =	vmul.f32 v12, v19  }
0x167: {  	v22 =	vadd.s32 $0xFFFFFF81, v22;
	v10 =	vmul.f32 $6.931471820e-01, v10;
	v50 =	vmul.f32 $5.000000000e-01, v16  }
0x168: {  	v6 =	vsel vm13, v6, v11;
	vm13 =	vgt.f32 v16, $1.414213540e+00;
	v12 =	vadd.f32 $3.342326950e-08, v12  }
0x169: {  	v52 =	vmul.f32 v51, v15;
	v13 =	vmul.f32 v14, v13;
	v16 =	vsel vm13, v50, v16  }
0x16a: {  	v14 =	vmul.f32 v37, v37;
	v53 =	vadd.f32 $-1.000000000e+00, v16;
	v10 =	vadd.f32 v12, v10  }
0x16b: {  	v45 =	vadd.f32 $-1.862769720e-01, v43;
	v63 =	vcvt.s32.f32 v22;
	v49 =	vmul.f32 $1.144843550e-01, v46  }
0x16c: {  	vm0 =	vlt.f32 v3, $0.0e+00;
	v56 =	vmul.f32 $1.144843550e-01, v53;
	v10 =	vmul.f32 v10, v14  }
0x16d: {  	v23 =	vshrl.u32 v8, $0x17;
	v17 =	vmul.f32 v45, v5;
	v11 =	vadd.f32 $-1.862769720e-01, v49  }
0x16e: {  	v19 =	vadd.f32 $-1.862769720e-01, v56;
	v10 =	vsel vm14, v13, v10;
	v13 =	vadd.f32 $2.061178540e-01, v52  }
0x16f: {  	v25 =	vsub.f32 $1.000000000e+00, v35;
	v20 =	vand.u32 $0xFF, v57;
	v11 =	vmul.f32 v11, v46  }
0x170: {  	v17 =	vadd.f32 $2.061178540e-01, v17;
	v19 =	vmul.f32 v19, v53;
	v13 =	vmul.f32 v13, v15  }
0x171: {  	v26 =	vsub.f32 $1.000000000e+00, v8;
	v20 =	vadd.s32 $0xFFFFFF81, v20;
	v11 =	vadd.f32 $2.061178540e-01, v11  }
0x172: {  	v17 =	vmul.f32 v17, v5;
	v19 =	vadd.f32 $2.061178540e-01, v19;
	v13 =	vadd.f32 $-2.491120990e-01, v13  }
0x173: {  	v20 =	vcvt.s32.f32 v20;
	v9 =	vsub.f32 $1.000000000e+00, v33;
	v11 =	vmul.f32 v11, v46  }
0x174: {  	v17 =	vadd.f32 $-2.491120990e-01, v17;
	v19 =	vmul.f32 v19, v53;
	v13 =	vmul.f32 v13, v15  }
0x175: {  	v58 =	vsel vm15, $0x3F800000, v0;
	v28 =	vmul.f32 v9, v9;
	v11 =	vadd.f32 $-2.491120990e-01, v11  }
0x176: {  	v17 =	vmul.f32 v17, v5;
	v19 =	vadd.f32 $-2.491120990e-01, v19;
	v13 =	vadd.f32 $3.330481350e-01, v13  }
0x177: {  	vm15 =	veq.s32 v1, v2;
	v2 =	vmul.f32 v26, v26;
	v11 =	vmul.f32 v11, v46  }
0x178: {  	v17 =	vadd.f32 $3.330481350e-01, v17;
	v19 =	vmul.f32 v19, v53;
	v13 =	vmul.f32 v13, v15  }
0x179: {  	v60 =	vsel vm13, $0x3F800000, v0;
	v16 =	vadd.f32 v20, v54;
	v11 =	vadd.f32 $3.330481350e-01, v11  }
0x17a: {  	vm13 =	vmor vm2, vm0;
	v19 =	vadd.f32 $3.330481350e-01, v19;
	v13 =	vadd.f32 $-5.000129340e-01, v13  }
0x17b: {  	v20 =	vand.u32 $0xFF, v61;
	v59 =	vmul.f32 v17, v5;
	v11 =	vmul.f32 v11, v46  }
0x17c: {  	vm0 =	vmand vm13, vm15;
	v19 =	vmul.f32 v19, v53;
	v13 =	vmul.f32 v13, v15  }
0x17d: {  	v20 =	vadd.s32 $0xFFFFFF81, v20;
	v3 =	vadd.f32 $-5.000129340e-01, v59;
	v11 =	vadd.f32 $-5.000129340e-01, v11  }
0x17e: {  	v20 =	vcvt.s32.f32 v20;
	v22 =	vadd.f32 $-5.000129340e-01, v19;
	v13 =	vadd.f32 $1.000003100e+00, v13  }
0x17f: {  	v12 =	vand.u32 $0xFF, v23;
	v3 =	vmul.f32 v3, v5;
	v11 =	vmul.f32 v11, v46  }
0x180: {  	v12 =	vadd.s32 $0xFFFFFF81, v12;
	v13 =	vmul.f32 v13, v15;
	v15 =	vmul.f32 v22, v53  }
0x181: {  	v12 =	vcvt.s32.f32 v12;
	v18 =	vadd.f32 v20, v55;
	v3 =	vadd.f32 $1.000003100e+00, v3  }
0x182: {  	v16 =	vmul.f32 $6.931471820e-01, v16;
	v11 =	vadd.f32 $1.000003100e+00, v11;
	v15 =	vadd.f32 $1.000003100e+00, v15  }
0x183: {  	v12 =	vadd.f32 v12, v60;
	v18 =	vmul.f32 $6.931471820e-01, v18;
	v3 =	vmul.f32 v3, v5  }
0x184: {  	v5 =	vadd.f32 v63, v58;
	v11 =	vmul.f32 v11, v46;
	v14 =	vmul.f32 v15, v53  }
0x185: {  	v12 =	vmul.f32 $6.931471820e-01, v12;
	v3 =	vadd.f32 $3.342326950e-08, v3;
	v13 =	vadd.f32 $3.342326950e-08, v13  }
0x186: {  	v5 =	vmul.f32 $6.931471820e-01, v5;
	v11 =	vadd.f32 $3.342326950e-08, v11;
	v24 =	vadd.f32 $3.342326950e-08, v14  }
0x187: {  	vm14 =	veq.s32 v1, v34;
	v3 =	vadd.f32 v3, v16;
	v13 =	vadd.f32 v13, v18  }
0x188: {  	v1 =	vmul.f32 v25, v25;
	v5 =	vadd.f32 v11, v5;
	v27 =	vadd.f32 v24, v12  }
0x189: {  	(xrf2) =	vadd.scan.msk.f32 $0xffff, v6;
	vm14 =	vmand vm13, vm14;
	v3 =	vmul.f32 v3, v7;
	v29 =	vmul.f32 v13, v28  }
0x18a: {  	(xrf2) =	vadd.scan.msk.f32 $0xffff, v10;
	vm1 =	vmor vm12, vm14;
	v1 =	vmul.f32 v5, v1;
	v2 =	vmul.f32 v27, v2  }
0x18b: {  	vm0 =	vmor vm11, vm0;
	v3 =	vsel vm1, v3, v29  }
0x18c: {  	(xrf2) =	vadd.scan.msk.f32 $0xffff, v3;
	v1 =	vsel vm0, v1, v2  }
0x18d: {  	(xrf2) =	vadd.scan.msk.f32 $0xffff, v1;
	_ =	sdelay $0x4  }
0x18e: {  	v39 =	vmov s13;
	v48 =	vsel vm4, $0x3F800000, v0;
	v51 =	vmov s5  }
0x18f: {  	v40 =	vld [tilespmem:$0x1FF10];
	v35 =	vmov s10;
	v57 =	vsel vm9, $0x3F800000, v0;
	v38 =	vmov s11;
	v31, _, _ =	vpop (xrf2)  }
0x190: {  	v42 =	vld [tilespmem:$0x1FF20];
	v32 =	vmov s8;
	v4 =	vmul.f32 $1.109722230e+01, v38;
	(v2sf) =	vpush v31, $0xF;
	v33, _, _ =	vpop (xrf2)  }
0x191: {  	v30 =	vmov s7;
	v6 =	vmul.f32 $1.109722230e+01, v35;
	(v2sf) =	vpush v33, $0xF  }
0x192: {  	v36 =	vmul.f32 $1.109722230e+01, v32;
	v44 =	vld [tilespmem:$0x1FF30];
	v4 =	vnsel vm4, $0x0, v4;
	v47 =	vmov s14;
	v37, _, _ =	vpop (xrf2)  }
0x193: {  	v6 =	vnsel vm3, $0x0, v6;
	v50 =	vsel vm5, $0x3F800000, v0;
	(v2sf) =	vpush v37, $0xF;
	v41, _, _ =	vpop (xrf2)  }
0x194: {  	vm15 =	vnez.u8 v40;
	v49 =	vmov s6;
	(v2sf) =	vpush v41, $0xF  }
0x195: {  	v54 =	vsel vm7, $0x3F800000, v0;
	v8 =	vsel vm15, $0x3F800000, v0;
	vm11 =	vnez.u8 v42  }
0x196: {  	v43 =	vsel vm11, $0x3F800000, v0;
	v55 =	vmov s17;
	v56 =	vsel vm8, $0x3F800000, v0  }
0x197: {  	v59 =	vsel vm10, $0x3F800000, v0;
	v34 =	vmov s9;
	vm12 =	vnez.u8 v44  }
0x198: {  	v52 =	vsel vm6, $0x3F800000, v0;
	v45 =	vsel vm12, $0x3F800000, v0;
	v1 =	vmul.f32 $1.109722230e+01, v30  }
0x199: {  	v7 =	vmul.f32 $1.109722230e+01, v39;
	v5 =	vmul.f32 $1.109722230e+01, v34;
	v3 =	vadd.f32 v43, v8  }
0x19a: {  	v58 =	vmov s16;
	v2 =	vadd.f32 $0.0e+00, v36;
	v1 =	vadd.f32 $0.0e+00, v1  }
0x19b: {  	v7 =	vnsel vm5, $0x0, v7;
	v46 =	vsel vm3, $0x3F800000, v0;
	v5 =	vnsel vm11, $0x0, v5  }
0x19c: {  	v3 =	vadd.f32 v48, v3;
	v2 =	vnsel vm12, $0x0, v2;
	v1 =	vnsel vm15, $0x0, v1  }
0x19d: {  	v53 =	vmov s15;
	v2 =	vadd.f32 v6, v2;
	v1 =	vadd.f32 v5, v1  }
0x19e: {  	v3 =	vadd.f32 v52, v3;
	v6 =	vmul.f32 $1.109722230e+01, v47;
	v5 =	vadd.f32 v46, v45  }
0x19f: {  	s24 =	spop (v2sf);
	v2 =	vadd.f32 v7, v2;
	v7 =	vmul.f32 $1.109722230e+01, v51;
	v1 =	vadd.f32 v4, v1  }
0x1a0: {  	s25 =	spop (v2sf);
	v6 =	vnsel vm6, $0x0, v6;
	v5 =	vadd.f32 v50, v5;
	v4 =	vmul.f32 $1.109722230e+01, v49  }
0x1a1: {  	s5 =	sadd.f32 s25, s24;
	v3 =	vadd.f32 v56, v3;
	v7 =	vnsel vm8, $0x0, v7;
	v1 =	vadd.f32 v6, v1  }
0x1a2: {  	v4 =	vnsel vm7, $0x0, v4;
	v5 =	vadd.f32 v54, v5;
	v6 =	vmul.f32 $1.109722230e+01, v53;
	s26 =	spop (v2sf)  }
0x1a3: {  	s5 =	ssub.f32 $0.0e+00, s5;
	v2 =	vadd.f32 v4, v2;
	v4 =	vmul.f32 $1.109722230e+01, v55;
	v1 =	vadd.f32 v7, v1;
	s28 =	spop (v2sf)  }
0x1a4: {  	v6 =	vnsel vm9, $0x0, v6;
	v5 =	vadd.f32 v57, v5;
	v7 =	vmul.f32 $1.109722230e+01, v58;
	s6 =	sadd.f32 s28, s26  }
0x1a5: {  	v0 =	vsel vm13, $0x3F800000, v0;
	s5 =	smul.f32 $3.125000000e-02, s5;
	v3 =	vadd.f32 v59, v3;
	v2 =	vadd.f32 v6, v2  }
0x1a6: {  	v4 =	vnsel vm10, $0x0, v4;
	v0 =	vadd.f32 v0, v5;
	v60 =	vnsel vm13, $0x0, v7;
	s6 =	ssub.f32 $0.0e+00, s6  }
0x1a7: {  	v61 =	vmov s5;
	v1 =	vadd.f32 v4, v1;
	v2 =	vadd.f32 v60, v2  }
0x1a8: {  	v62 =	vadd.f32 $0.0e+00, v61;
	v0 =	vadd.f32 v0, v3;
	s29 =	smul.f32 $3.125000000e-02, s6  }
0x1a9: {  	vm13 =	vcmask $0x3F0C;
	v1 =	vadd.f32 v2, v1  }
0x1aa: {  	vm14 =	vcmask $0x3F08;
	v0 =	vsel vm13, $0x0, v0;
	v63 =	vadd.f32 s29, v62  }
0x1ab: {  	vm15 =	vmmov $0x1;
	v0 =	vsel vm14, v0, v1  }
0x1ac: {  	s4 =	sshrl.u32 s4, $0x2;
	v0 =	vsel vm15, v63, v0  }
0x1ad: {  	s4 =	sadd.s32 s4, s2;
	s30 =	simm.s32 $0x17C0;
	s31 =	simm.s32 $0x7;
	[tilespmem:$0x17C0] =	vst v0  }
0x1ae: {  	[spmem:s4] =	stream.linear.scatter [tilespmem:s30], [sflag:$0x7], $0x10, $0x38;
	[tilespmem:$0x18F0] =	vst v63  }
0x1af: {  	_ =	swait.ge [sflag:s31], $0x10  }
0x1b0: {  	[sflag:s31] =	ssyncset.done $0x0  }
0x1b1: {  	[sflag:s31] =	ssyncadd.s32 $0xFFFFFFF0  }
0x1b2: {  	p0 =	sne.s32 s3, $0x0;
	[bflag:$0x0] =	sbarrier.arrive $0xFFFF  }
0x1b3: {  	_ =	sfence.sel @p0 $0x180000  }
0x1b4: {  	[bflag:$0x0] =	sbarrier.arrive @p0 $0xFFFF  }
0x1b5: {  	_ =	strace @p0 $0x90000047  }
0x1b6: {  	s3 =	simm.s32 @!p0 $0x17E0;
	[bflag:$0x2] =	sbarrier.arrive @p0 $0xFFFF  }
0x1b7: {  	[tilespmem:s3], [sflag:$0x7] =	stream.linear.gather @!p0 [spmem:s2], $0x100, $0x38;
	[tilespmem:$0x18F0] =	vst v63  }
0x1b8: {  	s2 =	simm.s32 @!p0 $0x7  }
0x1b9: {  	_ =	swait.ge @!p0 [sflag:s2], $0x100  }
0x1ba: {  	[sflag:s2] =	ssyncset.done @!p0 $0x0  }
0x1bb: {  	[sflag:s2] =	ssyncadd.s32 @!p0 $0xFFFFFF00  }
0x1bc: {  	v0 =	vld @!p0 [tilespmem:$0x17E0]  }
0x1bd: {  	v1 =	vld @!p0 [tilespmem:$0x17F0];
	_ =	sdelay $0x1  }
0x1be: {  	v2 =	vld @!p0 [tilespmem:$0x1800];
	_ =	sdelay $0x1  }
0x1bf: {  	v3 =	vld @!p0 [tilespmem:$0x1810]  }
0x1c0: {  	v0 =	vadd.f32 @!p0 v1, v0  }
0x1c1: {  	v1 =	vld @!p0 [tilespmem:$0x1820]  }
0x1c2: {  	v0 =	vadd.f32 @!p0 v2, v0  }
0x1c3: {  	v2 =	vld @!p0 [tilespmem:$0x1830]  }
0x1c4: {  	v0 =	vadd.f32 @!p0 v3, v0  }
0x1c5: {  	v3 =	vld @!p0 [tilespmem:$0x1840]  }
0x1c6: {  	v0 =	vadd.f32 @!p0 v1, v0  }
0x1c7: {  	v1 =	vld @!p0 [tilespmem:$0x1850]  }
0x1c8: {  	v0 =	vadd.f32 @!p0 v2, v0  }
0x1c9: {  	v2 =	vld @!p0 [tilespmem:$0x1860]  }
0x1ca: {  	v0 =	vadd.f32 @!p0 v3, v0  }
0x1cb: {  	v3 =	vld @!p0 [tilespmem:$0x1870]  }
0x1cc: {  	v0 =	vadd.f32 @!p0 v1, v0  }
0x1cd: {  	v1 =	vld @!p0 [tilespmem:$0x1880]  }
0x1ce: {  	v0 =	vadd.f32 @!p0 v2, v0  }
0x1cf: {  	v2 =	vld @!p0 [tilespmem:$0x1890]  }
0x1d0: {  	v0 =	vadd.f32 @!p0 v3, v0  }
0x1d1: {  	v3 =	vld @!p0 [tilespmem:$0x18A0]  }
0x1d2: {  	v0 =	vadd.f32 @!p0 v1, v0  }
0x1d3: {  	v1 =	vld @!p0 [tilespmem:$0x18B0]  }
0x1d4: {  	v0 =	vadd.f32 @!p0 v2, v0  }
0x1d5: {  	v2 =	vld @!p0 [tilespmem:$0x18C0]  }
0x1d6: {  	v0 =	vadd.f32 @!p0 v3, v0  }
0x1d7: {  	v3 =	vld @!p0 [tilespmem:$0x18D0]  }
0x1d8: {  	v0 =	vadd.f32 @!p0 v1, v0;
	_ =	sdelay $0x1  }
0x1d9: {  	v0 =	vadd.f32 @!p0 v2, v0;
	_ =	sdelay $0x1  }
0x1da: {  	v0 =	vadd.f32 @!p0 v3, v0;
	_ =	sdelay $0x1  }
0x1db: {  	v1 =	vadd.f32 @!p0 $9.999999970e-07, v0;
	_ =	sdelay $0x1  }
0x1dc: {  	v1 =	vbroadcast @!p0 v1, $0x2;
	_ =	sdelay $0x1  }
0x1dd: {  	(erf) = vrcp.f32 @!p0 v1;
	_ =	sdelay $0x5  }
0x1de: {  	v1 =	vmul.f32 @!p0 $4.000000060e-01, v0;
	_ =	sdelay $0x1  }
0x1df: {  	v0 =	vmul.f32 @!p0 $3.125000000e-02, v0;
	v1 =	vbroadcast @!p0 v1, $0x1  }
0x1e0: {  	v2 =	vpop @!p0 (erf)  }
0x1e1: {  	v0 =	vbroadcast @!p0 v0, $0x0;
	v1 =	vmul.f32 @!p0 v2, v1;
	_ =	sdelay $0x1  }
0x1e2: {  	v0 =	vadd.f32 @!p0 v1, v0;
	_ =	sdelay $0x1  }
0x1e3: {  	s4 =	simm.s32 @!p0 $0x18E0;
	s3 =	simm.s32 @!p0 $0x0;
	[tilespmem:$0x18E0] =	vst @!p0 v0  }
0x1e4: {  	[hbm4b:s1+s3] =	stream.linear.scatter @!p0 [tilespmem:s4], [sflag:$0x7], $0x10, $0x38;
	[tilespmem:$0x18F0] =	vst v63  }
0x1e5: {  	_ =	swait.ge @!p0 [sflag:s2], $0x10  }
0x1e6: {  	[sflag:s2] =	ssyncset.done @!p0 $0x0  }
0x1e7: {  	[sflag:s2] =	ssyncadd.s32 @!p0 $0xFFFFFFF0  }
0x1e8: {  	_ =	sfence.sel @!p0 $0x180000  }
0x1e9: {  	[bflag:$0x0] =	sbarrier.arrive @!p0 $0xFFFF  }
0x1ea: {  	_ =	strace @!p0 $0x90000047  }
0x1eb: {  	s0 =	sadd.s32 @!p0 $0x100000, s0;
	[bflag:$0x2] =	sbarrier.arrive @!p0 $0xFFFF  }
0x1ec: {  	[sflag:s0] =	ssyncadd.tile.s32 @!p0 $0x1;
	_ =	shalt  }
.Lfunc_end2:
_tile_overlayer_lowered:
.L_overlay_start_2:
0x1ed: {  	(tag) =	ssettag $0x2  }
0x1ee: {  	s0 =	rddreg [dreg:$0x0];
	s2 =	stileid.u32  }
0x1ef: {  	s1 =	rddreg [dreg:$0x1];
	p0 =	sne.s32 s2, $0x0  }
0x1f0: {  	s3 =	rddreg [dreg:$0x2];
	[bflag:$0x3] =	sbarrier.arrive $0xFFFF;
	s2 =	simm.s32 @!p0 $0x1C07  }
0x1f1: {  	[timem:s3], [sflag:s2] =	dma.local @!p0 [hbm:s0], s1  }
0x1f2: {  	s0 =	simm.s32 @!p0 $0x7  }
0x1f3: {  	_ =	swait.ge @!p0 [sflag:s0], s1  }
0x1f4: {  	s1 =	ssub.s32 @!p0 $0x0, s1;
	[sflag:s0] =	ssyncset.done @!p0 $0x0  }
0x1f5: {  	[sflag:s0] =	ssyncadd.s32 @!p0 s1  }
0x1f6: {  	[bflag:$0x3] =	sbarrier.arrive $0xFFFF  }
0x1f7: {  	_ =	shalt  }

</sc_bundles>
